<compile_context>
chip_gen: v7x
topology: tpu7x:2x2x1
jax: 0.10.2.dev20260603
libtpu: 0.0.44.dev20260713+nightly
codegen_flags: <defaults>
</compile_context>

<pallas_src>
import functools

import jax
import jax.numpy as jnp
from jax import lax
from jax.experimental import pallas as pl
from jax.experimental.pallas import tpu as pltpu
from jax.experimental.pallas import tpu_sc as plsc

NC, NS = 2, 16
NW = NC * NS
LANES = 16


def _round_up(n, m):
    return (n + m - 1) // m * m


def _sc_mesh():
    return plsc.VectorSubcoreMesh(
        core_axis_name="c", subcore_axis_name="s",
        num_cores=NC, num_subcores=NS)


def _make_deg_kernel(E, N):
    CH = 128
    epw = (E // CH // NW) * CH
    nextra = E // CH - (epw // CH) * NW
    ngroups = epw // LANES

    @functools.partial(
        pl.kernel,
        out_type=jax.ShapeDtypeStruct((NW * N,), jnp.float32),
        mesh=_sc_mesh(),
        compiler_params=pltpu.CompilerParams(needs_layout_passes=False),
        scratch_types=[
            pltpu.VMEM((2, epw), jnp.int32),
            pltpu.VMEM((N,), jnp.float32),
        ],
    )
    def deg_kernel(ei_hbm, out_hbm, ei_v, deg_v):
        c = lax.axis_index("c")
        s = lax.axis_index("s")
        wid = c * NS + s

        def zero_body(i, _):
            deg_v[pl.ds(i * LANES, LANES)] = jnp.zeros((LANES,), jnp.float32)
            return _

        lax.fori_loop(0, N // LANES, zero_body, None)

        pltpu.sync_copy(ei_hbm.at[:, pl.ds(wid * epw, epw)], ei_v)
        ones = jnp.ones((LANES,), jnp.float32)

        def body(g, _):
            idx = ei_v[1, pl.ds(g * LANES, LANES)]
            plsc.addupdate_scatter(deg_v, [idx], ones)
            return _

        lax.fori_loop(0, ngroups, body, None)

        if nextra:
            @pl.when(wid < nextra)
            def _():
                pltpu.sync_copy(
                    ei_hbm.at[:, pl.ds(NW * epw + wid * CH, CH)],
                    ei_v.at[:, pl.ds(0, CH)])
                lax.fori_loop(0, CH // LANES, body, None)

        pltpu.sync_copy(deg_v, out_hbm.at[pl.ds(wid * N, N)])

    return deg_kernel


def _make_agg_kernel(E, N, D):
    CH = 128
    nchunks = E // CH
    nfull = nchunks // NW
    nextra = nchunks - nfull * NW
    npad = _round_up(N, NS * 8)
    rpw = npad // NS

    @functools.partial(
        pl.kernel,
        out_type=jax.ShapeDtypeStruct((NC, npad, D), jnp.float32),
        mesh=_sc_mesh(),
        scratch_types=(
            [pltpu.VMEM((2, CH), jnp.int32)] * 3
            + [pltpu.VMEM((CH, D), jnp.float32)] * 3
            + [pltpu.VMEM_SHARED((npad, D), jnp.float32)]
            + [pltpu.SemaphoreType.DMA] * 9
        ),
    )
    def agg_kernel(ei_hbm, zeros_hbm, hs_hbm, out_hbm,
                   ib0, ib1, ib2, rb0, rb1, rb2, acc,
                   si0, si1, si2, sg0, sg1, sg2, ss0, ss1, ss2):
        idx = (ib0, ib1, ib2)
        rows = (rb0, rb1, rb2)
        sem_i = (si0, si1, si2)
        sem_g = (sg0, sg1, sg2)
        sem_s = (ss0, ss1, ss2)
        c = lax.axis_index("c")
        s = lax.axis_index("s")
        w = c * NS + s

        def ei_slice(g):
            return ei_hbm.at[:, pl.ds((g * NW + w) * CH, CH)]

        def idx_start(b, g):
            pltpu.async_copy(ei_slice(g), idx[b], sem_i[b])

        def idx_wait(b, g):
            pltpu.make_async_copy(ei_slice(g), idx[b], sem_i[b]).wait()

        H = CH // 2

        def gather_start(b):
            pltpu.async_copy(hs_hbm.at[idx[b].at[0, pl.ds(0, H)]],
                             rows[b].at[pl.ds(0, H)], sem_g[b])
            pltpu.async_copy(hs_hbm.at[idx[b].at[0, pl.ds(H, H)]],
                             rows[b].at[pl.ds(H, H)], sem_g[b])

        def gather_wait(b):
            pltpu.make_async_copy(hs_hbm.at[idx[b].at[0, pl.ds(0, H)]],
                                  rows[b].at[pl.ds(0, H)], sem_g[b]).wait()
            pltpu.make_async_copy(hs_hbm.at[idx[b].at[0, pl.ds(H, H)]],
                                  rows[b].at[pl.ds(H, H)], sem_g[b]).wait()

        def scatter_start(b):
            pltpu.async_copy(rows[b], acc.at[idx[b].at[1]], sem_s[b],
                             add=True)

        def scatter_wait(b):
            pltpu.make_async_copy(rows[b], acc.at[idx[b].at[1]],
                                  sem_s[b]).wait()

        pltpu.sync_copy(zeros_hbm, acc.at[pl.ds(s * rpw, rpw)])
        plsc.subcore_barrier()

        pltpu.sync_copy(ei_slice(0), idx[0])
        gather_start(0)
        if nfull > 1:
            idx_start(1, 1)

        def slot(g, b, b1, b2):
            @pl.when(g + 1 < nfull)
            def _():
                idx_wait(b1, g + 1)

            @pl.when(g >= 1)
            def _():
                scatter_wait(b2)

            @pl.when(g + 1 < nfull)
            def _():
                gather_start(b1)

            @pl.when(g + 2 < nfull)
            def _():
                idx_start(b2, g + 2)

            gather_wait(b)
            scatter_start(b)

        def body(i, carry):
            g = 3 * i
            slot(g, 0, 1, 2)
            slot(g + 1, 1, 2, 0)
            slot(g + 2, 2, 0, 1)
            return carry

        lax.fori_loop(0, nfull // 3, body, None)
        scatter_wait((nfull - 1) % 3)

        if nextra:
            @pl.when(w < nextra)
            def _():
                pltpu.sync_copy(ei_slice(nfull), idx[0])
                gather_start(0)
                gather_wait(0)
                scatter_start(0)
                scatter_wait(0)

        plsc.subcore_barrier()
        pltpu.sync_copy(acc.at[pl.ds(s * rpw, rpw)],
                        out_hbm.at[c, pl.ds(s * rpw, rpw)])

    return agg_kernel


def _tc1(x_ref, w_ref, p_ref, hs0_ref, dis_ref):
    p = p_ref[...]
    ones = jnp.ones((p.shape[0], 1), jnp.float32)
    deg = lax.dot_general(p, ones, (((0,), (0,)), ((), ()))) + 1.0
    dis = lax.rsqrt(deg)
    dis_ref[...] = dis
    hs0_ref[...] = jnp.dot(x_ref[...], w_ref[...],
                           preferred_element_type=jnp.float32) * dis


def _tc2(p_ref, hs0_ref, dis_ref, b_ref, out_ref):
    dis = dis_ref[...]
    n = hs0_ref.shape[0]
    agg = p_ref[0, :n] + p_ref[1, :n] + hs0_ref[...]
    h = jnp.maximum(agg * dis + b_ref[...], 0.0)
    out_ref[...] = h * dis


def _tc3(p_ref, hsc_ref, dis_ref, w_ref, b_ref, mu_ref, lv_ref):
    n = hsc_ref.shape[0]
    dout = mu_ref.shape[0]
    g = (p_ref[0, :n] + p_ref[1, :n] + hsc_ref[...]) * dis_ref[...]
    out = lax.dot_general(w_ref[...], g, (((0,), (1,)), ((), ()))) + b_ref[...]
    mu_ref[...] = out[:dout, :]
    lv_ref[...] = out[dout:, :]


def kernel(x, edge_index, W1, b1, W_mu, b_mu, W_lv, b_lv):
    N, _ = x.shape
    E = edge_index.shape[1]
    D = W1.shape[1]
    Dout = W_mu.shape[1]

    npad = _round_up(N, NS * 8)
    deg_p = _make_deg_kernel(E, N)(edge_index).reshape(NW, N)

    hs0, dis = pl.pallas_call(
        _tc1,
        out_shape=[
            jax.ShapeDtypeStruct((N, D), jnp.float32),
            jax.ShapeDtypeStruct((N, 1), jnp.float32),
        ],
    )(x, W1, deg_p)

    agg = _make_agg_kernel(E, N, D)
    zeros = jnp.zeros((npad // NS, D), jnp.float32)

    p1 = agg(edge_index, zeros, hs0)

    hsc = pl.pallas_call(
        _tc2,
        out_shape=jax.ShapeDtypeStruct((N, D), jnp.float32),
    )(p1, hs0, dis, b1[None, :])

    p2 = agg(edge_index, zeros, hsc)

    Wcat = jnp.concatenate([W_mu, W_lv], axis=1)
    bcat = jnp.concatenate([b_mu, b_lv])[:, None]
    mu_t, lv_t = pl.pallas_call(
        _tc3,
        out_shape=[
            jax.ShapeDtypeStruct((Dout, N), jnp.float32),
            jax.ShapeDtypeStruct((Dout, N), jnp.float32),
        ],
    )(p2, hsc, dis, Wcat, bcat)

    return mu_t.T, lv_t.T

# --- scband reference (transcript-rebuilt; emitter-appended) ---
"""Pipeline reference for scband-gcnencoder-68436008894840 (READ-ONLY COPY).

The authoritative reference and input builder live on the scoring server;
editing this copy changes nothing except your own understanding.
"""

import jax, jax.numpy as jnp
import numpy as np

N_NODES = 10000
N_EDGES = 320000
IN_CH = 128
HID_CH = 128
OUT_CH = 64


def setup_inputs(seed: int = 0) -> dict:
    key = jax.random.key(seed)
    ks = jax.random.split(key, 8)
    x = jax.random.normal(ks[0], (N_NODES, IN_CH), dtype=jnp.float32)
    edge_index = jax.random.randint(ks[1], (2, N_EDGES), 0, N_NODES, dtype=jnp.int64 if jax.config.jax_enable_x64 else jnp.int32).astype(jnp.int32)
    # Glorot-style init for GCN linear weights
    def glorot(k, fan_in, fan_out):
        s = jnp.sqrt(6.0 / (fan_in + fan_out))
        return jax.random.uniform(k, (fan_in, fan_out), minval=-s, maxval=s, dtype=jnp.float32)
    W1 = glorot(ks[2], IN_CH, HID_CH)
    b1 = jnp.zeros((HID_CH,), dtype=jnp.float32)
    W_mu = glorot(ks[3], HID_CH, OUT_CH)
    b_mu = jnp.zeros((OUT_CH,), dtype=jnp.float32)
    W_lv = glorot(ks[4], HID_CH, OUT_CH)
    b_lv = jnp.zeros((OUT_CH,), dtype=jnp.float32)
    return {"x": x, "edge_index": edge_index, "W1": W1, "b1": b1,
            "W_mu": W_mu, "b_mu": b_mu, "W_lv": W_lv, "b_lv": b_lv}


def _gcn_conv(x, edge_index, W, b):
    # PyG GCNConv semantics: linear transform, add self-loops, symmetric norm, scatter-add, bias
    n = x.shape[0]
    h = x @ W
    loop = jnp.arange(n, dtype=edge_index.dtype)
    src = jnp.concatenate([edge_index[0], loop])
    dst = jnp.concatenate([edge_index[1], loop])
    ew = jnp.ones((src.shape[0],), dtype=x.dtype)
    deg = jax.ops.segment_sum(ew, dst, num_segments=n)
    dis = jnp.where(deg > 0, jax.lax.rsqrt(deg), 0.0)
    norm = dis[src] * ew * dis[dst]
    msg = h[src] * norm[:, None]
    out = jax.ops.segment_sum(msg, dst, num_segments=n)
    return out + b


def reference(x, edge_index, W1, b1, W_mu, b_mu, W_lv, b_lv):
    # eval mode: dropout is identity
    h = _gcn_conv(x, edge_index, W1, b1)
    h = jax.nn.relu(h)
    mu = _gcn_conv(h, edge_index, W_mu, b_mu)
    logvar = _gcn_conv(h, edge_index, W_lv, b_lv)
    return (mu, logvar)

if __name__ == "__main__":
    import jax
    _d = setup_inputs()
    print(jax.jit(kernel)(*tuple(_d.values())))

</pallas_src>

<mosaic_0001>
#map = affine_map<(d0, d1) -> (0, 0)>
#map1 = affine_map<(d0, d1) -> (0, 0, 0)>
module attributes {stable_mosaic.version = 14 : i64} {
  func.func @agg_kernel(%arg0: i32, %arg1: i32, %arg2: memref<2x320000xi32, #tpu.memory_space<hbm>>, %arg3: memref<632x128xf32, #tpu.memory_space<hbm>>, %arg4: memref<10000x128xf32, #tpu.memory_space<hbm>>, %arg5: memref<2x10112x128xf32, #tpu.memory_space<hbm>>, %arg6: memref<2x128xi32, #tpu.memory_space<vmem>>, %arg7: memref<2x128xi32, #tpu.memory_space<vmem>>, %arg8: memref<2x128xi32, #tpu.memory_space<vmem>>, %arg9: memref<128x128xf32, #tpu.memory_space<vmem>>, %arg10: memref<128x128xf32, #tpu.memory_space<vmem>>, %arg11: memref<128x128xf32, #tpu.memory_space<vmem>>, %arg12: memref<10112x128xf32, #tpu.memory_space<vmem_shared>>, %arg13: memref<!tpu.dma_semaphore, #tpu.memory_space<semaphore_mem>>, %arg14: memref<!tpu.dma_semaphore, #tpu.memory_space<semaphore_mem>>, %arg15: memref<!tpu.dma_semaphore, #tpu.memory_space<semaphore_mem>>, %arg16: memref<!tpu.dma_semaphore, #tpu.memory_space<semaphore_mem>>, %arg17: memref<!tpu.dma_semaphore, #tpu.memory_space<semaphore_mem>>, %arg18: memref<!tpu.dma_semaphore, #tpu.memory_space<semaphore_mem>>, %arg19: memref<!tpu.dma_semaphore, #tpu.memory_space<semaphore_mem>>, %arg20: memref<!tpu.dma_semaphore, #tpu.memory_space<semaphore_mem>>, %arg21: memref<!tpu.dma_semaphore, #tpu.memory_space<semaphore_mem>>) attributes {dimension_semantics = [#tpu.dimension_semantics<core_parallel>, #tpu.dimension_semantics<subcore_parallel>], iteration_bounds = array<i64: 2, 16>, scalar_prefetch = 0 : i64, scratch_operands = 16 : i64, tpu.core_type = #tpu.core_type<sc_vector_subcore>, window_params = [{transform_indices = #map}, {transform_indices = #map}, {transform_indices = #map}, {transform_indices = #map1}]} {
    %mul3A = arith.constant 16 : i32
    %mul3A_0 = arith.muli %arg0, %mul3A : i32
    %add3A = arith.addi %mul3A_0, %arg1 : i32
    %mul3A_1 = arith.constant 632 : i32
    %mul3A_2 = arith.muli %arg1, %mul3A_1 : i32
    "tpu.region"() ({
      %run_scoped3A = tpu.sem_alloc : memref<!tpu.dma_semaphore, #tpu.memory_space<semaphore_mem>>
      %dma_start3A_51 = arith.constant 0 : i32
      %dma_start3A_52 = tpu.memref_slice %arg12[%mul3A_2, %dma_start3A_51] : memref<10112x128xf32, #tpu.memory_space<vmem_shared>> -> memref<632x128xf32, #tpu.memory_space<vmem_shared>>
      tpu.enqueue_dma source(%arg3 : memref<632x128xf32, #tpu.memory_space<hbm>>) target(%dma_start3A_52 : memref<632x128xf32, #tpu.memory_space<vmem_shared>>) target_semaphore(%run_scoped3A : memref<!tpu.dma_semaphore, #tpu.memory_space<semaphore_mem>>)
      %dma_wait3A_53 = arith.constant 0 : i32
      %dma_wait3A_54 = tpu.memref_slice %arg12[%mul3A_2, %dma_wait3A_53] : memref<10112x128xf32, #tpu.memory_space<vmem_shared>> -> memref<632x128xf32, #tpu.memory_space<vmem_shared>>
      tpu.wait_dma2 semaphore(%run_scoped3A : memref<!tpu.dma_semaphore, #tpu.memory_space<semaphore_mem>>) src(%arg3 : memref<632x128xf32, #tpu.memory_space<hbm>>) dst(%dma_wait3A_54 : memref<632x128xf32, #tpu.memory_space<vmem_shared>>)
      tpu.yield
    }) : () -> ()
    %barrier3A = arith.constant 0 : index
    tpu.barrier barrier_id(%barrier3A)
    %add3A_3 = arith.constant 0 : i32
    %add3A_4 = arith.addi %add3A_3, %add3A : i32
    %mul3A_5 = arith.constant 128 : i32
    %mul3A_6 = arith.muli %add3A_4, %mul3A_5 : i32
    "tpu.region"() ({
      %run_scoped3A = tpu.sem_alloc : memref<!tpu.dma_semaphore, #tpu.memory_space<semaphore_mem>>
      %dma_start3A_51 = arith.constant 0 : i32
      %dma_start3A_52 = tpu.memref_slice %arg2[%dma_start3A_51, %mul3A_6] : memref<2x320000xi32, #tpu.memory_space<hbm>> -> memref<2x128xi32, #tpu.memory_space<hbm>>
      %dma_start3A_53 = arith.constant 0 : i32
      %dma_start3A_54 = tpu.memref_slice %arg2[%dma_start3A_53, %mul3A_6] : memref<2x320000xi32, #tpu.memory_space<hbm>> -> memref<2x128xi32, #tpu.memory_space<hbm>>
      tpu.enqueue_dma source(%dma_start3A_54 : memref<2x128xi32, #tpu.memory_space<hbm>>) target(%arg6 : memref<2x128xi32, #tpu.memory_space<vmem>>) target_semaphore(%run_scoped3A : memref<!tpu.dma_semaphore, #tpu.memory_space<semaphore_mem>>)
      %dma_wait3A_55 = arith.constant 0 : i32
      %dma_wait3A_56 = tpu.memref_slice %arg2[%dma_wait3A_55, %mul3A_6] : memref<2x320000xi32, #tpu.memory_space<hbm>> -> memref<2x128xi32, #tpu.memory_space<hbm>>
      %dma_wait3A_57 = arith.constant 0 : i32
      %dma_wait3A_58 = tpu.memref_slice %arg2[%dma_wait3A_57, %mul3A_6] : memref<2x320000xi32, #tpu.memory_space<hbm>> -> memref<2x128xi32, #tpu.memory_space<hbm>>
      tpu.wait_dma2 semaphore(%run_scoped3A : memref<!tpu.dma_semaphore, #tpu.memory_space<semaphore_mem>>) src(%dma_wait3A_58 : memref<2x128xi32, #tpu.memory_space<hbm>>) dst(%arg6 : memref<2x128xi32, #tpu.memory_space<vmem>>)
      tpu.yield
    }) : () -> ()
    %dma_start3A = arith.constant 0 : i32
    %dma_start3A_7 = arith.constant 0 : i32
    %dma_start3A_8 = arith.constant 0 : i32
    %dma_start3A_9 = tpu.memref_slice %arg9[%dma_start3A_7, %dma_start3A_8] : memref<128x128xf32, #tpu.memory_space<vmem>> -> memref<64x128xf32, #tpu.memory_space<vmem>>
    %dma_start3A_10 = arith.constant 0 : i32
    %dma_start3A_11 = tpu.memref_slice %arg6[%dma_start3A, %dma_start3A_10] : memref<2x128xi32, #tpu.memory_space<vmem>> -> memref<1x64xi32, #tpu.memory_space<vmem>>
    %dma_start3A_12 = tpu.memref_squeeze %dma_start3A_11 : memref<1x64xi32, #tpu.memory_space<vmem>> -> memref<64xi32, #tpu.memory_space<vmem>>
    %dma_start3A_13 = arith.constant 0 : i32
    %dma_start3A_14 = arith.constant 0 : i32
    %dma_start3A_15 = tpu.memref_slice %arg4[%dma_start3A_13, %dma_start3A_14] : memref<10000x128xf32, #tpu.memory_space<hbm>> -> memref<10000x128xf32, #tpu.memory_space<hbm>>
    tpu.enqueue_indirect_dma source(%dma_start3A_15 : memref<10000x128xf32, #tpu.memory_space<hbm>>) target(%dma_start3A_9 : memref<64x128xf32, #tpu.memory_space<vmem>>) offsets(%dma_start3A_12 : memref<64xi32, #tpu.memory_space<vmem>>) semaphore(%arg16 : memref<!tpu.dma_semaphore, #tpu.memory_space<semaphore_mem>>)
    %dma_start3A_16 = arith.constant 0 : i32
    %dma_start3A_17 = arith.constant 64 : i32
    %dma_start3A_18 = arith.constant 0 : i32
    %dma_start3A_19 = tpu.memref_slice %arg9[%dma_start3A_17, %dma_start3A_18] : memref<128x128xf32, #tpu.memory_space<vmem>> -> memref<64x128xf32, #tpu.memory_space<vmem>>
    %dma_start3A_20 = arith.constant 64 : i32
    %dma_start3A_21 = tpu.memref_slice %arg6[%dma_start3A_16, %dma_start3A_20] : memref<2x128xi32, #tpu.memory_space<vmem>> -> memref<1x64xi32, #tpu.memory_space<vmem>>
    %dma_start3A_22 = tpu.memref_squeeze %dma_start3A_21 : memref<1x64xi32, #tpu.memory_space<vmem>> -> memref<64xi32, #tpu.memory_space<vmem>>
    %dma_start3A_23 = arith.constant 0 : i32
    %dma_start3A_24 = arith.constant 0 : i32
    %dma_start3A_25 = tpu.memref_slice %arg4[%dma_start3A_23, %dma_start3A_24] : memref<10000x128xf32, #tpu.memory_space<hbm>> -> memref<10000x128xf32, #tpu.memory_space<hbm>>
    tpu.enqueue_indirect_dma source(%dma_start3A_25 : memref<10000x128xf32, #tpu.memory_space<hbm>>) target(%dma_start3A_19 : memref<64x128xf32, #tpu.memory_space<vmem>>) offsets(%dma_start3A_22 : memref<64xi32, #tpu.memory_space<vmem>>) semaphore(%arg16 : memref<!tpu.dma_semaphore, #tpu.memory_space<semaphore_mem>>)
    %add3A_26 = arith.constant 32 : i32
    %add3A_27 = arith.addi %add3A_26, %add3A : i32
    %mul3A_28 = arith.constant 128 : i32
    %mul3A_29 = arith.muli %add3A_27, %mul3A_28 : i32
    %dma_start3A_30 = arith.constant 0 : i32
    %dma_start3A_31 = tpu.memref_slice %arg2[%dma_start3A_30, %mul3A_29] : memref<2x320000xi32, #tpu.memory_space<hbm>> -> memref<2x128xi32, #tpu.memory_space<hbm>>
    %dma_start3A_32 = arith.constant 0 : i32
    %dma_start3A_33 = tpu.memref_slice %arg2[%dma_start3A_32, %mul3A_29] : memref<2x320000xi32, #tpu.memory_space<hbm>> -> memref<2x128xi32, #tpu.memory_space<hbm>>
    tpu.enqueue_dma source(%dma_start3A_33 : memref<2x128xi32, #tpu.memory_space<hbm>>) target(%arg7 : memref<2x128xi32, #tpu.memory_space<vmem>>) target_semaphore(%arg14 : memref<!tpu.dma_semaphore, #tpu.memory_space<semaphore_mem>>)
    %scan3A = arith.constant 0 : i32
    %scan3A_34 = arith.constant 26 : i32
    %scan3A_35 = arith.addi %scan3A, %scan3A_34 : i32
    %scan3A_36 = arith.constant 1 : i32
    scf.for %scan3A_51 = %scan3A to %scan3A_35 step %scan3A_36  : i32 {
      %mul3A_52 = arith.constant 3 : i32
      %mul3A_53 = arith.muli %mul3A_52, %scan3A_51 : i32
      %add3A_54 = arith.constant 1 : i32
      %add3A_55 = arith.addi %mul3A_53, %add3A_54 : i32
      %lt3A_56 = arith.constant 78 : i32
      %lt3A_57 = arith.cmpi slt, %add3A_55, %lt3A_56 : i32
      %convert_element_type3A_58 = arith.extui %lt3A_57 : i1 to i32
      %cond3A_59 = arith.constant 0 : i32
      %cond3A_60 = arith.cmpi ne, %convert_element_type3A_58, %cond3A_59 : i32
      scf.if %cond3A_60 {
        %add3A_216 = arith.constant 1 : i32
        %add3A_217 = arith.addi %mul3A_53, %add3A_216 : i32
        %mul3A_218 = arith.constant 32 : i32
        %mul3A_219 = arith.muli %add3A_217, %mul3A_218 : i32
        %add3A_220 = arith.addi %mul3A_219, %add3A : i32
        %mul3A_221 = arith.constant 128 : i32
        %mul3A_222 = arith.muli %add3A_220, %mul3A_221 : i32
        %dma_wait3A_223 = arith.constant 0 : i32
        %dma_wait3A_224 = tpu.memref_slice %arg2[%dma_wait3A_223, %mul3A_222] : memref<2x320000xi32, #tpu.memory_space<hbm>> -> memref<2x128xi32, #tpu.memory_space<hbm>>
        %dma_wait3A_225 = arith.constant 0 : i32
        %dma_wait3A_226 = tpu.memref_slice %arg2[%dma_wait3A_225, %mul3A_222] : memref<2x320000xi32, #tpu.memory_space<hbm>> -> memref<2x128xi32, #tpu.memory_space<hbm>>
        tpu.wait_dma2 semaphore(%arg14 : memref<!tpu.dma_semaphore, #tpu.memory_space<semaphore_mem>>) src(%dma_wait3A_226 : memref<2x128xi32, #tpu.memory_space<hbm>>) dst(%arg7 : memref<2x128xi32, #tpu.memory_space<vmem>>)
      } else {
      }
      %ge3A = arith.constant 1 : i32
      %ge3A_61 = arith.cmpi sge, %mul3A_53, %ge3A : i32
      %convert_element_type3A_62 = arith.extui %ge3A_61 : i1 to i32
      %cond3A_63 = arith.constant 0 : i32
      %cond3A_64 = arith.cmpi ne, %convert_element_type3A_62, %cond3A_63 : i32
      scf.if %cond3A_64 {
        %dma_wait3A_216 = arith.constant 1 : i32
        %dma_wait3A_217 = arith.constant 0 : i32
        %dma_wait3A_218 = tpu.memref_slice %arg8[%dma_wait3A_216, %dma_wait3A_217] : memref<2x128xi32, #tpu.memory_space<vmem>> -> memref<1x128xi32, #tpu.memory_space<vmem>>
        %dma_wait3A_219 = tpu.memref_squeeze %dma_wait3A_218 : memref<1x128xi32, #tpu.memory_space<vmem>> -> memref<128xi32, #tpu.memory_space<vmem>>
        %dma_wait3A_220 = arith.constant 0 : i32
        %dma_wait3A_221 = arith.constant 0 : i32
        %dma_wait3A_222 = tpu.memref_slice %arg12[%dma_wait3A_220, %dma_wait3A_221] : memref<10112x128xf32, #tpu.memory_space<vmem_shared>> -> memref<10112x128xf32, #tpu.memory_space<vmem_shared>>
        tpu.wait_indirect_dma semaphore(%arg21 : memref<!tpu.dma_semaphore, #tpu.memory_space<semaphore_mem>>) src(%arg11 : memref<128x128xf32, #tpu.memory_space<vmem>>) dst(%dma_wait3A_222 : memref<10112x128xf32, #tpu.memory_space<vmem_shared>>)
      } else {
      }
      %add3A_65 = arith.constant 1 : i32
      %add3A_66 = arith.addi %mul3A_53, %add3A_65 : i32
      %lt3A_67 = arith.constant 78 : i32
      %lt3A_68 = arith.cmpi slt, %add3A_66, %lt3A_67 : i32
      %convert_element_type3A_69 = arith.extui %lt3A_68 : i1 to i32
      %cond3A_70 = arith.constant 0 : i32
      %cond3A_71 = arith.cmpi ne, %convert_element_type3A_69, %cond3A_70 : i32
      scf.if %cond3A_71 {
        %dma_start3A_216 = arith.constant 0 : i32
        %dma_start3A_217 = arith.constant 0 : i32
        %dma_start3A_218 = arith.constant 0 : i32
        %dma_start3A_219 = tpu.memref_slice %arg10[%dma_start3A_217, %dma_start3A_218] : memref<128x128xf32, #tpu.memory_space<vmem>> -> memref<64x128xf32, #tpu.memory_space<vmem>>
        %dma_start3A_220 = arith.constant 0 : i32
        %dma_start3A_221 = tpu.memref_slice %arg7[%dma_start3A_216, %dma_start3A_220] : memref<2x128xi32, #tpu.memory_space<vmem>> -> memref<1x64xi32, #tpu.memory_space<vmem>>
        %dma_start3A_222 = tpu.memref_squeeze %dma_start3A_221 : memref<1x64xi32, #tpu.memory_space<vmem>> -> memref<64xi32, #tpu.memory_space<vmem>>
        %dma_start3A_223 = arith.constant 0 : i32
        %dma_start3A_224 = arith.constant 0 : i32
        %dma_start3A_225 = tpu.memref_slice %arg4[%dma_start3A_223, %dma_start3A_224] : memref<10000x128xf32, #tpu.memory_space<hbm>> -> memref<10000x128xf32, #tpu.memory_space<hbm>>
        tpu.enqueue_indirect_dma source(%dma_start3A_225 : memref<10000x128xf32, #tpu.memory_space<hbm>>) target(%dma_start3A_219 : memref<64x128xf32, #tpu.memory_space<vmem>>) offsets(%dma_start3A_222 : memref<64xi32, #tpu.memory_space<vmem>>) semaphore(%arg17 : memref<!tpu.dma_semaphore, #tpu.memory_space<semaphore_mem>>)
        %dma_start3A_226 = arith.constant 0 : i32
        %dma_start3A_227 = arith.constant 64 : i32
        %dma_start3A_228 = arith.constant 0 : i32
        %dma_start3A_229 = tpu.memref_slice %arg10[%dma_start3A_227, %dma_start3A_228] : memref<128x128xf32, #tpu.memory_space<vmem>> -> memref<64x128xf32, #tpu.memory_space<vmem>>
        %dma_start3A_230 = arith.constant 64 : i32
        %dma_start3A_231 = tpu.memref_slice %arg7[%dma_start3A_226, %dma_start3A_230] : memref<2x128xi32, #tpu.memory_space<vmem>> -> memref<1x64xi32, #tpu.memory_space<vmem>>
        %dma_start3A_232 = tpu.memref_squeeze %dma_start3A_231 : memref<1x64xi32, #tpu.memory_space<vmem>> -> memref<64xi32, #tpu.memory_space<vmem>>
        %dma_start3A_233 = arith.constant 0 : i32
        %dma_start3A_234 = arith.constant 0 : i32
        %dma_start3A_235 = tpu.memref_slice %arg4[%dma_start3A_233, %dma_start3A_234] : memref<10000x128xf32, #tpu.memory_space<hbm>> -> memref<10000x128xf32, #tpu.memory_space<hbm>>
        tpu.enqueue_indirect_dma source(%dma_start3A_235 : memref<10000x128xf32, #tpu.memory_space<hbm>>) target(%dma_start3A_229 : memref<64x128xf32, #tpu.memory_space<vmem>>) offsets(%dma_start3A_232 : memref<64xi32, #tpu.memory_space<vmem>>) semaphore(%arg17 : memref<!tpu.dma_semaphore, #tpu.memory_space<semaphore_mem>>)
      } else {
      }
      %add3A_72 = arith.constant 2 : i32
      %add3A_73 = arith.addi %mul3A_53, %add3A_72 : i32
      %lt3A_74 = arith.constant 78 : i32
      %lt3A_75 = arith.cmpi slt, %add3A_73, %lt3A_74 : i32
      %convert_element_type3A_76 = arith.extui %lt3A_75 : i1 to i32
      %cond3A_77 = arith.constant 0 : i32
      %cond3A_78 = arith.cmpi ne, %convert_element_type3A_76, %cond3A_77 : i32
      scf.if %cond3A_78 {
        %add3A_216 = arith.constant 2 : i32
        %add3A_217 = arith.addi %mul3A_53, %add3A_216 : i32
        %mul3A_218 = arith.constant 32 : i32
        %mul3A_219 = arith.muli %add3A_217, %mul3A_218 : i32
        %add3A_220 = arith.addi %mul3A_219, %add3A : i32
        %mul3A_221 = arith.constant 128 : i32
        %mul3A_222 = arith.muli %add3A_220, %mul3A_221 : i32
        %dma_start3A_223 = arith.constant 0 : i32
        %dma_start3A_224 = tpu.memref_slice %arg2[%dma_start3A_223, %mul3A_222] : memref<2x320000xi32, #tpu.memory_space<hbm>> -> memref<2x128xi32, #tpu.memory_space<hbm>>
        %dma_start3A_225 = arith.constant 0 : i32
        %dma_start3A_226 = tpu.memref_slice %arg2[%dma_start3A_225, %mul3A_222] : memref<2x320000xi32, #tpu.memory_space<hbm>> -> memref<2x128xi32, #tpu.memory_space<hbm>>
        tpu.enqueue_dma source(%dma_start3A_226 : memref<2x128xi32, #tpu.memory_space<hbm>>) target(%arg8 : memref<2x128xi32, #tpu.memory_space<vmem>>) target_semaphore(%arg15 : memref<!tpu.dma_semaphore, #tpu.memory_space<semaphore_mem>>)
      } else {
      }
      %dma_wait3A_79 = arith.constant 0 : i32
      %dma_wait3A_80 = arith.constant 0 : i32
      %dma_wait3A_81 = arith.constant 0 : i32
      %dma_wait3A_82 = tpu.memref_slice %arg9[%dma_wait3A_80, %dma_wait3A_81] : memref<128x128xf32, #tpu.memory_space<vmem>> -> memref<64x128xf32, #tpu.memory_space<vmem>>
      %dma_wait3A_83 = arith.constant 0 : i32
      %dma_wait3A_84 = tpu.memref_slice %arg6[%dma_wait3A_79, %dma_wait3A_83] : memref<2x128xi32, #tpu.memory_space<vmem>> -> memref<1x64xi32, #tpu.memory_space<vmem>>
      %dma_wait3A_85 = tpu.memref_squeeze %dma_wait3A_84 : memref<1x64xi32, #tpu.memory_space<vmem>> -> memref<64xi32, #tpu.memory_space<vmem>>
      %dma_wait3A_86 = arith.constant 0 : i32
      %dma_wait3A_87 = arith.constant 0 : i32
      %dma_wait3A_88 = tpu.memref_slice %arg4[%dma_wait3A_86, %dma_wait3A_87] : memref<10000x128xf32, #tpu.memory_space<hbm>> -> memref<10000x128xf32, #tpu.memory_space<hbm>>
      tpu.wait_indirect_dma semaphore(%arg16 : memref<!tpu.dma_semaphore, #tpu.memory_space<semaphore_mem>>) src(%dma_wait3A_88 : memref<10000x128xf32, #tpu.memory_space<hbm>>) dst(%dma_wait3A_82 : memref<64x128xf32, #tpu.memory_space<vmem>>)
      %dma_wait3A_89 = arith.constant 0 : i32
      %dma_wait3A_90 = arith.constant 64 : i32
      %dma_wait3A_91 = arith.constant 0 : i32
      %dma_wait3A_92 = tpu.memref_slice %arg9[%dma_wait3A_90, %dma_wait3A_91] : memref<128x128xf32, #tpu.memory_space<vmem>> -> memref<64x128xf32, #tpu.memory_space<vmem>>
      %dma_wait3A_93 = arith.constant 64 : i32
      %dma_wait3A_94 = tpu.memref_slice %arg6[%dma_wait3A_89, %dma_wait3A_93] : memref<2x128xi32, #tpu.memory_space<vmem>> -> memref<1x64xi32, #tpu.memory_space<vmem>>
      %dma_wait3A_95 = tpu.memref_squeeze %dma_wait3A_94 : memref<1x64xi32, #tpu.memory_space<vmem>> -> memref<64xi32, #tpu.memory_space<vmem>>
      %dma_wait3A_96 = arith.constant 0 : i32
      %dma_wait3A_97 = arith.constant 0 : i32
      %dma_wait3A_98 = tpu.memref_slice %arg4[%dma_wait3A_96, %dma_wait3A_97] : memref<10000x128xf32, #tpu.memory_space<hbm>> -> memref<10000x128xf32, #tpu.memory_space<hbm>>
      tpu.wait_indirect_dma semaphore(%arg16 : memref<!tpu.dma_semaphore, #tpu.memory_space<semaphore_mem>>) src(%dma_wait3A_98 : memref<10000x128xf32, #tpu.memory_space<hbm>>) dst(%dma_wait3A_92 : memref<64x128xf32, #tpu.memory_space<vmem>>)
      %dma_start3A_99 = arith.constant 1 : i32
      %dma_start3A_100 = arith.constant 0 : i32
      %dma_start3A_101 = tpu.memref_slice %arg6[%dma_start3A_99, %dma_start3A_100] : memref<2x128xi32, #tpu.memory_space<vmem>> -> memref<1x128xi32, #tpu.memory_space<vmem>>
      %dma_start3A_102 = tpu.memref_squeeze %dma_start3A_101 : memref<1x128xi32, #tpu.memory_space<vmem>> -> memref<128xi32, #tpu.memory_space<vmem>>
      %dma_start3A_103 = arith.constant 0 : i32
      %dma_start3A_104 = arith.constant 0 : i32
      %dma_start3A_105 = tpu.memref_slice %arg12[%dma_start3A_103, %dma_start3A_104] : memref<10112x128xf32, #tpu.memory_space<vmem_shared>> -> memref<10112x128xf32, #tpu.memory_space<vmem_shared>>
      tpu.enqueue_indirect_dma source(%arg9 : memref<128x128xf32, #tpu.memory_space<vmem>>) target(%dma_start3A_105 : memref<10112x128xf32, #tpu.memory_space<vmem_shared>>) offsets(%dma_start3A_102 : memref<128xi32, #tpu.memory_space<vmem>>) semaphore(%arg19 : memref<!tpu.dma_semaphore, #tpu.memory_space<semaphore_mem>>) {add = true}
      %add3A_106 = arith.constant 1 : i32
      %add3A_107 = arith.addi %mul3A_53, %add3A_106 : i32
      %add3A_108 = arith.constant 1 : i32
      %add3A_109 = arith.addi %add3A_107, %add3A_108 : i32
      %lt3A_110 = arith.constant 78 : i32
      %lt3A_111 = arith.cmpi slt, %add3A_109, %lt3A_110 : i32
      %convert_element_type3A_112 = arith.extui %lt3A_111 : i1 to i32
      %cond3A_113 = arith.constant 0 : i32
      %cond3A_114 = arith.cmpi ne, %convert_element_type3A_112, %cond3A_113 : i32
      scf.if %cond3A_114 {
        %add3A_216 = arith.constant 1 : i32
        %add3A_217 = arith.addi %add3A_107, %add3A_216 : i32
        %mul3A_218 = arith.constant 32 : i32
        %mul3A_219 = arith.muli %add3A_217, %mul3A_218 : i32
        %add3A_220 = arith.addi %mul3A_219, %add3A : i32
        %mul3A_221 = arith.constant 128 : i32
        %mul3A_222 = arith.muli %add3A_220, %mul3A_221 : i32
        %dma_wait3A_223 = arith.constant 0 : i32
        %dma_wait3A_224 = tpu.memref_slice %arg2[%dma_wait3A_223, %mul3A_222] : memref<2x320000xi32, #tpu.memory_space<hbm>> -> memref<2x128xi32, #tpu.memory_space<hbm>>
        %dma_wait3A_225 = arith.constant 0 : i32
        %dma_wait3A_226 = tpu.memref_slice %arg2[%dma_wait3A_225, %mul3A_222] : memref<2x320000xi32, #tpu.memory_space<hbm>> -> memref<2x128xi32, #tpu.memory_space<hbm>>
        tpu.wait_dma2 semaphore(%arg15 : memref<!tpu.dma_semaphore, #tpu.memory_space<semaphore_mem>>) src(%dma_wait3A_226 : memref<2x128xi32, #tpu.memory_space<hbm>>) dst(%arg8 : memref<2x128xi32, #tpu.memory_space<vmem>>)
      } else {
      }
      %ge3A_115 = arith.constant 1 : i32
      %ge3A_116 = arith.cmpi sge, %add3A_107, %ge3A_115 : i32
      %convert_element_type3A_117 = arith.extui %ge3A_116 : i1 to i32
      %cond3A_118 = arith.constant 0 : i32
      %cond3A_119 = arith.cmpi ne, %convert_element_type3A_117, %cond3A_118 : i32
      scf.if %cond3A_119 {
        %dma_wait3A_216 = arith.constant 1 : i32
        %dma_wait3A_217 = arith.constant 0 : i32
        %dma_wait3A_218 = tpu.memref_slice %arg6[%dma_wait3A_216, %dma_wait3A_217] : memref<2x128xi32, #tpu.memory_space<vmem>> -> memref<1x128xi32, #tpu.memory_space<vmem>>
        %dma_wait3A_219 = tpu.memref_squeeze %dma_wait3A_218 : memref<1x128xi32, #tpu.memory_space<vmem>> -> memref<128xi32, #tpu.memory_space<vmem>>
        %dma_wait3A_220 = arith.constant 0 : i32
        %dma_wait3A_221 = arith.constant 0 : i32
        %dma_wait3A_222 = tpu.memref_slice %arg12[%dma_wait3A_220, %dma_wait3A_221] : memref<10112x128xf32, #tpu.memory_space<vmem_shared>> -> memref<10112x128xf32, #tpu.memory_space<vmem_shared>>
        tpu.wait_indirect_dma semaphore(%arg19 : memref<!tpu.dma_semaphore, #tpu.memory_space<semaphore_mem>>) src(%arg9 : memref<128x128xf32, #tpu.memory_space<vmem>>) dst(%dma_wait3A_222 : memref<10112x128xf32, #tpu.memory_space<vmem_shared>>)
      } else {
      }
      %add3A_120 = arith.constant 1 : i32
      %add3A_121 = arith.addi %add3A_107, %add3A_120 : i32
      %lt3A_122 = arith.constant 78 : i32
      %lt3A_123 = arith.cmpi slt, %add3A_121, %lt3A_122 : i32
      %convert_element_type3A_124 = arith.extui %lt3A_123 : i1 to i32
      %cond3A_125 = arith.constant 0 : i32
      %cond3A_126 = arith.cmpi ne, %convert_element_type3A_124, %cond3A_125 : i32
      scf.if %cond3A_126 {
        %dma_start3A_216 = arith.constant 0 : i32
        %dma_start3A_217 = arith.constant 0 : i32
        %dma_start3A_218 = arith.constant 0 : i32
        %dma_start3A_219 = tpu.memref_slice %arg11[%dma_start3A_217, %dma_start3A_218] : memref<128x128xf32, #tpu.memory_space<vmem>> -> memref<64x128xf32, #tpu.memory_space<vmem>>
        %dma_start3A_220 = arith.constant 0 : i32
        %dma_start3A_221 = tpu.memref_slice %arg8[%dma_start3A_216, %dma_start3A_220] : memref<2x128xi32, #tpu.memory_space<vmem>> -> memref<1x64xi32, #tpu.memory_space<vmem>>
        %dma_start3A_222 = tpu.memref_squeeze %dma_start3A_221 : memref<1x64xi32, #tpu.memory_space<vmem>> -> memref<64xi32, #tpu.memory_space<vmem>>
        %dma_start3A_223 = arith.constant 0 : i32
        %dma_start3A_224 = arith.constant 0 : i32
        %dma_start3A_225 = tpu.memref_slice %arg4[%dma_start3A_223, %dma_start3A_224] : memref<10000x128xf32, #tpu.memory_space<hbm>> -> memref<10000x128xf32, #tpu.memory_space<hbm>>
        tpu.enqueue_indirect_dma source(%dma_start3A_225 : memref<10000x128xf32, #tpu.memory_space<hbm>>) target(%dma_start3A_219 : memref<64x128xf32, #tpu.memory_space<vmem>>) offsets(%dma_start3A_222 : memref<64xi32, #tpu.memory_space<vmem>>) semaphore(%arg18 : memref<!tpu.dma_semaphore, #tpu.memory_space<semaphore_mem>>)
        %dma_start3A_226 = arith.constant 0 : i32
        %dma_start3A_227 = arith.constant 64 : i32
        %dma_start3A_228 = arith.constant 0 : i32
        %dma_start3A_229 = tpu.memref_slice %arg11[%dma_start3A_227, %dma_start3A_228] : memref<128x128xf32, #tpu.memory_space<vmem>> -> memref<64x128xf32, #tpu.memory_space<vmem>>
        %dma_start3A_230 = arith.constant 64 : i32
        %dma_start3A_231 = tpu.memref_slice %arg8[%dma_start3A_226, %dma_start3A_230] : memref<2x128xi32, #tpu.memory_space<vmem>> -> memref<1x64xi32, #tpu.memory_space<vmem>>
        %dma_start3A_232 = tpu.memref_squeeze %dma_start3A_231 : memref<1x64xi32, #tpu.memory_space<vmem>> -> memref<64xi32, #tpu.memory_space<vmem>>
        %dma_start3A_233 = arith.constant 0 : i32
        %dma_start3A_234 = arith.constant 0 : i32
        %dma_start3A_235 = tpu.memref_slice %arg4[%dma_start3A_233, %dma_start3A_234] : memref<10000x128xf32, #tpu.memory_space<hbm>> -> memref<10000x128xf32, #tpu.memory_space<hbm>>
        tpu.enqueue_indirect_dma source(%dma_start3A_235 : memref<10000x128xf32, #tpu.memory_space<hbm>>) target(%dma_start3A_229 : memref<64x128xf32, #tpu.memory_space<vmem>>) offsets(%dma_start3A_232 : memref<64xi32, #tpu.memory_space<vmem>>) semaphore(%arg18 : memref<!tpu.dma_semaphore, #tpu.memory_space<semaphore_mem>>)
      } else {
      }
      %add3A_127 = arith.constant 2 : i32
      %add3A_128 = arith.addi %add3A_107, %add3A_127 : i32
      %lt3A_129 = arith.constant 78 : i32
      %lt3A_130 = arith.cmpi slt, %add3A_128, %lt3A_129 : i32
      %convert_element_type3A_131 = arith.extui %lt3A_130 : i1 to i32
      %cond3A_132 = arith.constant 0 : i32
      %cond3A_133 = arith.cmpi ne, %convert_element_type3A_131, %cond3A_132 : i32
      scf.if %cond3A_133 {
        %add3A_216 = arith.constant 2 : i32
        %add3A_217 = arith.addi %add3A_107, %add3A_216 : i32
        %mul3A_218 = arith.constant 32 : i32
        %mul3A_219 = arith.muli %add3A_217, %mul3A_218 : i32
        %add3A_220 = arith.addi %mul3A_219, %add3A : i32
        %mul3A_221 = arith.constant 128 : i32
        %mul3A_222 = arith.muli %add3A_220, %mul3A_221 : i32
        %dma_start3A_223 = arith.constant 0 : i32
        %dma_start3A_224 = tpu.memref_slice %arg2[%dma_start3A_223, %mul3A_222] : memref<2x320000xi32, #tpu.memory_space<hbm>> -> memref<2x128xi32, #tpu.memory_space<hbm>>
        %dma_start3A_225 = arith.constant 0 : i32
        %dma_start3A_226 = tpu.memref_slice %arg2[%dma_start3A_225, %mul3A_222] : memref<2x320000xi32, #tpu.memory_space<hbm>> -> memref<2x128xi32, #tpu.memory_space<hbm>>
        tpu.enqueue_dma source(%dma_start3A_226 : memref<2x128xi32, #tpu.memory_space<hbm>>) target(%arg6 : memref<2x128xi32, #tpu.memory_space<vmem>>) target_semaphore(%arg13 : memref<!tpu.dma_semaphore, #tpu.memory_space<semaphore_mem>>)
      } else {
      }
      %dma_wait3A_134 = arith.constant 0 : i32
      %dma_wait3A_135 = arith.constant 0 : i32
      %dma_wait3A_136 = arith.constant 0 : i32
      %dma_wait3A_137 = tpu.memref_slice %arg10[%dma_wait3A_135, %dma_wait3A_136] : memref<128x128xf32, #tpu.memory_space<vmem>> -> memref<64x128xf32, #tpu.memory_space<vmem>>
      %dma_wait3A_138 = arith.constant 0 : i32
      %dma_wait3A_139 = tpu.memref_slice %arg7[%dma_wait3A_134, %dma_wait3A_138] : memref<2x128xi32, #tpu.memory_space<vmem>> -> memref<1x64xi32, #tpu.memory_space<vmem>>
      %dma_wait3A_140 = tpu.memref_squeeze %dma_wait3A_139 : memref<1x64xi32, #tpu.memory_space<vmem>> -> memref<64xi32, #tpu.memory_space<vmem>>
      %dma_wait3A_141 = arith.constant 0 : i32
      %dma_wait3A_142 = arith.constant 0 : i32
      %dma_wait3A_143 = tpu.memref_slice %arg4[%dma_wait3A_141, %dma_wait3A_142] : memref<10000x128xf32, #tpu.memory_space<hbm>> -> memref<10000x128xf32, #tpu.memory_space<hbm>>
      tpu.wait_indirect_dma semaphore(%arg17 : memref<!tpu.dma_semaphore, #tpu.memory_space<semaphore_mem>>) src(%dma_wait3A_143 : memref<10000x128xf32, #tpu.memory_space<hbm>>) dst(%dma_wait3A_137 : memref<64x128xf32, #tpu.memory_space<vmem>>)
      %dma_wait3A_144 = arith.constant 0 : i32
      %dma_wait3A_145 = arith.constant 64 : i32
      %dma_wait3A_146 = arith.constant 0 : i32
      %dma_wait3A_147 = tpu.memref_slice %arg10[%dma_wait3A_145, %dma_wait3A_146] : memref<128x128xf32, #tpu.memory_space<vmem>> -> memref<64x128xf32, #tpu.memory_space<vmem>>
      %dma_wait3A_148 = arith.constant 64 : i32
      %dma_wait3A_149 = tpu.memref_slice %arg7[%dma_wait3A_144, %dma_wait3A_148] : memref<2x128xi32, #tpu.memory_space<vmem>> -> memref<1x64xi32, #tpu.memory_space<vmem>>
      %dma_wait3A_150 = tpu.memref_squeeze %dma_wait3A_149 : memref<1x64xi32, #tpu.memory_space<vmem>> -> memref<64xi32, #tpu.memory_space<vmem>>
      %dma_wait3A_151 = arith.constant 0 : i32
      %dma_wait3A_152 = arith.constant 0 : i32
      %dma_wait3A_153 = tpu.memref_slice %arg4[%dma_wait3A_151, %dma_wait3A_152] : memref<10000x128xf32, #tpu.memory_space<hbm>> -> memref<10000x128xf32, #tpu.memory_space<hbm>>
      tpu.wait_indirect_dma semaphore(%arg17 : memref<!tpu.dma_semaphore, #tpu.memory_space<semaphore_mem>>) src(%dma_wait3A_153 : memref<10000x128xf32, #tpu.memory_space<hbm>>) dst(%dma_wait3A_147 : memref<64x128xf32, #tpu.memory_space<vmem>>)
      %dma_start3A_154 = arith.constant 1 : i32
      %dma_start3A_155 = arith.constant 0 : i32
      %dma_start3A_156 = tpu.memref_slice %arg7[%dma_start3A_154, %dma_start3A_155] : memref<2x128xi32, #tpu.memory_space<vmem>> -> memref<1x128xi32, #tpu.memory_space<vmem>>
      %dma_start3A_157 = tpu.memref_squeeze %dma_start3A_156 : memref<1x128xi32, #tpu.memory_space<vmem>> -> memref<128xi32, #tpu.memory_space<vmem>>
      %dma_start3A_158 = arith.constant 0 : i32
      %dma_start3A_159 = arith.constant 0 : i32
      %dma_start3A_160 = tpu.memref_slice %arg12[%dma_start3A_158, %dma_start3A_159] : memref<10112x128xf32, #tpu.memory_space<vmem_shared>> -> memref<10112x128xf32, #tpu.memory_space<vmem_shared>>
      tpu.enqueue_indirect_dma source(%arg10 : memref<128x128xf32, #tpu.memory_space<vmem>>) target(%dma_start3A_160 : memref<10112x128xf32, #tpu.memory_space<vmem_shared>>) offsets(%dma_start3A_157 : memref<128xi32, #tpu.memory_space<vmem>>) semaphore(%arg20 : memref<!tpu.dma_semaphore, #tpu.memory_space<semaphore_mem>>) {add = true}
      %add3A_161 = arith.constant 2 : i32
      %add3A_162 = arith.addi %mul3A_53, %add3A_161 : i32
      %add3A_163 = arith.constant 1 : i32
      %add3A_164 = arith.addi %add3A_162, %add3A_163 : i32
      %lt3A_165 = arith.constant 78 : i32
      %lt3A_166 = arith.cmpi slt, %add3A_164, %lt3A_165 : i32
      %convert_element_type3A_167 = arith.extui %lt3A_166 : i1 to i32
      %cond3A_168 = arith.constant 0 : i32
      %cond3A_169 = arith.cmpi ne, %convert_element_type3A_167, %cond3A_168 : i32
      scf.if %cond3A_169 {
        %add3A_216 = arith.constant 1 : i32
        %add3A_217 = arith.addi %add3A_162, %add3A_216 : i32
        %mul3A_218 = arith.constant 32 : i32
        %mul3A_219 = arith.muli %add3A_217, %mul3A_218 : i32
        %add3A_220 = arith.addi %mul3A_219, %add3A : i32
        %mul3A_221 = arith.constant 128 : i32
        %mul3A_222 = arith.muli %add3A_220, %mul3A_221 : i32
        %dma_wait3A_223 = arith.constant 0 : i32
        %dma_wait3A_224 = tpu.memref_slice %arg2[%dma_wait3A_223, %mul3A_222] : memref<2x320000xi32, #tpu.memory_space<hbm>> -> memref<2x128xi32, #tpu.memory_space<hbm>>
        %dma_wait3A_225 = arith.constant 0 : i32
        %dma_wait3A_226 = tpu.memref_slice %arg2[%dma_wait3A_225, %mul3A_222] : memref<2x320000xi32, #tpu.memory_space<hbm>> -> memref<2x128xi32, #tpu.memory_space<hbm>>
        tpu.wait_dma2 semaphore(%arg13 : memref<!tpu.dma_semaphore, #tpu.memory_space<semaphore_mem>>) src(%dma_wait3A_226 : memref<2x128xi32, #tpu.memory_space<hbm>>) dst(%arg6 : memref<2x128xi32, #tpu.memory_space<vmem>>)
      } else {
      }
      %ge3A_170 = arith.constant 1 : i32
      %ge3A_171 = arith.cmpi sge, %add3A_162, %ge3A_170 : i32
      %convert_element_type3A_172 = arith.extui %ge3A_171 : i1 to i32
      %cond3A_173 = arith.constant 0 : i32
      %cond3A_174 = arith.cmpi ne, %convert_element_type3A_172, %cond3A_173 : i32
      scf.if %cond3A_174 {
        %dma_wait3A_216 = arith.constant 1 : i32
        %dma_wait3A_217 = arith.constant 0 : i32
        %dma_wait3A_218 = tpu.memref_slice %arg7[%dma_wait3A_216, %dma_wait3A_217] : memref<2x128xi32, #tpu.memory_space<vmem>> -> memref<1x128xi32, #tpu.memory_space<vmem>>
        %dma_wait3A_219 = tpu.memref_squeeze %dma_wait3A_218 : memref<1x128xi32, #tpu.memory_space<vmem>> -> memref<128xi32, #tpu.memory_space<vmem>>
        %dma_wait3A_220 = arith.constant 0 : i32
        %dma_wait3A_221 = arith.constant 0 : i32
        %dma_wait3A_222 = tpu.memref_slice %arg12[%dma_wait3A_220, %dma_wait3A_221] : memref<10112x128xf32, #tpu.memory_space<vmem_shared>> -> memref<10112x128xf32, #tpu.memory_space<vmem_shared>>
        tpu.wait_indirect_dma semaphore(%arg20 : memref<!tpu.dma_semaphore, #tpu.memory_space<semaphore_mem>>) src(%arg10 : memref<128x128xf32, #tpu.memory_space<vmem>>) dst(%dma_wait3A_222 : memref<10112x128xf32, #tpu.memory_space<vmem_shared>>)
      } else {
      }
      %add3A_175 = arith.constant 1 : i32
      %add3A_176 = arith.addi %add3A_162, %add3A_175 : i32
      %lt3A_177 = arith.constant 78 : i32
      %lt3A_178 = arith.cmpi slt, %add3A_176, %lt3A_177 : i32
      %convert_element_type3A_179 = arith.extui %lt3A_178 : i1 to i32
      %cond3A_180 = arith.constant 0 : i32
      %cond3A_181 = arith.cmpi ne, %convert_element_type3A_179, %cond3A_180 : i32
      scf.if %cond3A_181 {
        %dma_start3A_216 = arith.constant 0 : i32
        %dma_start3A_217 = arith.constant 0 : i32
        %dma_start3A_218 = arith.constant 0 : i32
        %dma_start3A_219 = tpu.memref_slice %arg9[%dma_start3A_217, %dma_start3A_218] : memref<128x128xf32, #tpu.memory_space<vmem>> -> memref<64x128xf32, #tpu.memory_space<vmem>>
        %dma_start3A_220 = arith.constant 0 : i32
        %dma_start3A_221 = tpu.memref_slice %arg6[%dma_start3A_216, %dma_start3A_220] : memref<2x128xi32, #tpu.memory_space<vmem>> -> memref<1x64xi32, #tpu.memory_space<vmem>>
        %dma_start3A_222 = tpu.memref_squeeze %dma_start3A_221 : memref<1x64xi32, #tpu.memory_space<vmem>> -> memref<64xi32, #tpu.memory_space<vmem>>
        %dma_start3A_223 = arith.constant 0 : i32
        %dma_start3A_224 = arith.constant 0 : i32
        %dma_start3A_225 = tpu.memref_slice %arg4[%dma_start3A_223, %dma_start3A_224] : memref<10000x128xf32, #tpu.memory_space<hbm>> -> memref<10000x128xf32, #tpu.memory_space<hbm>>
        tpu.enqueue_indirect_dma source(%dma_start3A_225 : memref<10000x128xf32, #tpu.memory_space<hbm>>) target(%dma_start3A_219 : memref<64x128xf32, #tpu.memory_space<vmem>>) offsets(%dma_start3A_222 : memref<64xi32, #tpu.memory_space<vmem>>) semaphore(%arg16 : memref<!tpu.dma_semaphore, #tpu.memory_space<semaphore_mem>>)
        %dma_start3A_226 = arith.constant 0 : i32
        %dma_start3A_227 = arith.constant 64 : i32
        %dma_start3A_228 = arith.constant 0 : i32
        %dma_start3A_229 = tpu.memref_slice %arg9[%dma_start3A_227, %dma_start3A_228] : memref<128x128xf32, #tpu.memory_space<vmem>> -> memref<64x128xf32, #tpu.memory_space<vmem>>
        %dma_start3A_230 = arith.constant 64 : i32
        %dma_start3A_231 = tpu.memref_slice %arg6[%dma_start3A_226, %dma_start3A_230] : memref<2x128xi32, #tpu.memory_space<vmem>> -> memref<1x64xi32, #tpu.memory_space<vmem>>
        %dma_start3A_232 = tpu.memref_squeeze %dma_start3A_231 : memref<1x64xi32, #tpu.memory_space<vmem>> -> memref<64xi32, #tpu.memory_space<vmem>>
        %dma_start3A_233 = arith.constant 0 : i32
        %dma_start3A_234 = arith.constant 0 : i32
        %dma_start3A_235 = tpu.memref_slice %arg4[%dma_start3A_233, %dma_start3A_234] : memref<10000x128xf32, #tpu.memory_space<hbm>> -> memref<10000x128xf32, #tpu.memory_space<hbm>>
        tpu.enqueue_indirect_dma source(%dma_start3A_235 : memref<10000x128xf32, #tpu.memory_space<hbm>>) target(%dma_start3A_229 : memref<64x128xf32, #tpu.memory_space<vmem>>) offsets(%dma_start3A_232 : memref<64xi32, #tpu.memory_space<vmem>>) semaphore(%arg16 : memref<!tpu.dma_semaphore, #tpu.memory_space<semaphore_mem>>)
      } else {
      }
      %add3A_182 = arith.constant 2 : i32
      %add3A_183 = arith.addi %add3A_162, %add3A_182 : i32
      %lt3A_184 = arith.constant 78 : i32
      %lt3A_185 = arith.cmpi slt, %add3A_183, %lt3A_184 : i32
      %convert_element_type3A_186 = arith.extui %lt3A_185 : i1 to i32
      %cond3A_187 = arith.constant 0 : i32
      %cond3A_188 = arith.cmpi ne, %convert_element_type3A_186, %cond3A_187 : i32
      scf.if %cond3A_188 {
        %add3A_216 = arith.constant 2 : i32
        %add3A_217 = arith.addi %add3A_162, %add3A_216 : i32
        %mul3A_218 = arith.constant 32 : i32
        %mul3A_219 = arith.muli %add3A_217, %mul3A_218 : i32
        %add3A_220 = arith.addi %mul3A_219, %add3A : i32
        %mul3A_221 = arith.constant 128 : i32
        %mul3A_222 = arith.muli %add3A_220, %mul3A_221 : i32
        %dma_start3A_223 = arith.constant 0 : i32
        %dma_start3A_224 = tpu.memref_slice %arg2[%dma_start3A_223, %mul3A_222] : memref<2x320000xi32, #tpu.memory_space<hbm>> -> memref<2x128xi32, #tpu.memory_space<hbm>>
        %dma_start3A_225 = arith.constant 0 : i32
        %dma_start3A_226 = tpu.memref_slice %arg2[%dma_start3A_225, %mul3A_222] : memref<2x320000xi32, #tpu.memory_space<hbm>> -> memref<2x128xi32, #tpu.memory_space<hbm>>
        tpu.enqueue_dma source(%dma_start3A_226 : memref<2x128xi32, #tpu.memory_space<hbm>>) target(%arg7 : memref<2x128xi32, #tpu.memory_space<vmem>>) target_semaphore(%arg14 : memref<!tpu.dma_semaphore, #tpu.memory_space<semaphore_mem>>)
      } else {
      }
      %dma_wait3A_189 = arith.constant 0 : i32
      %dma_wait3A_190 = arith.constant 0 : i32
      %dma_wait3A_191 = arith.constant 0 : i32
      %dma_wait3A_192 = tpu.memref_slice %arg11[%dma_wait3A_190, %dma_wait3A_191] : memref<128x128xf32, #tpu.memory_space<vmem>> -> memref<64x128xf32, #tpu.memory_space<vmem>>
      %dma_wait3A_193 = arith.constant 0 : i32
      %dma_wait3A_194 = tpu.memref_slice %arg8[%dma_wait3A_189, %dma_wait3A_193] : memref<2x128xi32, #tpu.memory_space<vmem>> -> memref<1x64xi32, #tpu.memory_space<vmem>>
      %dma_wait3A_195 = tpu.memref_squeeze %dma_wait3A_194 : memref<1x64xi32, #tpu.memory_space<vmem>> -> memref<64xi32, #tpu.memory_space<vmem>>
      %dma_wait3A_196 = arith.constant 0 : i32
      %dma_wait3A_197 = arith.constant 0 : i32
      %dma_wait3A_198 = tpu.memref_slice %arg4[%dma_wait3A_196, %dma_wait3A_197] : memref<10000x128xf32, #tpu.memory_space<hbm>> -> memref<10000x128xf32, #tpu.memory_space<hbm>>
      tpu.wait_indirect_dma semaphore(%arg18 : memref<!tpu.dma_semaphore, #tpu.memory_space<semaphore_mem>>) src(%dma_wait3A_198 : memref<10000x128xf32, #tpu.memory_space<hbm>>) dst(%dma_wait3A_192 : memref<64x128xf32, #tpu.memory_space<vmem>>)
      %dma_wait3A_199 = arith.constant 0 : i32
      %dma_wait3A_200 = arith.constant 64 : i32
      %dma_wait3A_201 = arith.constant 0 : i32
      %dma_wait3A_202 = tpu.memref_slice %arg11[%dma_wait3A_200, %dma_wait3A_201] : memref<128x128xf32, #tpu.memory_space<vmem>> -> memref<64x128xf32, #tpu.memory_space<vmem>>
      %dma_wait3A_203 = arith.constant 64 : i32
      %dma_wait3A_204 = tpu.memref_slice %arg8[%dma_wait3A_199, %dma_wait3A_203] : memref<2x128xi32, #tpu.memory_space<vmem>> -> memref<1x64xi32, #tpu.memory_space<vmem>>
      %dma_wait3A_205 = tpu.memref_squeeze %dma_wait3A_204 : memref<1x64xi32, #tpu.memory_space<vmem>> -> memref<64xi32, #tpu.memory_space<vmem>>
      %dma_wait3A_206 = arith.constant 0 : i32
      %dma_wait3A_207 = arith.constant 0 : i32
      %dma_wait3A_208 = tpu.memref_slice %arg4[%dma_wait3A_206, %dma_wait3A_207] : memref<10000x128xf32, #tpu.memory_space<hbm>> -> memref<10000x128xf32, #tpu.memory_space<hbm>>
      tpu.wait_indirect_dma semaphore(%arg18 : memref<!tpu.dma_semaphore, #tpu.memory_space<semaphore_mem>>) src(%dma_wait3A_208 : memref<10000x128xf32, #tpu.memory_space<hbm>>) dst(%dma_wait3A_202 : memref<64x128xf32, #tpu.memory_space<vmem>>)
      %dma_start3A_209 = arith.constant 1 : i32
      %dma_start3A_210 = arith.constant 0 : i32
      %dma_start3A_211 = tpu.memref_slice %arg8[%dma_start3A_209, %dma_start3A_210] : memref<2x128xi32, #tpu.memory_space<vmem>> -> memref<1x128xi32, #tpu.memory_space<vmem>>
      %dma_start3A_212 = tpu.memref_squeeze %dma_start3A_211 : memref<1x128xi32, #tpu.memory_space<vmem>> -> memref<128xi32, #tpu.memory_space<vmem>>
      %dma_start3A_213 = arith.constant 0 : i32
      %dma_start3A_214 = arith.constant 0 : i32
      %dma_start3A_215 = tpu.memref_slice %arg12[%dma_start3A_213, %dma_start3A_214] : memref<10112x128xf32, #tpu.memory_space<vmem_shared>> -> memref<10112x128xf32, #tpu.memory_space<vmem_shared>>
      tpu.enqueue_indirect_dma source(%arg11 : memref<128x128xf32, #tpu.memory_space<vmem>>) target(%dma_start3A_215 : memref<10112x128xf32, #tpu.memory_space<vmem_shared>>) offsets(%dma_start3A_212 : memref<128xi32, #tpu.memory_space<vmem>>) semaphore(%arg21 : memref<!tpu.dma_semaphore, #tpu.memory_space<semaphore_mem>>) {add = true}
    }
    %scan3A_37 = arith.constant 26 : i32
    %dma_wait3A = arith.constant 1 : i32
    %dma_wait3A_38 = arith.constant 0 : i32
    %dma_wait3A_39 = tpu.memref_slice %arg8[%dma_wait3A, %dma_wait3A_38] : memref<2x128xi32, #tpu.memory_space<vmem>> -> memref<1x128xi32, #tpu.memory_space<vmem>>
    %dma_wait3A_40 = tpu.memref_squeeze %dma_wait3A_39 : memref<1x128xi32, #tpu.memory_space<vmem>> -> memref<128xi32, #tpu.memory_space<vmem>>
    %dma_wait3A_41 = arith.constant 0 : i32
    %dma_wait3A_42 = arith.constant 0 : i32
    %dma_wait3A_43 = tpu.memref_slice %arg12[%dma_wait3A_41, %dma_wait3A_42] : memref<10112x128xf32, #tpu.memory_space<vmem_shared>> -> memref<10112x128xf32, #tpu.memory_space<vmem_shared>>
    tpu.wait_indirect_dma semaphore(%arg21 : memref<!tpu.dma_semaphore, #tpu.memory_space<semaphore_mem>>) src(%arg11 : memref<128x128xf32, #tpu.memory_space<vmem>>) dst(%dma_wait3A_43 : memref<10112x128xf32, #tpu.memory_space<vmem_shared>>)
    %lt3A = arith.constant 4 : i32
    %lt3A_44 = arith.cmpi slt, %add3A, %lt3A : i32
    %convert_element_type3A = arith.extui %lt3A_44 : i1 to i32
    %cond3A = arith.constant 0 : i32
    %cond3A_45 = arith.cmpi ne, %convert_element_type3A, %cond3A : i32
    scf.if %cond3A_45 {
      %add3A_51 = arith.constant 2496 : i32
      %add3A_52 = arith.addi %add3A_51, %add3A : i32
      %mul3A_53 = arith.constant 128 : i32
      %mul3A_54 = arith.muli %add3A_52, %mul3A_53 : i32
      "tpu.region"() ({
        %run_scoped3A = tpu.sem_alloc : memref<!tpu.dma_semaphore, #tpu.memory_space<semaphore_mem>>
        %dma_start3A_109 = arith.constant 0 : i32
        %dma_start3A_110 = tpu.memref_slice %arg2[%dma_start3A_109, %mul3A_54] : memref<2x320000xi32, #tpu.memory_space<hbm>> -> memref<2x128xi32, #tpu.memory_space<hbm>>
        %dma_start3A_111 = arith.constant 0 : i32
        %dma_start3A_112 = tpu.memref_slice %arg2[%dma_start3A_111, %mul3A_54] : memref<2x320000xi32, #tpu.memory_space<hbm>> -> memref<2x128xi32, #tpu.memory_space<hbm>>
        tpu.enqueue_dma source(%dma_start3A_112 : memref<2x128xi32, #tpu.memory_space<hbm>>) target(%arg6 : memref<2x128xi32, #tpu.memory_space<vmem>>) target_semaphore(%run_scoped3A : memref<!tpu.dma_semaphore, #tpu.memory_space<semaphore_mem>>)
        %dma_wait3A_113 = arith.constant 0 : i32
        %dma_wait3A_114 = tpu.memref_slice %arg2[%dma_wait3A_113, %mul3A_54] : memref<2x320000xi32, #tpu.memory_space<hbm>> -> memref<2x128xi32, #tpu.memory_space<hbm>>
        %dma_wait3A_115 = arith.constant 0 : i32
        %dma_wait3A_116 = tpu.memref_slice %arg2[%dma_wait3A_115, %mul3A_54] : memref<2x320000xi32, #tpu.memory_space<hbm>> -> memref<2x128xi32, #tpu.memory_space<hbm>>
        tpu.wait_dma2 semaphore(%run_scoped3A : memref<!tpu.dma_semaphore, #tpu.memory_space<semaphore_mem>>) src(%dma_wait3A_116 : memref<2x128xi32, #tpu.memory_space<hbm>>) dst(%arg6 : memref<2x128xi32, #tpu.memory_space<vmem>>)
        tpu.yield
      }) : () -> ()
      %dma_start3A_55 = arith.constant 0 : i32
      %dma_start3A_56 = arith.constant 0 : i32
      %dma_start3A_57 = arith.constant 0 : i32
      %dma_start3A_58 = tpu.memref_slice %arg9[%dma_start3A_56, %dma_start3A_57] : memref<128x128xf32, #tpu.memory_space<vmem>> -> memref<64x128xf32, #tpu.memory_space<vmem>>
      %dma_start3A_59 = arith.constant 0 : i32
      %dma_start3A_60 = tpu.memref_slice %arg6[%dma_start3A_55, %dma_start3A_59] : memref<2x128xi32, #tpu.memory_space<vmem>> -> memref<1x64xi32, #tpu.memory_space<vmem>>
      %dma_start3A_61 = tpu.memref_squeeze %dma_start3A_60 : memref<1x64xi32, #tpu.memory_space<vmem>> -> memref<64xi32, #tpu.memory_space<vmem>>
      %dma_start3A_62 = arith.constant 0 : i32
      %dma_start3A_63 = arith.constant 0 : i32
      %dma_start3A_64 = tpu.memref_slice %arg4[%dma_start3A_62, %dma_start3A_63] : memref<10000x128xf32, #tpu.memory_space<hbm>> -> memref<10000x128xf32, #tpu.memory_space<hbm>>
      tpu.enqueue_indirect_dma source(%dma_start3A_64 : memref<10000x128xf32, #tpu.memory_space<hbm>>) target(%dma_start3A_58 : memref<64x128xf32, #tpu.memory_space<vmem>>) offsets(%dma_start3A_61 : memref<64xi32, #tpu.memory_space<vmem>>) semaphore(%arg16 : memref<!tpu.dma_semaphore, #tpu.memory_space<semaphore_mem>>)
      %dma_start3A_65 = arith.constant 0 : i32
      %dma_start3A_66 = arith.constant 64 : i32
      %dma_start3A_67 = arith.constant 0 : i32
      %dma_start3A_68 = tpu.memref_slice %arg9[%dma_start3A_66, %dma_start3A_67] : memref<128x128xf32, #tpu.memory_space<vmem>> -> memref<64x128xf32, #tpu.memory_space<vmem>>
      %dma_start3A_69 = arith.constant 64 : i32
      %dma_start3A_70 = tpu.memref_slice %arg6[%dma_start3A_65, %dma_start3A_69] : memref<2x128xi32, #tpu.memory_space<vmem>> -> memref<1x64xi32, #tpu.memory_space<vmem>>
      %dma_start3A_71 = tpu.memref_squeeze %dma_start3A_70 : memref<1x64xi32, #tpu.memory_space<vmem>> -> memref<64xi32, #tpu.memory_space<vmem>>
      %dma_start3A_72 = arith.constant 0 : i32
      %dma_start3A_73 = arith.constant 0 : i32
      %dma_start3A_74 = tpu.memref_slice %arg4[%dma_start3A_72, %dma_start3A_73] : memref<10000x128xf32, #tpu.memory_space<hbm>> -> memref<10000x128xf32, #tpu.memory_space<hbm>>
      tpu.enqueue_indirect_dma source(%dma_start3A_74 : memref<10000x128xf32, #tpu.memory_space<hbm>>) target(%dma_start3A_68 : memref<64x128xf32, #tpu.memory_space<vmem>>) offsets(%dma_start3A_71 : memref<64xi32, #tpu.memory_space<vmem>>) semaphore(%arg16 : memref<!tpu.dma_semaphore, #tpu.memory_space<semaphore_mem>>)
      %dma_wait3A_75 = arith.constant 0 : i32
      %dma_wait3A_76 = arith.constant 0 : i32
      %dma_wait3A_77 = arith.constant 0 : i32
      %dma_wait3A_78 = tpu.memref_slice %arg9[%dma_wait3A_76, %dma_wait3A_77] : memref<128x128xf32, #tpu.memory_space<vmem>> -> memref<64x128xf32, #tpu.memory_space<vmem>>
      %dma_wait3A_79 = arith.constant 0 : i32
      %dma_wait3A_80 = tpu.memref_slice %arg6[%dma_wait3A_75, %dma_wait3A_79] : memref<2x128xi32, #tpu.memory_space<vmem>> -> memref<1x64xi32, #tpu.memory_space<vmem>>
      %dma_wait3A_81 = tpu.memref_squeeze %dma_wait3A_80 : memref<1x64xi32, #tpu.memory_space<vmem>> -> memref<64xi32, #tpu.memory_space<vmem>>
      %dma_wait3A_82 = arith.constant 0 : i32
      %dma_wait3A_83 = arith.constant 0 : i32
      %dma_wait3A_84 = tpu.memref_slice %arg4[%dma_wait3A_82, %dma_wait3A_83] : memref<10000x128xf32, #tpu.memory_space<hbm>> -> memref<10000x128xf32, #tpu.memory_space<hbm>>
      tpu.wait_indirect_dma semaphore(%arg16 : memref<!tpu.dma_semaphore, #tpu.memory_space<semaphore_mem>>) src(%dma_wait3A_84 : memref<10000x128xf32, #tpu.memory_space<hbm>>) dst(%dma_wait3A_78 : memref<64x128xf32, #tpu.memory_space<vmem>>)
      %dma_wait3A_85 = arith.constant 0 : i32
      %dma_wait3A_86 = arith.constant 64 : i32
      %dma_wait3A_87 = arith.constant 0 : i32
      %dma_wait3A_88 = tpu.memref_slice %arg9[%dma_wait3A_86, %dma_wait3A_87] : memref<128x128xf32, #tpu.memory_space<vmem>> -> memref<64x128xf32, #tpu.memory_space<vmem>>
      %dma_wait3A_89 = arith.constant 64 : i32
      %dma_wait3A_90 = tpu.memref_slice %arg6[%dma_wait3A_85, %dma_wait3A_89] : memref<2x128xi32, #tpu.memory_space<vmem>> -> memref<1x64xi32, #tpu.memory_space<vmem>>
      %dma_wait3A_91 = tpu.memref_squeeze %dma_wait3A_90 : memref<1x64xi32, #tpu.memory_space<vmem>> -> memref<64xi32, #tpu.memory_space<vmem>>
      %dma_wait3A_92 = arith.constant 0 : i32
      %dma_wait3A_93 = arith.constant 0 : i32
      %dma_wait3A_94 = tpu.memref_slice %arg4[%dma_wait3A_92, %dma_wait3A_93] : memref<10000x128xf32, #tpu.memory_space<hbm>> -> memref<10000x128xf32, #tpu.memory_space<hbm>>
      tpu.wait_indirect_dma semaphore(%arg16 : memref<!tpu.dma_semaphore, #tpu.memory_space<semaphore_mem>>) src(%dma_wait3A_94 : memref<10000x128xf32, #tpu.memory_space<hbm>>) dst(%dma_wait3A_88 : memref<64x128xf32, #tpu.memory_space<vmem>>)
      %dma_start3A_95 = arith.constant 1 : i32
      %dma_start3A_96 = arith.constant 0 : i32
      %dma_start3A_97 = tpu.memref_slice %arg6[%dma_start3A_95, %dma_start3A_96] : memref<2x128xi32, #tpu.memory_space<vmem>> -> memref<1x128xi32, #tpu.memory_space<vmem>>
      %dma_start3A_98 = tpu.memref_squeeze %dma_start3A_97 : memref<1x128xi32, #tpu.memory_space<vmem>> -> memref<128xi32, #tpu.memory_space<vmem>>
      %dma_start3A_99 = arith.constant 0 : i32
      %dma_start3A_100 = arith.constant 0 : i32
      %dma_start3A_101 = tpu.memref_slice %arg12[%dma_start3A_99, %dma_start3A_100] : memref<10112x128xf32, #tpu.memory_space<vmem_shared>> -> memref<10112x128xf32, #tpu.memory_space<vmem_shared>>
      tpu.enqueue_indirect_dma source(%arg9 : memref<128x128xf32, #tpu.memory_space<vmem>>) target(%dma_start3A_101 : memref<10112x128xf32, #tpu.memory_space<vmem_shared>>) offsets(%dma_start3A_98 : memref<128xi32, #tpu.memory_space<vmem>>) semaphore(%arg19 : memref<!tpu.dma_semaphore, #tpu.memory_space<semaphore_mem>>) {add = true}
      %dma_wait3A_102 = arith.constant 1 : i32
      %dma_wait3A_103 = arith.constant 0 : i32
      %dma_wait3A_104 = tpu.memref_slice %arg6[%dma_wait3A_102, %dma_wait3A_103] : memref<2x128xi32, #tpu.memory_space<vmem>> -> memref<1x128xi32, #tpu.memory_space<vmem>>
      %dma_wait3A_105 = tpu.memref_squeeze %dma_wait3A_104 : memref<1x128xi32, #tpu.memory_space<vmem>> -> memref<128xi32, #tpu.memory_space<vmem>>
      %dma_wait3A_106 = arith.constant 0 : i32
      %dma_wait3A_107 = arith.constant 0 : i32
      %dma_wait3A_108 = tpu.memref_slice %arg12[%dma_wait3A_106, %dma_wait3A_107] : memref<10112x128xf32, #tpu.memory_space<vmem_shared>> -> memref<10112x128xf32, #tpu.memory_space<vmem_shared>>
      tpu.wait_indirect_dma semaphore(%arg19 : memref<!tpu.dma_semaphore, #tpu.memory_space<semaphore_mem>>) src(%arg9 : memref<128x128xf32, #tpu.memory_space<vmem>>) dst(%dma_wait3A_108 : memref<10112x128xf32, #tpu.memory_space<vmem_shared>>)
    } else {
    }
    %barrier3A_46 = arith.constant 0 : index
    tpu.barrier barrier_id(%barrier3A_46)
    %mul3A_47 = arith.constant 632 : i32
    %mul3A_48 = arith.muli %arg1, %mul3A_47 : i32
    %mul3A_49 = arith.constant 632 : i32
    %mul3A_50 = arith.muli %arg1, %mul3A_49 : i32
    "tpu.region"() ({
      %run_scoped3A = tpu.sem_alloc : memref<!tpu.dma_semaphore, #tpu.memory_space<semaphore_mem>>
      %dma_start3A_51 = arith.constant 0 : i32
      %dma_start3A_52 = tpu.memref_slice %arg5[%arg0, %mul3A_50, %dma_start3A_51] : memref<2x10112x128xf32, #tpu.memory_space<hbm>> -> memref<1x632x128xf32, #tpu.memory_space<hbm>>
      %dma_start3A_53 = tpu.memref_squeeze %dma_start3A_52 : memref<1x632x128xf32, #tpu.memory_space<hbm>> -> memref<632x128xf32, #tpu.memory_space<hbm>>
      %dma_start3A_54 = arith.constant 0 : i32
      %dma_start3A_55 = tpu.memref_slice %arg12[%mul3A_48, %dma_start3A_54] : memref<10112x128xf32, #tpu.memory_space<vmem_shared>> -> memref<632x128xf32, #tpu.memory_space<vmem_shared>>
      tpu.enqueue_dma source(%dma_start3A_55 : memref<632x128xf32, #tpu.memory_space<vmem_shared>>) target(%dma_start3A_53 : memref<632x128xf32, #tpu.memory_space<hbm>>) target_semaphore(%run_scoped3A : memref<!tpu.dma_semaphore, #tpu.memory_space<semaphore_mem>>)
      %dma_wait3A_56 = arith.constant 0 : i32
      %dma_wait3A_57 = tpu.memref_slice %arg5[%arg0, %mul3A_50, %dma_wait3A_56] : memref<2x10112x128xf32, #tpu.memory_space<hbm>> -> memref<1x632x128xf32, #tpu.memory_space<hbm>>
      %dma_wait3A_58 = tpu.memref_squeeze %dma_wait3A_57 : memref<1x632x128xf32, #tpu.memory_space<hbm>> -> memref<632x128xf32, #tpu.memory_space<hbm>>
      %dma_wait3A_59 = arith.constant 0 : i32
      %dma_wait3A_60 = tpu.memref_slice %arg12[%mul3A_48, %dma_wait3A_59] : memref<10112x128xf32, #tpu.memory_space<vmem_shared>> -> memref<632x128xf32, #tpu.memory_space<vmem_shared>>
      tpu.wait_dma2 semaphore(%run_scoped3A : memref<!tpu.dma_semaphore, #tpu.memory_space<semaphore_mem>>) src(%dma_wait3A_60 : memref<632x128xf32, #tpu.memory_space<vmem_shared>>) dst(%dma_wait3A_58 : memref<632x128xf32, #tpu.memory_space<hbm>>)
      tpu.yield
    }) : () -> ()
    return
  }
}

#map = affine_map<(d0, d1) -> (0, 0)>
#map1 = affine_map<(d0, d1) -> (0, 0, 0)>
module attributes {stable_mosaic.version = 14 : i64} {
  func.func @agg_kernel(%arg0: i32, %arg1: i32, %arg2: memref<2x320000xi32, #tpu.memory_space<hbm>>, %arg3: memref<632x128xf32, #tpu.memory_space<hbm>>, %arg4: memref<10000x128xf32, #tpu.memory_space<hbm>>, %arg5: memref<2x10112x128xf32, #tpu.memory_space<hbm>>, %arg6: memref<2x128xi32, #tpu.memory_space<vmem>>, %arg7: memref<2x128xi32, #tpu.memory_space<vmem>>, %arg8: memref<2x128xi32, #tpu.memory_space<vmem>>, %arg9: memref<128x128xf32, #tpu.memory_space<vmem>>, %arg10: memref<128x128xf32, #tpu.memory_space<vmem>>, %arg11: memref<128x128xf32, #tpu.memory_space<vmem>>, %arg12: memref<10112x128xf32, #tpu.memory_space<vmem_shared>>, %arg13: memref<!tpu.dma_semaphore, #tpu.memory_space<semaphore_mem>>, %arg14: memref<!tpu.dma_semaphore, #tpu.memory_space<semaphore_mem>>, %arg15: memref<!tpu.dma_semaphore, #tpu.memory_space<semaphore_mem>>, %arg16: memref<!tpu.dma_semaphore, #tpu.memory_space<semaphore_mem>>, %arg17: memref<!tpu.dma_semaphore, #tpu.memory_space<semaphore_mem>>, %arg18: memref<!tpu.dma_semaphore, #tpu.memory_space<semaphore_mem>>, %arg19: memref<!tpu.dma_semaphore, #tpu.memory_space<semaphore_mem>>, %arg20: memref<!tpu.dma_semaphore, #tpu.memory_space<semaphore_mem>>, %arg21: memref<!tpu.dma_semaphore, #tpu.memory_space<semaphore_mem>>) attributes {dimension_semantics = [#tpu.dimension_semantics<core_parallel>, #tpu.dimension_semantics<subcore_parallel>], iteration_bounds = array<i64: 2, 16>, scalar_prefetch = 0 : i64, scratch_operands = 16 : i64, tpu.core_type = #tpu.core_type<sc_vector_subcore>, window_params = [{transform_indices = #map}, {transform_indices = #map}, {transform_indices = #map}, {transform_indices = #map1}]} {
    %mul3A = arith.constant 16 : i32
    %mul3A_0 = arith.muli %arg0, %mul3A : i32
    %add3A = arith.addi %mul3A_0, %arg1 : i32
    %mul3A_1 = arith.constant 632 : i32
    %mul3A_2 = arith.muli %arg1, %mul3A_1 : i32
    "tpu.region"() ({
      %run_scoped3A = tpu.sem_alloc : memref<!tpu.dma_semaphore, #tpu.memory_space<semaphore_mem>>
      %dma_start3A_51 = arith.constant 0 : i32
      %dma_start3A_52 = tpu.memref_slice %arg12[%mul3A_2, %dma_start3A_51] : memref<10112x128xf32, #tpu.memory_space<vmem_shared>> -> memref<632x128xf32, #tpu.memory_space<vmem_shared>>
      tpu.enqueue_dma source(%arg3 : memref<632x128xf32, #tpu.memory_space<hbm>>) target(%dma_start3A_52 : memref<632x128xf32, #tpu.memory_space<vmem_shared>>) target_semaphore(%run_scoped3A : memref<!tpu.dma_semaphore, #tpu.memory_space<semaphore_mem>>)
      %dma_wait3A_53 = arith.constant 0 : i32
      %dma_wait3A_54 = tpu.memref_slice %arg12[%mul3A_2, %dma_wait3A_53] : memref<10112x128xf32, #tpu.memory_space<vmem_shared>> -> memref<632x128xf32, #tpu.memory_space<vmem_shared>>
      tpu.wait_dma2 semaphore(%run_scoped3A : memref<!tpu.dma_semaphore, #tpu.memory_space<semaphore_mem>>) src(%arg3 : memref<632x128xf32, #tpu.memory_space<hbm>>) dst(%dma_wait3A_54 : memref<632x128xf32, #tpu.memory_space<vmem_shared>>)
      tpu.yield
    }) : () -> ()
    %barrier3A = arith.constant 0 : index
    tpu.barrier barrier_id(%barrier3A)
    %add3A_3 = arith.constant 0 : i32
    %add3A_4 = arith.addi %add3A_3, %add3A : i32
    %mul3A_5 = arith.constant 128 : i32
    %mul3A_6 = arith.muli %add3A_4, %mul3A_5 : i32
    "tpu.region"() ({
      %run_scoped3A = tpu.sem_alloc : memref<!tpu.dma_semaphore, #tpu.memory_space<semaphore_mem>>
      %dma_start3A_51 = arith.constant 0 : i32
      %dma_start3A_52 = tpu.memref_slice %arg2[%dma_start3A_51, %mul3A_6] : memref<2x320000xi32, #tpu.memory_space<hbm>> -> memref<2x128xi32, #tpu.memory_space<hbm>>
      %dma_start3A_53 = arith.constant 0 : i32
      %dma_start3A_54 = tpu.memref_slice %arg2[%dma_start3A_53, %mul3A_6] : memref<2x320000xi32, #tpu.memory_space<hbm>> -> memref<2x128xi32, #tpu.memory_space<hbm>>
      tpu.enqueue_dma source(%dma_start3A_54 : memref<2x128xi32, #tpu.memory_space<hbm>>) target(%arg6 : memref<2x128xi32, #tpu.memory_space<vmem>>) target_semaphore(%run_scoped3A : memref<!tpu.dma_semaphore, #tpu.memory_space<semaphore_mem>>)
      %dma_wait3A_55 = arith.constant 0 : i32
      %dma_wait3A_56 = tpu.memref_slice %arg2[%dma_wait3A_55, %mul3A_6] : memref<2x320000xi32, #tpu.memory_space<hbm>> -> memref<2x128xi32, #tpu.memory_space<hbm>>
      %dma_wait3A_57 = arith.constant 0 : i32
      %dma_wait3A_58 = tpu.memref_slice %arg2[%dma_wait3A_57, %mul3A_6] : memref<2x320000xi32, #tpu.memory_space<hbm>> -> memref<2x128xi32, #tpu.memory_space<hbm>>
      tpu.wait_dma2 semaphore(%run_scoped3A : memref<!tpu.dma_semaphore, #tpu.memory_space<semaphore_mem>>) src(%dma_wait3A_58 : memref<2x128xi32, #tpu.memory_space<hbm>>) dst(%arg6 : memref<2x128xi32, #tpu.memory_space<vmem>>)
      tpu.yield
    }) : () -> ()
    %dma_start3A = arith.constant 0 : i32
    %dma_start3A_7 = arith.constant 0 : i32
    %dma_start3A_8 = arith.constant 0 : i32
    %dma_start3A_9 = tpu.memref_slice %arg9[%dma_start3A_7, %dma_start3A_8] : memref<128x128xf32, #tpu.memory_space<vmem>> -> memref<64x128xf32, #tpu.memory_space<vmem>>
    %dma_start3A_10 = arith.constant 0 : i32
    %dma_start3A_11 = tpu.memref_slice %arg6[%dma_start3A, %dma_start3A_10] : memref<2x128xi32, #tpu.memory_space<vmem>> -> memref<1x64xi32, #tpu.memory_space<vmem>>
    %dma_start3A_12 = tpu.memref_squeeze %dma_start3A_11 : memref<1x64xi32, #tpu.memory_space<vmem>> -> memref<64xi32, #tpu.memory_space<vmem>>
    %dma_start3A_13 = arith.constant 0 : i32
    %dma_start3A_14 = arith.constant 0 : i32
    %dma_start3A_15 = tpu.memref_slice %arg4[%dma_start3A_13, %dma_start3A_14] : memref<10000x128xf32, #tpu.memory_space<hbm>> -> memref<10000x128xf32, #tpu.memory_space<hbm>>
    tpu.enqueue_indirect_dma source(%dma_start3A_15 : memref<10000x128xf32, #tpu.memory_space<hbm>>) target(%dma_start3A_9 : memref<64x128xf32, #tpu.memory_space<vmem>>) offsets(%dma_start3A_12 : memref<64xi32, #tpu.memory_space<vmem>>) semaphore(%arg16 : memref<!tpu.dma_semaphore, #tpu.memory_space<semaphore_mem>>)
    %dma_start3A_16 = arith.constant 0 : i32
    %dma_start3A_17 = arith.constant 64 : i32
    %dma_start3A_18 = arith.constant 0 : i32
    %dma_start3A_19 = tpu.memref_slice %arg9[%dma_start3A_17, %dma_start3A_18] : memref<128x128xf32, #tpu.memory_space<vmem>> -> memref<64x128xf32, #tpu.memory_space<vmem>>
    %dma_start3A_20 = arith.constant 64 : i32
    %dma_start3A_21 = tpu.memref_slice %arg6[%dma_start3A_16, %dma_start3A_20] : memref<2x128xi32, #tpu.memory_space<vmem>> -> memref<1x64xi32, #tpu.memory_space<vmem>>
    %dma_start3A_22 = tpu.memref_squeeze %dma_start3A_21 : memref<1x64xi32, #tpu.memory_space<vmem>> -> memref<64xi32, #tpu.memory_space<vmem>>
    %dma_start3A_23 = arith.constant 0 : i32
    %dma_start3A_24 = arith.constant 0 : i32
    %dma_start3A_25 = tpu.memref_slice %arg4[%dma_start3A_23, %dma_start3A_24] : memref<10000x128xf32, #tpu.memory_space<hbm>> -> memref<10000x128xf32, #tpu.memory_space<hbm>>
    tpu.enqueue_indirect_dma source(%dma_start3A_25 : memref<10000x128xf32, #tpu.memory_space<hbm>>) target(%dma_start3A_19 : memref<64x128xf32, #tpu.memory_space<vmem>>) offsets(%dma_start3A_22 : memref<64xi32, #tpu.memory_space<vmem>>) semaphore(%arg16 : memref<!tpu.dma_semaphore, #tpu.memory_space<semaphore_mem>>)
    %add3A_26 = arith.constant 32 : i32
    %add3A_27 = arith.addi %add3A_26, %add3A : i32
    %mul3A_28 = arith.constant 128 : i32
    %mul3A_29 = arith.muli %add3A_27, %mul3A_28 : i32
    %dma_start3A_30 = arith.constant 0 : i32
    %dma_start3A_31 = tpu.memref_slice %arg2[%dma_start3A_30, %mul3A_29] : memref<2x320000xi32, #tpu.memory_space<hbm>> -> memref<2x128xi32, #tpu.memory_space<hbm>>
    %dma_start3A_32 = arith.constant 0 : i32
    %dma_start3A_33 = tpu.memref_slice %arg2[%dma_start3A_32, %mul3A_29] : memref<2x320000xi32, #tpu.memory_space<hbm>> -> memref<2x128xi32, #tpu.memory_space<hbm>>
    tpu.enqueue_dma source(%dma_start3A_33 : memref<2x128xi32, #tpu.memory_space<hbm>>) target(%arg7 : memref<2x128xi32, #tpu.memory_space<vmem>>) target_semaphore(%arg14 : memref<!tpu.dma_semaphore, #tpu.memory_space<semaphore_mem>>)
    %scan3A = arith.constant 0 : i32
    %scan3A_34 = arith.constant 26 : i32
    %scan3A_35 = arith.addi %scan3A, %scan3A_34 : i32
    %scan3A_36 = arith.constant 1 : i32
    scf.for %scan3A_51 = %scan3A to %scan3A_35 step %scan3A_36  : i32 {
      %mul3A_52 = arith.constant 3 : i32
      %mul3A_53 = arith.muli %mul3A_52, %scan3A_51 : i32
      %add3A_54 = arith.constant 1 : i32
      %add3A_55 = arith.addi %mul3A_53, %add3A_54 : i32
      %lt3A_56 = arith.constant 78 : i32
      %lt3A_57 = arith.cmpi slt, %add3A_55, %lt3A_56 : i32
      %convert_element_type3A_58 = arith.extui %lt3A_57 : i1 to i32
      %cond3A_59 = arith.constant 0 : i32
      %cond3A_60 = arith.cmpi ne, %convert_element_type3A_58, %cond3A_59 : i32
      scf.if %cond3A_60 {
        %add3A_216 = arith.constant 1 : i32
        %add3A_217 = arith.addi %mul3A_53, %add3A_216 : i32
        %mul3A_218 = arith.constant 32 : i32
        %mul3A_219 = arith.muli %add3A_217, %mul3A_218 : i32
        %add3A_220 = arith.addi %mul3A_219, %add3A : i32
        %mul3A_221 = arith.constant 128 : i32
        %mul3A_222 = arith.muli %add3A_220, %mul3A_221 : i32
        %dma_wait3A_223 = arith.constant 0 : i32
        %dma_wait3A_224 = tpu.memref_slice %arg2[%dma_wait3A_223, %mul3A_222] : memref<2x320000xi32, #tpu.memory_space<hbm>> -> memref<2x128xi32, #tpu.memory_space<hbm>>
        %dma_wait3A_225 = arith.constant 0 : i32
        %dma_wait3A_226 = tpu.memref_slice %arg2[%dma_wait3A_225, %mul3A_222] : memref<2x320000xi32, #tpu.memory_space<hbm>> -> memref<2x128xi32, #tpu.memory_space<hbm>>
        tpu.wait_dma2 semaphore(%arg14 : memref<!tpu.dma_semaphore, #tpu.memory_space<semaphore_mem>>) src(%dma_wait3A_226 : memref<2x128xi32, #tpu.memory_space<hbm>>) dst(%arg7 : memref<2x128xi32, #tpu.memory_space<vmem>>)
      } else {
      }
      %ge3A = arith.constant 1 : i32
      %ge3A_61 = arith.cmpi sge, %mul3A_53, %ge3A : i32
      %convert_element_type3A_62 = arith.extui %ge3A_61 : i1 to i32
      %cond3A_63 = arith.constant 0 : i32
      %cond3A_64 = arith.cmpi ne, %convert_element_type3A_62, %cond3A_63 : i32
      scf.if %cond3A_64 {
        %dma_wait3A_216 = arith.constant 1 : i32
        %dma_wait3A_217 = arith.constant 0 : i32
        %dma_wait3A_218 = tpu.memref_slice %arg8[%dma_wait3A_216, %dma_wait3A_217] : memref<2x128xi32, #tpu.memory_space<vmem>> -> memref<1x128xi32, #tpu.memory_space<vmem>>
        %dma_wait3A_219 = tpu.memref_squeeze %dma_wait3A_218 : memref<1x128xi32, #tpu.memory_space<vmem>> -> memref<128xi32, #tpu.memory_space<vmem>>
        %dma_wait3A_220 = arith.constant 0 : i32
        %dma_wait3A_221 = arith.constant 0 : i32
        %dma_wait3A_222 = tpu.memref_slice %arg12[%dma_wait3A_220, %dma_wait3A_221] : memref<10112x128xf32, #tpu.memory_space<vmem_shared>> -> memref<10112x128xf32, #tpu.memory_space<vmem_shared>>
        tpu.wait_indirect_dma semaphore(%arg21 : memref<!tpu.dma_semaphore, #tpu.memory_space<semaphore_mem>>) src(%arg11 : memref<128x128xf32, #tpu.memory_space<vmem>>) dst(%dma_wait3A_222 : memref<10112x128xf32, #tpu.memory_space<vmem_shared>>)
      } else {
      }
      %add3A_65 = arith.constant 1 : i32
      %add3A_66 = arith.addi %mul3A_53, %add3A_65 : i32
      %lt3A_67 = arith.constant 78 : i32
      %lt3A_68 = arith.cmpi slt, %add3A_66, %lt3A_67 : i32
      %convert_element_type3A_69 = arith.extui %lt3A_68 : i1 to i32
      %cond3A_70 = arith.constant 0 : i32
      %cond3A_71 = arith.cmpi ne, %convert_element_type3A_69, %cond3A_70 : i32
      scf.if %cond3A_71 {
        %dma_start3A_216 = arith.constant 0 : i32
        %dma_start3A_217 = arith.constant 0 : i32
        %dma_start3A_218 = arith.constant 0 : i32
        %dma_start3A_219 = tpu.memref_slice %arg10[%dma_start3A_217, %dma_start3A_218] : memref<128x128xf32, #tpu.memory_space<vmem>> -> memref<64x128xf32, #tpu.memory_space<vmem>>
        %dma_start3A_220 = arith.constant 0 : i32
        %dma_start3A_221 = tpu.memref_slice %arg7[%dma_start3A_216, %dma_start3A_220] : memref<2x128xi32, #tpu.memory_space<vmem>> -> memref<1x64xi32, #tpu.memory_space<vmem>>
        %dma_start3A_222 = tpu.memref_squeeze %dma_start3A_221 : memref<1x64xi32, #tpu.memory_space<vmem>> -> memref<64xi32, #tpu.memory_space<vmem>>
        %dma_start3A_223 = arith.constant 0 : i32
        %dma_start3A_224 = arith.constant 0 : i32
        %dma_start3A_225 = tpu.memref_slice %arg4[%dma_start3A_223, %dma_start3A_224] : memref<10000x128xf32, #tpu.memory_space<hbm>> -> memref<10000x128xf32, #tpu.memory_space<hbm>>
        tpu.enqueue_indirect_dma source(%dma_start3A_225 : memref<10000x128xf32, #tpu.memory_space<hbm>>) target(%dma_start3A_219 : memref<64x128xf32, #tpu.memory_space<vmem>>) offsets(%dma_start3A_222 : memref<64xi32, #tpu.memory_space<vmem>>) semaphore(%arg17 : memref<!tpu.dma_semaphore, #tpu.memory_space<semaphore_mem>>)
        %dma_start3A_226 = arith.constant 0 : i32
        %dma_start3A_227 = arith.constant 64 : i32
        %dma_start3A_228 = arith.constant 0 : i32
        %dma_start3A_229 = tpu.memref_slice %arg10[%dma_start3A_227, %dma_start3A_228] : memref<128x128xf32, #tpu.memory_space<vmem>> -> memref<64x128xf32, #tpu.memory_space<vmem>>
        %dma_start3A_230 = arith.constant 64 : i32
        %dma_start3A_231 = tpu.memref_slice %arg7[%dma_start3A_226, %dma_start3A_230] : memref<2x128xi32, #tpu.memory_space<vmem>> -> memref<1x64xi32, #tpu.memory_space<vmem>>
        %dma_start3A_232 = tpu.memref_squeeze %dma_start3A_231 : memref<1x64xi32, #tpu.memory_space<vmem>> -> memref<64xi32, #tpu.memory_space<vmem>>
        %dma_start3A_233 = arith.constant 0 : i32
        %dma_start3A_234 = arith.constant 0 : i32
        %dma_start3A_235 = tpu.memref_slice %arg4[%dma_start3A_233, %dma_start3A_234] : memref<10000x128xf32, #tpu.memory_space<hbm>> -> memref<10000x128xf32, #tpu.memory_space<hbm>>
        tpu.enqueue_indirect_dma source(%dma_start3A_235 : memref<10000x128xf32, #tpu.memory_space<hbm>>) target(%dma_start3A_229 : memref<64x128xf32, #tpu.memory_space<vmem>>) offsets(%dma_start3A_232 : memref<64xi32, #tpu.memory_space<vmem>>) semaphore(%arg17 : memref<!tpu.dma_semaphore, #tpu.memory_space<semaphore_mem>>)
      } else {
      }
      %add3A_72 = arith.constant 2 : i32
      %add3A_73 = arith.addi %mul3A_53, %add3A_72 : i32
      %lt3A_74 = arith.constant 78 : i32
      %lt3A_75 = arith.cmpi slt, %add3A_73, %lt3A_74 : i32
      %convert_element_type3A_76 = arith.extui %lt3A_75 : i1 to i32
      %cond3A_77 = arith.constant 0 : i32
      %cond3A_78 = arith.cmpi ne, %convert_element_type3A_76, %cond3A_77 : i32
      scf.if %cond3A_78 {
        %add3A_216 = arith.constant 2 : i32
        %add3A_217 = arith.addi %mul3A_53, %add3A_216 : i32
        %mul3A_218 = arith.constant 32 : i32
        %mul3A_219 = arith.muli %add3A_217, %mul3A_218 : i32
        %add3A_220 = arith.addi %mul3A_219, %add3A : i32
        %mul3A_221 = arith.constant 128 : i32
        %mul3A_222 = arith.muli %add3A_220, %mul3A_221 : i32
        %dma_start3A_223 = arith.constant 0 : i32
        %dma_start3A_224 = tpu.memref_slice %arg2[%dma_start3A_223, %mul3A_222] : memref<2x320000xi32, #tpu.memory_space<hbm>> -> memref<2x128xi32, #tpu.memory_space<hbm>>
        %dma_start3A_225 = arith.constant 0 : i32
        %dma_start3A_226 = tpu.memref_slice %arg2[%dma_start3A_225, %mul3A_222] : memref<2x320000xi32, #tpu.memory_space<hbm>> -> memref<2x128xi32, #tpu.memory_space<hbm>>
        tpu.enqueue_dma source(%dma_start3A_226 : memref<2x128xi32, #tpu.memory_space<hbm>>) target(%arg8 : memref<2x128xi32, #tpu.memory_space<vmem>>) target_semaphore(%arg15 : memref<!tpu.dma_semaphore, #tpu.memory_space<semaphore_mem>>)
      } else {
      }
      %dma_wait3A_79 = arith.constant 0 : i32
      %dma_wait3A_80 = arith.constant 0 : i32
      %dma_wait3A_81 = arith.constant 0 : i32
      %dma_wait3A_82 = tpu.memref_slice %arg9[%dma_wait3A_80, %dma_wait3A_81] : memref<128x128xf32, #tpu.memory_space<vmem>> -> memref<64x128xf32, #tpu.memory_space<vmem>>
      %dma_wait3A_83 = arith.constant 0 : i32
      %dma_wait3A_84 = tpu.memref_slice %arg6[%dma_wait3A_79, %dma_wait3A_83] : memref<2x128xi32, #tpu.memory_space<vmem>> -> memref<1x64xi32, #tpu.memory_space<vmem>>
      %dma_wait3A_85 = tpu.memref_squeeze %dma_wait3A_84 : memref<1x64xi32, #tpu.memory_space<vmem>> -> memref<64xi32, #tpu.memory_space<vmem>>
      %dma_wait3A_86 = arith.constant 0 : i32
      %dma_wait3A_87 = arith.constant 0 : i32
      %dma_wait3A_88 = tpu.memref_slice %arg4[%dma_wait3A_86, %dma_wait3A_87] : memref<10000x128xf32, #tpu.memory_space<hbm>> -> memref<10000x128xf32, #tpu.memory_space<hbm>>
      tpu.wait_indirect_dma semaphore(%arg16 : memref<!tpu.dma_semaphore, #tpu.memory_space<semaphore_mem>>) src(%dma_wait3A_88 : memref<10000x128xf32, #tpu.memory_space<hbm>>) dst(%dma_wait3A_82 : memref<64x128xf32, #tpu.memory_space<vmem>>)
      %dma_wait3A_89 = arith.constant 0 : i32
      %dma_wait3A_90 = arith.constant 64 : i32
      %dma_wait3A_91 = arith.constant 0 : i32
      %dma_wait3A_92 = tpu.memref_slice %arg9[%dma_wait3A_90, %dma_wait3A_91] : memref<128x128xf32, #tpu.memory_space<vmem>> -> memref<64x128xf32, #tpu.memory_space<vmem>>
      %dma_wait3A_93 = arith.constant 64 : i32
      %dma_wait3A_94 = tpu.memref_slice %arg6[%dma_wait3A_89, %dma_wait3A_93] : memref<2x128xi32, #tpu.memory_space<vmem>> -> memref<1x64xi32, #tpu.memory_space<vmem>>
      %dma_wait3A_95 = tpu.memref_squeeze %dma_wait3A_94 : memref<1x64xi32, #tpu.memory_space<vmem>> -> memref<64xi32, #tpu.memory_space<vmem>>
      %dma_wait3A_96 = arith.constant 0 : i32
      %dma_wait3A_97 = arith.constant 0 : i32
      %dma_wait3A_98 = tpu.memref_slice %arg4[%dma_wait3A_96, %dma_wait3A_97] : memref<10000x128xf32, #tpu.memory_space<hbm>> -> memref<10000x128xf32, #tpu.memory_space<hbm>>
      tpu.wait_indirect_dma semaphore(%arg16 : memref<!tpu.dma_semaphore, #tpu.memory_space<semaphore_mem>>) src(%dma_wait3A_98 : memref<10000x128xf32, #tpu.memory_space<hbm>>) dst(%dma_wait3A_92 : memref<64x128xf32, #tpu.memory_space<vmem>>)
      %dma_start3A_99 = arith.constant 1 : i32
      %dma_start3A_100 = arith.constant 0 : i32
      %dma_start3A_101 = tpu.memref_slice %arg6[%dma_start3A_99, %dma_start3A_100] : memref<2x128xi32, #tpu.memory_space<vmem>> -> memref<1x128xi32, #tpu.memory_space<vmem>>
      %dma_start3A_102 = tpu.memref_squeeze %dma_start3A_101 : memref<1x128xi32, #tpu.memory_space<vmem>> -> memref<128xi32, #tpu.memory_space<vmem>>
      %dma_start3A_103 = arith.constant 0 : i32
      %dma_start3A_104 = arith.constant 0 : i32
      %dma_start3A_105 = tpu.memref_slice %arg12[%dma_start3A_103, %dma_start3A_104] : memref<10112x128xf32, #tpu.memory_space<vmem_shared>> -> memref<10112x128xf32, #tpu.memory_space<vmem_shared>>
      tpu.enqueue_indirect_dma source(%arg9 : memref<128x128xf32, #tpu.memory_space<vmem>>) target(%dma_start3A_105 : memref<10112x128xf32, #tpu.memory_space<vmem_shared>>) offsets(%dma_start3A_102 : memref<128xi32, #tpu.memory_space<vmem>>) semaphore(%arg19 : memref<!tpu.dma_semaphore, #tpu.memory_space<semaphore_mem>>) {add = true}
      %add3A_106 = arith.constant 1 : i32
      %add3A_107 = arith.addi %mul3A_53, %add3A_106 : i32
      %add3A_108 = arith.constant 1 : i32
      %add3A_109 = arith.addi %add3A_107, %add3A_108 : i32
      %lt3A_110 = arith.constant 78 : i32
      %lt3A_111 = arith.cmpi slt, %add3A_109, %lt3A_110 : i32
      %convert_element_type3A_112 = arith.extui %lt3A_111 : i1 to i32
      %cond3A_113 = arith.constant 0 : i32
      %cond3A_114 = arith.cmpi ne, %convert_element_type3A_112, %cond3A_113 : i32
      scf.if %cond3A_114 {
        %add3A_216 = arith.constant 1 : i32
        %add3A_217 = arith.addi %add3A_107, %add3A_216 : i32
        %mul3A_218 = arith.constant 32 : i32
        %mul3A_219 = arith.muli %add3A_217, %mul3A_218 : i32
        %add3A_220 = arith.addi %mul3A_219, %add3A : i32
        %mul3A_221 = arith.constant 128 : i32
        %mul3A_222 = arith.muli %add3A_220, %mul3A_221 : i32
        %dma_wait3A_223 = arith.constant 0 : i32
        %dma_wait3A_224 = tpu.memref_slice %arg2[%dma_wait3A_223, %mul3A_222] : memref<2x320000xi32, #tpu.memory_space<hbm>> -> memref<2x128xi32, #tpu.memory_space<hbm>>
        %dma_wait3A_225 = arith.constant 0 : i32
        %dma_wait3A_226 = tpu.memref_slice %arg2[%dma_wait3A_225, %mul3A_222] : memref<2x320000xi32, #tpu.memory_space<hbm>> -> memref<2x128xi32, #tpu.memory_space<hbm>>
        tpu.wait_dma2 semaphore(%arg15 : memref<!tpu.dma_semaphore, #tpu.memory_space<semaphore_mem>>) src(%dma_wait3A_226 : memref<2x128xi32, #tpu.memory_space<hbm>>) dst(%arg8 : memref<2x128xi32, #tpu.memory_space<vmem>>)
      } else {
      }
      %ge3A_115 = arith.constant 1 : i32
      %ge3A_116 = arith.cmpi sge, %add3A_107, %ge3A_115 : i32
      %convert_element_type3A_117 = arith.extui %ge3A_116 : i1 to i32
      %cond3A_118 = arith.constant 0 : i32
      %cond3A_119 = arith.cmpi ne, %convert_element_type3A_117, %cond3A_118 : i32
      scf.if %cond3A_119 {
        %dma_wait3A_216 = arith.constant 1 : i32
        %dma_wait3A_217 = arith.constant 0 : i32
        %dma_wait3A_218 = tpu.memref_slice %arg6[%dma_wait3A_216, %dma_wait3A_217] : memref<2x128xi32, #tpu.memory_space<vmem>> -> memref<1x128xi32, #tpu.memory_space<vmem>>
        %dma_wait3A_219 = tpu.memref_squeeze %dma_wait3A_218 : memref<1x128xi32, #tpu.memory_space<vmem>> -> memref<128xi32, #tpu.memory_space<vmem>>
        %dma_wait3A_220 = arith.constant 0 : i32
        %dma_wait3A_221 = arith.constant 0 : i32
        %dma_wait3A_222 = tpu.memref_slice %arg12[%dma_wait3A_220, %dma_wait3A_221] : memref<10112x128xf32, #tpu.memory_space<vmem_shared>> -> memref<10112x128xf32, #tpu.memory_space<vmem_shared>>
        tpu.wait_indirect_dma semaphore(%arg19 : memref<!tpu.dma_semaphore, #tpu.memory_space<semaphore_mem>>) src(%arg9 : memref<128x128xf32, #tpu.memory_space<vmem>>) dst(%dma_wait3A_222 : memref<10112x128xf32, #tpu.memory_space<vmem_shared>>)
      } else {
      }
      %add3A_120 = arith.constant 1 : i32
      %add3A_121 = arith.addi %add3A_107, %add3A_120 : i32
      %lt3A_122 = arith.constant 78 : i32
      %lt3A_123 = arith.cmpi slt, %add3A_121, %lt3A_122 : i32
      %convert_element_type3A_124 = arith.extui %lt3A_123 : i1 to i32
      %cond3A_125 = arith.constant 0 : i32
      %cond3A_126 = arith.cmpi ne, %convert_element_type3A_124, %cond3A_125 : i32
      scf.if %cond3A_126 {
        %dma_start3A_216 = arith.constant 0 : i32
        %dma_start3A_217 = arith.constant 0 : i32
        %dma_start3A_218 = arith.constant 0 : i32
        %dma_start3A_219 = tpu.memref_slice %arg11[%dma_start3A_217, %dma_start3A_218] : memref<128x128xf32, #tpu.memory_space<vmem>> -> memref<64x128xf32, #tpu.memory_space<vmem>>
        %dma_start3A_220 = arith.constant 0 : i32
        %dma_start3A_221 = tpu.memref_slice %arg8[%dma_start3A_216, %dma_start3A_220] : memref<2x128xi32, #tpu.memory_space<vmem>> -> memref<1x64xi32, #tpu.memory_space<vmem>>
        %dma_start3A_222 = tpu.memref_squeeze %dma_start3A_221 : memref<1x64xi32, #tpu.memory_space<vmem>> -> memref<64xi32, #tpu.memory_space<vmem>>
        %dma_start3A_223 = arith.constant 0 : i32
        %dma_start3A_224 = arith.constant 0 : i32
        %dma_start3A_225 = tpu.memref_slice %arg4[%dma_start3A_223, %dma_start3A_224] : memref<10000x128xf32, #tpu.memory_space<hbm>> -> memref<10000x128xf32, #tpu.memory_space<hbm>>
        tpu.enqueue_indirect_dma source(%dma_start3A_225 : memref<10000x128xf32, #tpu.memory_space<hbm>>) target(%dma_start3A_219 : memref<64x128xf32, #tpu.memory_space<vmem>>) offsets(%dma_start3A_222 : memref<64xi32, #tpu.memory_space<vmem>>) semaphore(%arg18 : memref<!tpu.dma_semaphore, #tpu.memory_space<semaphore_mem>>)
        %dma_start3A_226 = arith.constant 0 : i32
        %dma_start3A_227 = arith.constant 64 : i32
        %dma_start3A_228 = arith.constant 0 : i32
        %dma_start3A_229 = tpu.memref_slice %arg11[%dma_start3A_227, %dma_start3A_228] : memref<128x128xf32, #tpu.memory_space<vmem>> -> memref<64x128xf32, #tpu.memory_space<vmem>>
        %dma_start3A_230 = arith.constant 64 : i32
        %dma_start3A_231 = tpu.memref_slice %arg8[%dma_start3A_226, %dma_start3A_230] : memref<2x128xi32, #tpu.memory_space<vmem>> -> memref<1x64xi32, #tpu.memory_space<vmem>>
        %dma_start3A_232 = tpu.memref_squeeze %dma_start3A_231 : memref<1x64xi32, #tpu.memory_space<vmem>> -> memref<64xi32, #tpu.memory_space<vmem>>
        %dma_start3A_233 = arith.constant 0 : i32
        %dma_start3A_234 = arith.constant 0 : i32
        %dma_start3A_235 = tpu.memref_slice %arg4[%dma_start3A_233, %dma_start3A_234] : memref<10000x128xf32, #tpu.memory_space<hbm>> -> memref<10000x128xf32, #tpu.memory_space<hbm>>
        tpu.enqueue_indirect_dma source(%dma_start3A_235 : memref<10000x128xf32, #tpu.memory_space<hbm>>) target(%dma_start3A_229 : memref<64x128xf32, #tpu.memory_space<vmem>>) offsets(%dma_start3A_232 : memref<64xi32, #tpu.memory_space<vmem>>) semaphore(%arg18 : memref<!tpu.dma_semaphore, #tpu.memory_space<semaphore_mem>>)
      } else {
      }
      %add3A_127 = arith.constant 2 : i32
      %add3A_128 = arith.addi %add3A_107, %add3A_127 : i32
      %lt3A_129 = arith.constant 78 : i32
      %lt3A_130 = arith.cmpi slt, %add3A_128, %lt3A_129 : i32
      %convert_element_type3A_131 = arith.extui %lt3A_130 : i1 to i32
      %cond3A_132 = arith.constant 0 : i32
      %cond3A_133 = arith.cmpi ne, %convert_element_type3A_131, %cond3A_132 : i32
      scf.if %cond3A_133 {
        %add3A_216 = arith.constant 2 : i32
        %add3A_217 = arith.addi %add3A_107, %add3A_216 : i32
        %mul3A_218 = arith.constant 32 : i32
        %mul3A_219 = arith.muli %add3A_217, %mul3A_218 : i32
        %add3A_220 = arith.addi %mul3A_219, %add3A : i32
        %mul3A_221 = arith.constant 128 : i32
        %mul3A_222 = arith.muli %add3A_220, %mul3A_221 : i32
        %dma_start3A_223 = arith.constant 0 : i32
        %dma_start3A_224 = tpu.memref_slice %arg2[%dma_start3A_223, %mul3A_222] : memref<2x320000xi32, #tpu.memory_space<hbm>> -> memref<2x128xi32, #tpu.memory_space<hbm>>
        %dma_start3A_225 = arith.constant 0 : i32
        %dma_start3A_226 = tpu.memref_slice %arg2[%dma_start3A_225, %mul3A_222] : memref<2x320000xi32, #tpu.memory_space<hbm>> -> memref<2x128xi32, #tpu.memory_space<hbm>>
        tpu.enqueue_dma source(%dma_start3A_226 : memref<2x128xi32, #tpu.memory_space<hbm>>) target(%arg6 : memref<2x128xi32, #tpu.memory_space<vmem>>) target_semaphore(%arg13 : memref<!tpu.dma_semaphore, #tpu.memory_space<semaphore_mem>>)
      } else {
      }
      %dma_wait3A_134 = arith.constant 0 : i32
      %dma_wait3A_135 = arith.constant 0 : i32
      %dma_wait3A_136 = arith.constant 0 : i32
      %dma_wait3A_137 = tpu.memref_slice %arg10[%dma_wait3A_135, %dma_wait3A_136] : memref<128x128xf32, #tpu.memory_space<vmem>> -> memref<64x128xf32, #tpu.memory_space<vmem>>
      %dma_wait3A_138 = arith.constant 0 : i32
      %dma_wait3A_139 = tpu.memref_slice %arg7[%dma_wait3A_134, %dma_wait3A_138] : memref<2x128xi32, #tpu.memory_space<vmem>> -> memref<1x64xi32, #tpu.memory_space<vmem>>
      %dma_wait3A_140 = tpu.memref_squeeze %dma_wait3A_139 : memref<1x64xi32, #tpu.memory_space<vmem>> -> memref<64xi32, #tpu.memory_space<vmem>>
      %dma_wait3A_141 = arith.constant 0 : i32
      %dma_wait3A_142 = arith.constant 0 : i32
      %dma_wait3A_143 = tpu.memref_slice %arg4[%dma_wait3A_141, %dma_wait3A_142] : memref<10000x128xf32, #tpu.memory_space<hbm>> -> memref<10000x128xf32, #tpu.memory_space<hbm>>
      tpu.wait_indirect_dma semaphore(%arg17 : memref<!tpu.dma_semaphore, #tpu.memory_space<semaphore_mem>>) src(%dma_wait3A_143 : memref<10000x128xf32, #tpu.memory_space<hbm>>) dst(%dma_wait3A_137 : memref<64x128xf32, #tpu.memory_space<vmem>>)
      %dma_wait3A_144 = arith.constant 0 : i32
      %dma_wait3A_145 = arith.constant 64 : i32
      %dma_wait3A_146 = arith.constant 0 : i32
      %dma_wait3A_147 = tpu.memref_slice %arg10[%dma_wait3A_145, %dma_wait3A_146] : memref<128x128xf32, #tpu.memory_space<vmem>> -> memref<64x128xf32, #tpu.memory_space<vmem>>
      %dma_wait3A_148 = arith.constant 64 : i32
      %dma_wait3A_149 = tpu.memref_slice %arg7[%dma_wait3A_144, %dma_wait3A_148] : memref<2x128xi32, #tpu.memory_space<vmem>> -> memref<1x64xi32, #tpu.memory_space<vmem>>
      %dma_wait3A_150 = tpu.memref_squeeze %dma_wait3A_149 : memref<1x64xi32, #tpu.memory_space<vmem>> -> memref<64xi32, #tpu.memory_space<vmem>>
      %dma_wait3A_151 = arith.constant 0 : i32
      %dma_wait3A_152 = arith.constant 0 : i32
      %dma_wait3A_153 = tpu.memref_slice %arg4[%dma_wait3A_151, %dma_wait3A_152] : memref<10000x128xf32, #tpu.memory_space<hbm>> -> memref<10000x128xf32, #tpu.memory_space<hbm>>
      tpu.wait_indirect_dma semaphore(%arg17 : memref<!tpu.dma_semaphore, #tpu.memory_space<semaphore_mem>>) src(%dma_wait3A_153 : memref<10000x128xf32, #tpu.memory_space<hbm>>) dst(%dma_wait3A_147 : memref<64x128xf32, #tpu.memory_space<vmem>>)
      %dma_start3A_154 = arith.constant 1 : i32
      %dma_start3A_155 = arith.constant 0 : i32
      %dma_start3A_156 = tpu.memref_slice %arg7[%dma_start3A_154, %dma_start3A_155] : memref<2x128xi32, #tpu.memory_space<vmem>> -> memref<1x128xi32, #tpu.memory_space<vmem>>
      %dma_start3A_157 = tpu.memref_squeeze %dma_start3A_156 : memref<1x128xi32, #tpu.memory_space<vmem>> -> memref<128xi32, #tpu.memory_space<vmem>>
      %dma_start3A_158 = arith.constant 0 : i32
      %dma_start3A_159 = arith.constant 0 : i32
      %dma_start3A_160 = tpu.memref_slice %arg12[%dma_start3A_158, %dma_start3A_159] : memref<10112x128xf32, #tpu.memory_space<vmem_shared>> -> memref<10112x128xf32, #tpu.memory_space<vmem_shared>>
      tpu.enqueue_indirect_dma source(%arg10 : memref<128x128xf32, #tpu.memory_space<vmem>>) target(%dma_start3A_160 : memref<10112x128xf32, #tpu.memory_space<vmem_shared>>) offsets(%dma_start3A_157 : memref<128xi32, #tpu.memory_space<vmem>>) semaphore(%arg20 : memref<!tpu.dma_semaphore, #tpu.memory_space<semaphore_mem>>) {add = true}
      %add3A_161 = arith.constant 2 : i32
      %add3A_162 = arith.addi %mul3A_53, %add3A_161 : i32
      %add3A_163 = arith.constant 1 : i32
      %add3A_164 = arith.addi %add3A_162, %add3A_163 : i32
      %lt3A_165 = arith.constant 78 : i32
      %lt3A_166 = arith.cmpi slt, %add3A_164, %lt3A_165 : i32
      %convert_element_type3A_167 = arith.extui %lt3A_166 : i1 to i32
      %cond3A_168 = arith.constant 0 : i32
      %cond3A_169 = arith.cmpi ne, %convert_element_type3A_167, %cond3A_168 : i32
      scf.if %cond3A_169 {
        %add3A_216 = arith.constant 1 : i32
        %add3A_217 = arith.addi %add3A_162, %add3A_216 : i32
        %mul3A_218 = arith.constant 32 : i32
        %mul3A_219 = arith.muli %add3A_217, %mul3A_218 : i32
        %add3A_220 = arith.addi %mul3A_219, %add3A : i32
        %mul3A_221 = arith.constant 128 : i32
        %mul3A_222 = arith.muli %add3A_220, %mul3A_221 : i32
        %dma_wait3A_223 = arith.constant 0 : i32
        %dma_wait3A_224 = tpu.memref_slice %arg2[%dma_wait3A_223, %mul3A_222] : memref<2x320000xi32, #tpu.memory_space<hbm>> -> memref<2x128xi32, #tpu.memory_space<hbm>>
        %dma_wait3A_225 = arith.constant 0 : i32
        %dma_wait3A_226 = tpu.memref_slice %arg2[%dma_wait3A_225, %mul3A_222] : memref<2x320000xi32, #tpu.memory_space<hbm>> -> memref<2x128xi32, #tpu.memory_space<hbm>>
        tpu.wait_dma2 semaphore(%arg13 : memref<!tpu.dma_semaphore, #tpu.memory_space<semaphore_mem>>) src(%dma_wait3A_226 : memref<2x128xi32, #tpu.memory_space<hbm>>) dst(%arg6 : memref<2x128xi32, #tpu.memory_space<vmem>>)
      } else {
      }
      %ge3A_170 = arith.constant 1 : i32
      %ge3A_171 = arith.cmpi sge, %add3A_162, %ge3A_170 : i32
      %convert_element_type3A_172 = arith.extui %ge3A_171 : i1 to i32
      %cond3A_173 = arith.constant 0 : i32
      %cond3A_174 = arith.cmpi ne, %convert_element_type3A_172, %cond3A_173 : i32
      scf.if %cond3A_174 {
        %dma_wait3A_216 = arith.constant 1 : i32
        %dma_wait3A_217 = arith.constant 0 : i32
        %dma_wait3A_218 = tpu.memref_slice %arg7[%dma_wait3A_216, %dma_wait3A_217] : memref<2x128xi32, #tpu.memory_space<vmem>> -> memref<1x128xi32, #tpu.memory_space<vmem>>
        %dma_wait3A_219 = tpu.memref_squeeze %dma_wait3A_218 : memref<1x128xi32, #tpu.memory_space<vmem>> -> memref<128xi32, #tpu.memory_space<vmem>>
        %dma_wait3A_220 = arith.constant 0 : i32
        %dma_wait3A_221 = arith.constant 0 : i32
        %dma_wait3A_222 = tpu.memref_slice %arg12[%dma_wait3A_220, %dma_wait3A_221] : memref<10112x128xf32, #tpu.memory_space<vmem_shared>> -> memref<10112x128xf32, #tpu.memory_space<vmem_shared>>
        tpu.wait_indirect_dma semaphore(%arg20 : memref<!tpu.dma_semaphore, #tpu.memory_space<semaphore_mem>>) src(%arg10 : memref<128x128xf32, #tpu.memory_space<vmem>>) dst(%dma_wait3A_222 : memref<10112x128xf32, #tpu.memory_space<vmem_shared>>)
      } else {
      }
      %add3A_175 = arith.constant 1 : i32
      %add3A_176 = arith.addi %add3A_162, %add3A_175 : i32
      %lt3A_177 = arith.constant 78 : i32
      %lt3A_178 = arith.cmpi slt, %add3A_176, %lt3A_177 : i32
      %convert_element_type3A_179 = arith.extui %lt3A_178 : i1 to i32
      %cond3A_180 = arith.constant 0 : i32
      %cond3A_181 = arith.cmpi ne, %convert_element_type3A_179, %cond3A_180 : i32
      scf.if %cond3A_181 {
        %dma_start3A_216 = arith.constant 0 : i32
        %dma_start3A_217 = arith.constant 0 : i32
        %dma_start3A_218 = arith.constant 0 : i32
        %dma_start3A_219 = tpu.memref_slice %arg9[%dma_start3A_217, %dma_start3A_218] : memref<128x128xf32, #tpu.memory_space<vmem>> -> memref<64x128xf32, #tpu.memory_space<vmem>>
        %dma_start3A_220 = arith.constant 0 : i32
        %dma_start3A_221 = tpu.memref_slice %arg6[%dma_start3A_216, %dma_start3A_220] : memref<2x128xi32, #tpu.memory_space<vmem>> -> memref<1x64xi32, #tpu.memory_space<vmem>>
        %dma_start3A_222 = tpu.memref_squeeze %dma_start3A_221 : memref<1x64xi32, #tpu.memory_space<vmem>> -> memref<64xi32, #tpu.memory_space<vmem>>
        %dma_start3A_223 = arith.constant 0 : i32
        %dma_start3A_224 = arith.constant 0 : i32
        %dma_start3A_225 = tpu.memref_slice %arg4[%dma_start3A_223, %dma_start3A_224] : memref<10000x128xf32, #tpu.memory_space<hbm>> -> memref<10000x128xf32, #tpu.memory_space<hbm>>
        tpu.enqueue_indirect_dma source(%dma_start3A_225 : memref<10000x128xf32, #tpu.memory_space<hbm>>) target(%dma_start3A_219 : memref<64x128xf32, #tpu.memory_space<vmem>>) offsets(%dma_start3A_222 : memref<64xi32, #tpu.memory_space<vmem>>) semaphore(%arg16 : memref<!tpu.dma_semaphore, #tpu.memory_space<semaphore_mem>>)
        %dma_start3A_226 = arith.constant 0 : i32
        %dma_start3A_227 = arith.constant 64 : i32
        %dma_start3A_228 = arith.constant 0 : i32
        %dma_start3A_229 = tpu.memref_slice %arg9[%dma_start3A_227, %dma_start3A_228] : memref<128x128xf32, #tpu.memory_space<vmem>> -> memref<64x128xf32, #tpu.memory_space<vmem>>
        %dma_start3A_230 = arith.constant 64 : i32
        %dma_start3A_231 = tpu.memref_slice %arg6[%dma_start3A_226, %dma_start3A_230] : memref<2x128xi32, #tpu.memory_space<vmem>> -> memref<1x64xi32, #tpu.memory_space<vmem>>
        %dma_start3A_232 = tpu.memref_squeeze %dma_start3A_231 : memref<1x64xi32, #tpu.memory_space<vmem>> -> memref<64xi32, #tpu.memory_space<vmem>>
        %dma_start3A_233 = arith.constant 0 : i32
        %dma_start3A_234 = arith.constant 0 : i32
        %dma_start3A_235 = tpu.memref_slice %arg4[%dma_start3A_233, %dma_start3A_234] : memref<10000x128xf32, #tpu.memory_space<hbm>> -> memref<10000x128xf32, #tpu.memory_space<hbm>>
        tpu.enqueue_indirect_dma source(%dma_start3A_235 : memref<10000x128xf32, #tpu.memory_space<hbm>>) target(%dma_start3A_229 : memref<64x128xf32, #tpu.memory_space<vmem>>) offsets(%dma_start3A_232 : memref<64xi32, #tpu.memory_space<vmem>>) semaphore(%arg16 : memref<!tpu.dma_semaphore, #tpu.memory_space<semaphore_mem>>)
      } else {
      }
      %add3A_182 = arith.constant 2 : i32
      %add3A_183 = arith.addi %add3A_162, %add3A_182 : i32
      %lt3A_184 = arith.constant 78 : i32
      %lt3A_185 = arith.cmpi slt, %add3A_183, %lt3A_184 : i32
      %convert_element_type3A_186 = arith.extui %lt3A_185 : i1 to i32
      %cond3A_187 = arith.constant 0 : i32
      %cond3A_188 = arith.cmpi ne, %convert_element_type3A_186, %cond3A_187 : i32
      scf.if %cond3A_188 {
        %add3A_216 = arith.constant 2 : i32
        %add3A_217 = arith.addi %add3A_162, %add3A_216 : i32
        %mul3A_218 = arith.constant 32 : i32
        %mul3A_219 = arith.muli %add3A_217, %mul3A_218 : i32
        %add3A_220 = arith.addi %mul3A_219, %add3A : i32
        %mul3A_221 = arith.constant 128 : i32
        %mul3A_222 = arith.muli %add3A_220, %mul3A_221 : i32
        %dma_start3A_223 = arith.constant 0 : i32
        %dma_start3A_224 = tpu.memref_slice %arg2[%dma_start3A_223, %mul3A_222] : memref<2x320000xi32, #tpu.memory_space<hbm>> -> memref<2x128xi32, #tpu.memory_space<hbm>>
        %dma_start3A_225 = arith.constant 0 : i32
        %dma_start3A_226 = tpu.memref_slice %arg2[%dma_start3A_225, %mul3A_222] : memref<2x320000xi32, #tpu.memory_space<hbm>> -> memref<2x128xi32, #tpu.memory_space<hbm>>
        tpu.enqueue_dma source(%dma_start3A_226 : memref<2x128xi32, #tpu.memory_space<hbm>>) target(%arg7 : memref<2x128xi32, #tpu.memory_space<vmem>>) target_semaphore(%arg14 : memref<!tpu.dma_semaphore, #tpu.memory_space<semaphore_mem>>)
      } else {
      }
      %dma_wait3A_189 = arith.constant 0 : i32
      %dma_wait3A_190 = arith.constant 0 : i32
      %dma_wait3A_191 = arith.constant 0 : i32
      %dma_wait3A_192 = tpu.memref_slice %arg11[%dma_wait3A_190, %dma_wait3A_191] : memref<128x128xf32, #tpu.memory_space<vmem>> -> memref<64x128xf32, #tpu.memory_space<vmem>>
      %dma_wait3A_193 = arith.constant 0 : i32
      %dma_wait3A_194 = tpu.memref_slice %arg8[%dma_wait3A_189, %dma_wait3A_193] : memref<2x128xi32, #tpu.memory_space<vmem>> -> memref<1x64xi32, #tpu.memory_space<vmem>>
      %dma_wait3A_195 = tpu.memref_squeeze %dma_wait3A_194 : memref<1x64xi32, #tpu.memory_space<vmem>> -> memref<64xi32, #tpu.memory_space<vmem>>
      %dma_wait3A_196 = arith.constant 0 : i32
      %dma_wait3A_197 = arith.constant 0 : i32
      %dma_wait3A_198 = tpu.memref_slice %arg4[%dma_wait3A_196, %dma_wait3A_197] : memref<10000x128xf32, #tpu.memory_space<hbm>> -> memref<10000x128xf32, #tpu.memory_space<hbm>>
      tpu.wait_indirect_dma semaphore(%arg18 : memref<!tpu.dma_semaphore, #tpu.memory_space<semaphore_mem>>) src(%dma_wait3A_198 : memref<10000x128xf32, #tpu.memory_space<hbm>>) dst(%dma_wait3A_192 : memref<64x128xf32, #tpu.memory_space<vmem>>)
      %dma_wait3A_199 = arith.constant 0 : i32
      %dma_wait3A_200 = arith.constant 64 : i32
      %dma_wait3A_201 = arith.constant 0 : i32
      %dma_wait3A_202 = tpu.memref_slice %arg11[%dma_wait3A_200, %dma_wait3A_201] : memref<128x128xf32, #tpu.memory_space<vmem>> -> memref<64x128xf32, #tpu.memory_space<vmem>>
      %dma_wait3A_203 = arith.constant 64 : i32
      %dma_wait3A_204 = tpu.memref_slice %arg8[%dma_wait3A_199, %dma_wait3A_203] : memref<2x128xi32, #tpu.memory_space<vmem>> -> memref<1x64xi32, #tpu.memory_space<vmem>>
      %dma_wait3A_205 = tpu.memref_squeeze %dma_wait3A_204 : memref<1x64xi32, #tpu.memory_space<vmem>> -> memref<64xi32, #tpu.memory_space<vmem>>
      %dma_wait3A_206 = arith.constant 0 : i32
      %dma_wait3A_207 = arith.constant 0 : i32
      %dma_wait3A_208 = tpu.memref_slice %arg4[%dma_wait3A_206, %dma_wait3A_207] : memref<10000x128xf32, #tpu.memory_space<hbm>> -> memref<10000x128xf32, #tpu.memory_space<hbm>>
      tpu.wait_indirect_dma semaphore(%arg18 : memref<!tpu.dma_semaphore, #tpu.memory_space<semaphore_mem>>) src(%dma_wait3A_208 : memref<10000x128xf32, #tpu.memory_space<hbm>>) dst(%dma_wait3A_202 : memref<64x128xf32, #tpu.memory_space<vmem>>)
      %dma_start3A_209 = arith.constant 1 : i32
      %dma_start3A_210 = arith.constant 0 : i32
      %dma_start3A_211 = tpu.memref_slice %arg8[%dma_start3A_209, %dma_start3A_210] : memref<2x128xi32, #tpu.memory_space<vmem>> -> memref<1x128xi32, #tpu.memory_space<vmem>>
      %dma_start3A_212 = tpu.memref_squeeze %dma_start3A_211 : memref<1x128xi32, #tpu.memory_space<vmem>> -> memref<128xi32, #tpu.memory_space<vmem>>
      %dma_start3A_213 = arith.constant 0 : i32
      %dma_start3A_214 = arith.constant 0 : i32
      %dma_start3A_215 = tpu.memref_slice %arg12[%dma_start3A_213, %dma_start3A_214] : memref<10112x128xf32, #tpu.memory_space<vmem_shared>> -> memref<10112x128xf32, #tpu.memory_space<vmem_shared>>
      tpu.enqueue_indirect_dma source(%arg11 : memref<128x128xf32, #tpu.memory_space<vmem>>) target(%dma_start3A_215 : memref<10112x128xf32, #tpu.memory_space<vmem_shared>>) offsets(%dma_start3A_212 : memref<128xi32, #tpu.memory_space<vmem>>) semaphore(%arg21 : memref<!tpu.dma_semaphore, #tpu.memory_space<semaphore_mem>>) {add = true}
    }
    %scan3A_37 = arith.constant 26 : i32
    %dma_wait3A = arith.constant 1 : i32
    %dma_wait3A_38 = arith.constant 0 : i32
    %dma_wait3A_39 = tpu.memref_slice %arg8[%dma_wait3A, %dma_wait3A_38] : memref<2x128xi32, #tpu.memory_space<vmem>> -> memref<1x128xi32, #tpu.memory_space<vmem>>
    %dma_wait3A_40 = tpu.memref_squeeze %dma_wait3A_39 : memref<1x128xi32, #tpu.memory_space<vmem>> -> memref<128xi32, #tpu.memory_space<vmem>>
    %dma_wait3A_41 = arith.constant 0 : i32
    %dma_wait3A_42 = arith.constant 0 : i32
    %dma_wait3A_43 = tpu.memref_slice %arg12[%dma_wait3A_41, %dma_wait3A_42] : memref<10112x128xf32, #tpu.memory_space<vmem_shared>> -> memref<10112x128xf32, #tpu.memory_space<vmem_shared>>
    tpu.wait_indirect_dma semaphore(%arg21 : memref<!tpu.dma_semaphore, #tpu.memory_space<semaphore_mem>>) src(%arg11 : memref<128x128xf32, #tpu.memory_space<vmem>>) dst(%dma_wait3A_43 : memref<10112x128xf32, #tpu.memory_space<vmem_shared>>)
    %lt3A = arith.constant 4 : i32
    %lt3A_44 = arith.cmpi slt, %add3A, %lt3A : i32
    %convert_element_type3A = arith.extui %lt3A_44 : i1 to i32
    %cond3A = arith.constant 0 : i32
    %cond3A_45 = arith.cmpi ne, %convert_element_type3A, %cond3A : i32
    scf.if %cond3A_45 {
      %add3A_51 = arith.constant 2496 : i32
      %add3A_52 = arith.addi %add3A_51, %add3A : i32
      %mul3A_53 = arith.constant 128 : i32
      %mul3A_54 = arith.muli %add3A_52, %mul3A_53 : i32
      "tpu.region"() ({
        %run_scoped3A = tpu.sem_alloc : memref<!tpu.dma_semaphore, #tpu.memory_space<semaphore_mem>>
        %dma_start3A_109 = arith.constant 0 : i32
        %dma_start3A_110 = tpu.memref_slice %arg2[%dma_start3A_109, %mul3A_54] : memref<2x320000xi32, #tpu.memory_space<hbm>> -> memref<2x128xi32, #tpu.memory_space<hbm>>
        %dma_start3A_111 = arith.constant 0 : i32
        %dma_start3A_112 = tpu.memref_slice %arg2[%dma_start3A_111, %mul3A_54] : memref<2x320000xi32, #tpu.memory_space<hbm>> -> memref<2x128xi32, #tpu.memory_space<hbm>>
        tpu.enqueue_dma source(%dma_start3A_112 : memref<2x128xi32, #tpu.memory_space<hbm>>) target(%arg6 : memref<2x128xi32, #tpu.memory_space<vmem>>) target_semaphore(%run_scoped3A : memref<!tpu.dma_semaphore, #tpu.memory_space<semaphore_mem>>)
        %dma_wait3A_113 = arith.constant 0 : i32
        %dma_wait3A_114 = tpu.memref_slice %arg2[%dma_wait3A_113, %mul3A_54] : memref<2x320000xi32, #tpu.memory_space<hbm>> -> memref<2x128xi32, #tpu.memory_space<hbm>>
        %dma_wait3A_115 = arith.constant 0 : i32
        %dma_wait3A_116 = tpu.memref_slice %arg2[%dma_wait3A_115, %mul3A_54] : memref<2x320000xi32, #tpu.memory_space<hbm>> -> memref<2x128xi32, #tpu.memory_space<hbm>>
        tpu.wait_dma2 semaphore(%run_scoped3A : memref<!tpu.dma_semaphore, #tpu.memory_space<semaphore_mem>>) src(%dma_wait3A_116 : memref<2x128xi32, #tpu.memory_space<hbm>>) dst(%arg6 : memref<2x128xi32, #tpu.memory_space<vmem>>)
        tpu.yield
      }) : () -> ()
      %dma_start3A_55 = arith.constant 0 : i32
      %dma_start3A_56 = arith.constant 0 : i32
      %dma_start3A_57 = arith.constant 0 : i32
      %dma_start3A_58 = tpu.memref_slice %arg9[%dma_start3A_56, %dma_start3A_57] : memref<128x128xf32, #tpu.memory_space<vmem>> -> memref<64x128xf32, #tpu.memory_space<vmem>>
      %dma_start3A_59 = arith.constant 0 : i32
      %dma_start3A_60 = tpu.memref_slice %arg6[%dma_start3A_55, %dma_start3A_59] : memref<2x128xi32, #tpu.memory_space<vmem>> -> memref<1x64xi32, #tpu.memory_space<vmem>>
      %dma_start3A_61 = tpu.memref_squeeze %dma_start3A_60 : memref<1x64xi32, #tpu.memory_space<vmem>> -> memref<64xi32, #tpu.memory_space<vmem>>
      %dma_start3A_62 = arith.constant 0 : i32
      %dma_start3A_63 = arith.constant 0 : i32
      %dma_start3A_64 = tpu.memref_slice %arg4[%dma_start3A_62, %dma_start3A_63] : memref<10000x128xf32, #tpu.memory_space<hbm>> -> memref<10000x128xf32, #tpu.memory_space<hbm>>
      tpu.enqueue_indirect_dma source(%dma_start3A_64 : memref<10000x128xf32, #tpu.memory_space<hbm>>) target(%dma_start3A_58 : memref<64x128xf32, #tpu.memory_space<vmem>>) offsets(%dma_start3A_61 : memref<64xi32, #tpu.memory_space<vmem>>) semaphore(%arg16 : memref<!tpu.dma_semaphore, #tpu.memory_space<semaphore_mem>>)
      %dma_start3A_65 = arith.constant 0 : i32
      %dma_start3A_66 = arith.constant 64 : i32
      %dma_start3A_67 = arith.constant 0 : i32
      %dma_start3A_68 = tpu.memref_slice %arg9[%dma_start3A_66, %dma_start3A_67] : memref<128x128xf32, #tpu.memory_space<vmem>> -> memref<64x128xf32, #tpu.memory_space<vmem>>
      %dma_start3A_69 = arith.constant 64 : i32
      %dma_start3A_70 = tpu.memref_slice %arg6[%dma_start3A_65, %dma_start3A_69] : memref<2x128xi32, #tpu.memory_space<vmem>> -> memref<1x64xi32, #tpu.memory_space<vmem>>
      %dma_start3A_71 = tpu.memref_squeeze %dma_start3A_70 : memref<1x64xi32, #tpu.memory_space<vmem>> -> memref<64xi32, #tpu.memory_space<vmem>>
      %dma_start3A_72 = arith.constant 0 : i32
      %dma_start3A_73 = arith.constant 0 : i32
      %dma_start3A_74 = tpu.memref_slice %arg4[%dma_start3A_72, %dma_start3A_73] : memref<10000x128xf32, #tpu.memory_space<hbm>> -> memref<10000x128xf32, #tpu.memory_space<hbm>>
      tpu.enqueue_indirect_dma source(%dma_start3A_74 : memref<10000x128xf32, #tpu.memory_space<hbm>>) target(%dma_start3A_68 : memref<64x128xf32, #tpu.memory_space<vmem>>) offsets(%dma_start3A_71 : memref<64xi32, #tpu.memory_space<vmem>>) semaphore(%arg16 : memref<!tpu.dma_semaphore, #tpu.memory_space<semaphore_mem>>)
      %dma_wait3A_75 = arith.constant 0 : i32
      %dma_wait3A_76 = arith.constant 0 : i32
      %dma_wait3A_77 = arith.constant 0 : i32
      %dma_wait3A_78 = tpu.memref_slice %arg9[%dma_wait3A_76, %dma_wait3A_77] : memref<128x128xf32, #tpu.memory_space<vmem>> -> memref<64x128xf32, #tpu.memory_space<vmem>>
      %dma_wait3A_79 = arith.constant 0 : i32
      %dma_wait3A_80 = tpu.memref_slice %arg6[%dma_wait3A_75, %dma_wait3A_79] : memref<2x128xi32, #tpu.memory_space<vmem>> -> memref<1x64xi32, #tpu.memory_space<vmem>>
      %dma_wait3A_81 = tpu.memref_squeeze %dma_wait3A_80 : memref<1x64xi32, #tpu.memory_space<vmem>> -> memref<64xi32, #tpu.memory_space<vmem>>
      %dma_wait3A_82 = arith.constant 0 : i32
      %dma_wait3A_83 = arith.constant 0 : i32
      %dma_wait3A_84 = tpu.memref_slice %arg4[%dma_wait3A_82, %dma_wait3A_83] : memref<10000x128xf32, #tpu.memory_space<hbm>> -> memref<10000x128xf32, #tpu.memory_space<hbm>>
      tpu.wait_indirect_dma semaphore(%arg16 : memref<!tpu.dma_semaphore, #tpu.memory_space<semaphore_mem>>) src(%dma_wait3A_84 : memref<10000x128xf32, #tpu.memory_space<hbm>>) dst(%dma_wait3A_78 : memref<64x128xf32, #tpu.memory_space<vmem>>)
      %dma_wait3A_85 = arith.constant 0 : i32
      %dma_wait3A_86 = arith.constant 64 : i32
      %dma_wait3A_87 = arith.constant 0 : i32
      %dma_wait3A_88 = tpu.memref_slice %arg9[%dma_wait3A_86, %dma_wait3A_87] : memref<128x128xf32, #tpu.memory_space<vmem>> -> memref<64x128xf32, #tpu.memory_space<vmem>>
      %dma_wait3A_89 = arith.constant 64 : i32
      %dma_wait3A_90 = tpu.memref_slice %arg6[%dma_wait3A_85, %dma_wait3A_89] : memref<2x128xi32, #tpu.memory_space<vmem>> -> memref<1x64xi32, #tpu.memory_space<vmem>>
      %dma_wait3A_91 = tpu.memref_squeeze %dma_wait3A_90 : memref<1x64xi32, #tpu.memory_space<vmem>> -> memref<64xi32, #tpu.memory_space<vmem>>
      %dma_wait3A_92 = arith.constant 0 : i32
      %dma_wait3A_93 = arith.constant 0 : i32
      %dma_wait3A_94 = tpu.memref_slice %arg4[%dma_wait3A_92, %dma_wait3A_93] : memref<10000x128xf32, #tpu.memory_space<hbm>> -> memref<10000x128xf32, #tpu.memory_space<hbm>>
      tpu.wait_indirect_dma semaphore(%arg16 : memref<!tpu.dma_semaphore, #tpu.memory_space<semaphore_mem>>) src(%dma_wait3A_94 : memref<10000x128xf32, #tpu.memory_space<hbm>>) dst(%dma_wait3A_88 : memref<64x128xf32, #tpu.memory_space<vmem>>)
      %dma_start3A_95 = arith.constant 1 : i32
      %dma_start3A_96 = arith.constant 0 : i32
      %dma_start3A_97 = tpu.memref_slice %arg6[%dma_start3A_95, %dma_start3A_96] : memref<2x128xi32, #tpu.memory_space<vmem>> -> memref<1x128xi32, #tpu.memory_space<vmem>>
      %dma_start3A_98 = tpu.memref_squeeze %dma_start3A_97 : memref<1x128xi32, #tpu.memory_space<vmem>> -> memref<128xi32, #tpu.memory_space<vmem>>
      %dma_start3A_99 = arith.constant 0 : i32
      %dma_start3A_100 = arith.constant 0 : i32
      %dma_start3A_101 = tpu.memref_slice %arg12[%dma_start3A_99, %dma_start3A_100] : memref<10112x128xf32, #tpu.memory_space<vmem_shared>> -> memref<10112x128xf32, #tpu.memory_space<vmem_shared>>
      tpu.enqueue_indirect_dma source(%arg9 : memref<128x128xf32, #tpu.memory_space<vmem>>) target(%dma_start3A_101 : memref<10112x128xf32, #tpu.memory_space<vmem_shared>>) offsets(%dma_start3A_98 : memref<128xi32, #tpu.memory_space<vmem>>) semaphore(%arg19 : memref<!tpu.dma_semaphore, #tpu.memory_space<semaphore_mem>>) {add = true}
      %dma_wait3A_102 = arith.constant 1 : i32
      %dma_wait3A_103 = arith.constant 0 : i32
      %dma_wait3A_104 = tpu.memref_slice %arg6[%dma_wait3A_102, %dma_wait3A_103] : memref<2x128xi32, #tpu.memory_space<vmem>> -> memref<1x128xi32, #tpu.memory_space<vmem>>
      %dma_wait3A_105 = tpu.memref_squeeze %dma_wait3A_104 : memref<1x128xi32, #tpu.memory_space<vmem>> -> memref<128xi32, #tpu.memory_space<vmem>>
      %dma_wait3A_106 = arith.constant 0 : i32
      %dma_wait3A_107 = arith.constant 0 : i32
      %dma_wait3A_108 = tpu.memref_slice %arg12[%dma_wait3A_106, %dma_wait3A_107] : memref<10112x128xf32, #tpu.memory_space<vmem_shared>> -> memref<10112x128xf32, #tpu.memory_space<vmem_shared>>
      tpu.wait_indirect_dma semaphore(%arg19 : memref<!tpu.dma_semaphore, #tpu.memory_space<semaphore_mem>>) src(%arg9 : memref<128x128xf32, #tpu.memory_space<vmem>>) dst(%dma_wait3A_108 : memref<10112x128xf32, #tpu.memory_space<vmem_shared>>)
    } else {
    }
    %barrier3A_46 = arith.constant 0 : index
    tpu.barrier barrier_id(%barrier3A_46)
    %mul3A_47 = arith.constant 632 : i32
    %mul3A_48 = arith.muli %arg1, %mul3A_47 : i32
    %mul3A_49 = arith.constant 632 : i32
    %mul3A_50 = arith.muli %arg1, %mul3A_49 : i32
    "tpu.region"() ({
      %run_scoped3A = tpu.sem_alloc : memref<!tpu.dma_semaphore, #tpu.memory_space<semaphore_mem>>
      %dma_start3A_51 = arith.constant 0 : i32
      %dma_start3A_52 = tpu.memref_slice %arg5[%arg0, %mul3A_50, %dma_start3A_51] : memref<2x10112x128xf32, #tpu.memory_space<hbm>> -> memref<1x632x128xf32, #tpu.memory_space<hbm>>
      %dma_start3A_53 = tpu.memref_squeeze %dma_start3A_52 : memref<1x632x128xf32, #tpu.memory_space<hbm>> -> memref<632x128xf32, #tpu.memory_space<hbm>>
      %dma_start3A_54 = arith.constant 0 : i32
      %dma_start3A_55 = tpu.memref_slice %arg12[%mul3A_48, %dma_start3A_54] : memref<10112x128xf32, #tpu.memory_space<vmem_shared>> -> memref<632x128xf32, #tpu.memory_space<vmem_shared>>
      tpu.enqueue_dma source(%dma_start3A_55 : memref<632x128xf32, #tpu.memory_space<vmem_shared>>) target(%dma_start3A_53 : memref<632x128xf32, #tpu.memory_space<hbm>>) target_semaphore(%run_scoped3A : memref<!tpu.dma_semaphore, #tpu.memory_space<semaphore_mem>>)
      %dma_wait3A_56 = arith.constant 0 : i32
      %dma_wait3A_57 = tpu.memref_slice %arg5[%arg0, %mul3A_50, %dma_wait3A_56] : memref<2x10112x128xf32, #tpu.memory_space<hbm>> -> memref<1x632x128xf32, #tpu.memory_space<hbm>>
      %dma_wait3A_58 = tpu.memref_squeeze %dma_wait3A_57 : memref<1x632x128xf32, #tpu.memory_space<hbm>> -> memref<632x128xf32, #tpu.memory_space<hbm>>
      %dma_wait3A_59 = arith.constant 0 : i32
      %dma_wait3A_60 = tpu.memref_slice %arg12[%mul3A_48, %dma_wait3A_59] : memref<10112x128xf32, #tpu.memory_space<vmem_shared>> -> memref<632x128xf32, #tpu.memory_space<vmem_shared>>
      tpu.wait_dma2 semaphore(%run_scoped3A : memref<!tpu.dma_semaphore, #tpu.memory_space<semaphore_mem>>) src(%dma_wait3A_60 : memref<632x128xf32, #tpu.memory_space<vmem_shared>>) dst(%dma_wait3A_58 : memref<632x128xf32, #tpu.memory_space<hbm>>)
      tpu.yield
    }) : () -> ()
    return
  }
}

#map = affine_map<(d0, d1) -> (0, 0)>
#map1 = affine_map<(d0, d1) -> (0)>
module attributes {stable_mosaic.version = 14 : i64} {
  func.func @deg_kernel(%arg0: i32, %arg1: i32, %arg2: memref<2x320000xi32, #tpu.memory_space<hbm>>, %arg3: memref<320000xf32, #tpu.memory_space<hbm>>, %arg4: memref<2x9984xi32, #tpu.memory_space<vmem>>, %arg5: memref<10000xf32, #tpu.memory_space<vmem>>) attributes {dimension_semantics = [#tpu.dimension_semantics<core_parallel>, #tpu.dimension_semantics<subcore_parallel>], iteration_bounds = array<i64: 2, 16>, scalar_prefetch = 0 : i64, scratch_operands = 2 : i64, tpu.core_type = #tpu.core_type<sc_vector_subcore>, window_params = [{transform_indices = #map}, {transform_indices = #map1}]} {
    %mul3A = arith.constant 16 : i32
    %mul3A_0 = arith.muli %arg0, %mul3A : i32
    %add3A = arith.addi %mul3A_0, %arg1 : i32
    %scan3A = arith.constant 0 : i32
    %scan3A_1 = arith.constant 625 : i32
    %scan3A_2 = arith.addi %scan3A, %scan3A_1 : i32
    %scan3A_3 = arith.constant 1 : i32
    scf.for %scan3A_17 = %scan3A to %scan3A_2 step %scan3A_3  : i32 {
      %broadcast_in_dim3A_18 = arith.constant 0.000000e+00 : f32
      %broadcast_in_dim3A_19 = vector.broadcast %broadcast_in_dim3A_18 : f32 to vector<16xf32>
      %mul3A_20 = arith.constant 16 : i32
      %mul3A_21 = arith.muli %scan3A_17, %mul3A_20 : i32
      %swap3A = arith.index_cast %mul3A_21 : i32 to index
      %swap3A_22 = tpu.vector_load %arg5[%swap3A] {strides = array<i32>} : memref<10000xf32, #tpu.memory_space<vmem>>, vector<16xf32>,
      tpu.vector_store %arg5[%swap3A], %broadcast_in_dim3A_19 {strides = array<i32>} : memref<10000xf32, #tpu.memory_space<vmem>>, vector<16xf32>,
    }
    %scan3A_4 = arith.constant 625 : i32
    %mul3A_5 = arith.constant 9984 : i32
    %mul3A_6 = arith.muli %add3A, %mul3A_5 : i32
    "tpu.region"() ({
      %run_scoped3A = tpu.sem_alloc : memref<!tpu.dma_semaphore, #tpu.memory_space<semaphore_mem>>
      %dma_start3A = arith.constant 0 : i32
      %dma_start3A_17 = tpu.memref_slice %arg2[%dma_start3A, %mul3A_6] : memref<2x320000xi32, #tpu.memory_space<hbm>> -> memref<2x9984xi32, #tpu.memory_space<hbm>>
      %dma_start3A_18 = arith.constant 0 : i32
      %dma_start3A_19 = tpu.memref_slice %arg2[%dma_start3A_18, %mul3A_6] : memref<2x320000xi32, #tpu.memory_space<hbm>> -> memref<2x9984xi32, #tpu.memory_space<hbm>>
      tpu.enqueue_dma source(%dma_start3A_19 : memref<2x9984xi32, #tpu.memory_space<hbm>>) target(%arg4 : memref<2x9984xi32, #tpu.memory_space<vmem>>) target_semaphore(%run_scoped3A : memref<!tpu.dma_semaphore, #tpu.memory_space<semaphore_mem>>)
      %dma_wait3A = arith.constant 0 : i32
      %dma_wait3A_20 = tpu.memref_slice %arg2[%dma_wait3A, %mul3A_6] : memref<2x320000xi32, #tpu.memory_space<hbm>> -> memref<2x9984xi32, #tpu.memory_space<hbm>>
      %dma_wait3A_21 = arith.constant 0 : i32
      %dma_wait3A_22 = tpu.memref_slice %arg2[%dma_wait3A_21, %mul3A_6] : memref<2x320000xi32, #tpu.memory_space<hbm>> -> memref<2x9984xi32, #tpu.memory_space<hbm>>
      tpu.wait_dma2 semaphore(%run_scoped3A : memref<!tpu.dma_semaphore, #tpu.memory_space<semaphore_mem>>) src(%dma_wait3A_22 : memref<2x9984xi32, #tpu.memory_space<hbm>>) dst(%arg4 : memref<2x9984xi32, #tpu.memory_space<vmem>>)
      tpu.yield
    }) : () -> ()
    %broadcast_in_dim3A = arith.constant 1.000000e+00 : f32
    %broadcast_in_dim3A_7 = vector.broadcast %broadcast_in_dim3A : f32 to vector<16xf32>
    %scan3A_8 = arith.constant 0 : i32
    %scan3A_9 = arith.constant 624 : i32
    %scan3A_10 = arith.addi %scan3A_8, %scan3A_9 : i32
    %scan3A_11 = arith.constant 1 : i32
    scf.for %scan3A_17 = %scan3A_8 to %scan3A_10 step %scan3A_11  : i32 {
      %mul3A_18 = arith.constant 16 : i32
      %mul3A_19 = arith.muli %scan3A_17, %mul3A_18 : i32
      %get3A = arith.constant 1 : i32
      %get3A_20 = arith.index_cast %get3A : i32 to index
      %get3A_21 = arith.index_cast %mul3A_19 : i32 to index
      %get3A_22 = tpu.vector_load %arg4[%get3A_20, %get3A_21] {strides = array<i32>} : memref<2x9984xi32, #tpu.memory_space<vmem>>, vector<16xi32>,
      tpu.vector_store_idx %arg5[%get3A_22], %broadcast_in_dim3A_7 {add = true} : memref<10000xf32, #tpu.memory_space<vmem>>[vector<16xi32>], vector<16xf32>,
    }
    %scan3A_12 = arith.constant 624 : i32
    %lt3A = arith.constant 4 : i32
    %lt3A_13 = arith.cmpi slt, %add3A, %lt3A : i32
    %convert_element_type3A = arith.extui %lt3A_13 : i1 to i32
    %cond3A = arith.constant 0 : i32
    %cond3A_14 = arith.cmpi ne, %convert_element_type3A, %cond3A : i32
    scf.if %cond3A_14 {
      %mul3A_17 = arith.constant 128 : i32
      %mul3A_18 = arith.muli %add3A, %mul3A_17 : i32
      %add3A_19 = arith.constant 319488 : i32
      %add3A_20 = arith.addi %add3A_19, %mul3A_18 : i32
      "tpu.region"() ({
        %run_scoped3A = tpu.sem_alloc : memref<!tpu.dma_semaphore, #tpu.memory_space<semaphore_mem>>
        %dma_start3A = arith.constant 0 : i32
        %dma_start3A_26 = arith.constant 0 : i32
        %dma_start3A_27 = tpu.memref_slice %arg4[%dma_start3A, %dma_start3A_26] : memref<2x9984xi32, #tpu.memory_space<vmem>> -> memref<2x128xi32, #tpu.memory_space<vmem>>
        %dma_start3A_28 = arith.constant 0 : i32
        %dma_start3A_29 = tpu.memref_slice %arg2[%dma_start3A_28, %add3A_20] : memref<2x320000xi32, #tpu.memory_space<hbm>> -> memref<2x128xi32, #tpu.memory_space<hbm>>
        %dma_start3A_30 = arith.constant 0 : i32
        %dma_start3A_31 = arith.constant 0 : i32
        %dma_start3A_32 = tpu.memref_slice %arg4[%dma_start3A_30, %dma_start3A_31] : memref<2x9984xi32, #tpu.memory_space<vmem>> -> memref<2x128xi32, #tpu.memory_space<vmem>>
        %dma_start3A_33 = arith.constant 0 : i32
        %dma_start3A_34 = tpu.memref_slice %arg2[%dma_start3A_33, %add3A_20] : memref<2x320000xi32, #tpu.memory_space<hbm>> -> memref<2x128xi32, #tpu.memory_space<hbm>>
        tpu.enqueue_dma source(%dma_start3A_34 : memref<2x128xi32, #tpu.memory_space<hbm>>) target(%dma_start3A_32 : memref<2x128xi32, #tpu.memory_space<vmem>>) target_semaphore(%run_scoped3A : memref<!tpu.dma_semaphore, #tpu.memory_space<semaphore_mem>>)
        %dma_wait3A = arith.constant 0 : i32
        %dma_wait3A_35 = arith.constant 0 : i32
        %dma_wait3A_36 = tpu.memref_slice %arg4[%dma_wait3A, %dma_wait3A_35] : memref<2x9984xi32, #tpu.memory_space<vmem>> -> memref<2x128xi32, #tpu.memory_space<vmem>>
        %dma_wait3A_37 = arith.constant 0 : i32
        %dma_wait3A_38 = tpu.memref_slice %arg2[%dma_wait3A_37, %add3A_20] : memref<2x320000xi32, #tpu.memory_space<hbm>> -> memref<2x128xi32, #tpu.memory_space<hbm>>
        %dma_wait3A_39 = arith.constant 0 : i32
        %dma_wait3A_40 = arith.constant 0 : i32
        %dma_wait3A_41 = tpu.memref_slice %arg4[%dma_wait3A_39, %dma_wait3A_40] : memref<2x9984xi32, #tpu.memory_space<vmem>> -> memref<2x128xi32, #tpu.memory_space<vmem>>
        %dma_wait3A_42 = arith.constant 0 : i32
        %dma_wait3A_43 = tpu.memref_slice %arg2[%dma_wait3A_42, %add3A_20] : memref<2x320000xi32, #tpu.memory_space<hbm>> -> memref<2x128xi32, #tpu.memory_space<hbm>>
        tpu.wait_dma2 semaphore(%run_scoped3A : memref<!tpu.dma_semaphore, #tpu.memory_space<semaphore_mem>>) src(%dma_wait3A_43 : memref<2x128xi32, #tpu.memory_space<hbm>>) dst(%dma_wait3A_41 : memref<2x128xi32, #tpu.memory_space<vmem>>)
        tpu.yield
      }) : () -> ()
      %scan3A_21 = arith.constant 0 : i32
      %scan3A_22 = arith.constant 8 : i32
      %scan3A_23 = arith.addi %scan3A_21, %scan3A_22 : i32
      %scan3A_24 = arith.constant 1 : i32
      scf.for %scan3A_26 = %scan3A_21 to %scan3A_23 step %scan3A_24  : i32 {
        %mul3A_27 = arith.constant 16 : i32
        %mul3A_28 = arith.muli %scan3A_26, %mul3A_27 : i32
        %get3A = arith.constant 1 : i32
        %get3A_29 = arith.index_cast %get3A : i32 to index
        %get3A_30 = arith.index_cast %mul3A_28 : i32 to index
        %get3A_31 = tpu.vector_load %arg4[%get3A_29, %get3A_30] {strides = array<i32>} : memref<2x9984xi32, #tpu.memory_space<vmem>>, vector<16xi32>,
        tpu.vector_store_idx %arg5[%get3A_31], %broadcast_in_dim3A_7 {add = true} : memref<10000xf32, #tpu.memory_space<vmem>>[vector<16xi32>], vector<16xf32>,
      }
      %scan3A_25 = arith.constant 8 : i32
    } else {
    }
    %mul3A_15 = arith.constant 10000 : i32
    %mul3A_16 = arith.muli %add3A, %mul3A_15 : i32
    "tpu.region"() ({
      %run_scoped3A = tpu.sem_alloc : memref<!tpu.dma_semaphore, #tpu.memory_space<semaphore_mem>>
      %dma_start3A = tpu.memref_slice %arg3[%mul3A_16] : memref<320000xf32, #tpu.memory_space<hbm>> -> memref<10000xf32, #tpu.memory_space<hbm>>
      %dma_start3A_17 = tpu.memref_slice %arg3[%mul3A_16] : memref<320000xf32, #tpu.memory_space<hbm>> -> memref<10000xf32, #tpu.memory_space<hbm>>
      tpu.enqueue_dma source(%arg5 : memref<10000xf32, #tpu.memory_space<vmem>>) target(%dma_start3A_17 : memref<10000xf32, #tpu.memory_space<hbm>>) target_semaphore(%run_scoped3A : memref<!tpu.dma_semaphore, #tpu.memory_space<semaphore_mem>>)
      %dma_wait3A = tpu.memref_slice %arg3[%mul3A_16] : memref<320000xf32, #tpu.memory_space<hbm>> -> memref<10000xf32, #tpu.memory_space<hbm>>
      %dma_wait3A_18 = tpu.memref_slice %arg3[%mul3A_16] : memref<320000xf32, #tpu.memory_space<hbm>> -> memref<10000xf32, #tpu.memory_space<hbm>>
      tpu.wait_dma2 semaphore(%run_scoped3A : memref<!tpu.dma_semaphore, #tpu.memory_space<semaphore_mem>>) src(%arg5 : memref<10000xf32, #tpu.memory_space<vmem>>) dst(%dma_wait3A_18 : memref<10000xf32, #tpu.memory_space<hbm>>)
      tpu.yield
    }) : () -> ()
    return
  }
}

module attributes {stable_mosaic.version = 14 : i64} {
  func.func @_tc2(%arg0: memref<2x10112x128xf32, #tpu.memory_space<vmem>>, %arg1: memref<10000x128xf32, #tpu.memory_space<vmem>>, %arg2: memref<10000x1xf32, #tpu.memory_space<vmem>>, %arg3: memref<1x128xf32, #tpu.memory_space<vmem>>, %arg4: memref<10000x128xf32, #tpu.memory_space<vmem>>) attributes {dimension_semantics = [], scalar_prefetch = 0 : i64, scratch_operands = 0 : i64, tpu.core_type = #tpu.core_type<tc>} {
    %get3A = arith.constant 0 : index
    %get3A_0 = arith.constant 0 : index
    %get3A_1 = vector.load %arg2[%get3A, %get3A_0] : memref<10000x1xf32, #tpu.memory_space<vmem>>, vector<10000x1xf32>
    %get3A_2 = arith.constant 0 : index
    %get3A_3 = arith.constant 0 : index
    %get3A_4 = arith.constant 0 : index
    %get3A_5 = vector.load %arg0[%get3A_2, %get3A_3, %get3A_4] : memref<2x10112x128xf32, #tpu.memory_space<vmem>>, vector<1x10000x128xf32>
    %get3A_6 = vector.shape_cast %get3A_5 : vector<1x10000x128xf32> to vector<10000x128xf32>
    %get3A_7 = arith.constant 1 : index
    %get3A_8 = arith.constant 0 : index
    %get3A_9 = arith.constant 0 : index
    %get3A_10 = vector.load %arg0[%get3A_7, %get3A_8, %get3A_9] : memref<2x10112x128xf32, #tpu.memory_space<vmem>>, vector<1x10000x128xf32>
    %get3A_11 = vector.shape_cast %get3A_10 : vector<1x10000x128xf32> to vector<10000x128xf32>
    %add3A = arith.addf %get3A_6, %get3A_11 : vector<10000x128xf32>
    %get3A_12 = arith.constant 0 : index
    %get3A_13 = arith.constant 0 : index
    %get3A_14 = vector.load %arg1[%get3A_12, %get3A_13] : memref<10000x128xf32, #tpu.memory_space<vmem>>, vector<10000x128xf32>
    %add3A_15 = arith.addf %add3A, %get3A_14 : vector<10000x128xf32>
    %mul3A = vector.broadcast %get3A_1 : vector<10000x1xf32> to vector<10000x128xf32>
    %mul3A_16 = arith.mulf %add3A_15, %mul3A : vector<10000x128xf32>
    %get3A_17 = arith.constant 0 : index
    %get3A_18 = arith.constant 0 : index
    %get3A_19 = vector.load %arg3[%get3A_17, %get3A_18] : memref<1x128xf32, #tpu.memory_space<vmem>>, vector<1x128xf32>
    %add3A_20 = vector.broadcast %get3A_19 : vector<1x128xf32> to vector<10000x128xf32>
    %add3A_21 = arith.addf %mul3A_16, %add3A_20 : vector<10000x128xf32>
    %max3A = arith.constant 0.000000e+00 : f32
    %max3A_22 = vector.broadcast %max3A : f32 to vector<10000x128xf32>
    %max3A_23 = arith.maximumf %add3A_21, %max3A_22 : vector<10000x128xf32>
    %mul3A_24 = vector.broadcast %get3A_1 : vector<10000x1xf32> to vector<10000x128xf32>
    %mul3A_25 = arith.mulf %max3A_23, %mul3A_24 : vector<10000x128xf32>
    %swap3A = arith.constant 0 : index
    %swap3A_26 = arith.constant 0 : index
    %swap3A_27 = vector.load %arg4[%swap3A, %swap3A_26] : memref<10000x128xf32, #tpu.memory_space<vmem>>, vector<10000x128xf32>
    tpu.vector_store %arg4[%swap3A, %swap3A_26], %mul3A_25 {strides = array<i32>} : memref<10000x128xf32, #tpu.memory_space<vmem>>, vector<10000x128xf32>,
    return
  }
}

module attributes {stable_mosaic.version = 14 : i64} {
  func.func @_tc1(%arg0: memref<10000x128xf32, #tpu.memory_space<vmem>>, %arg1: memref<128x128xf32, #tpu.memory_space<vmem>>, %arg2: memref<32x10000xf32, #tpu.memory_space<vmem>>, %arg3: memref<10000x128xf32, #tpu.memory_space<vmem>>, %arg4: memref<10000x1xf32, #tpu.memory_space<vmem>>) attributes {dimension_semantics = [], scalar_prefetch = 0 : i64, scratch_operands = 0 : i64, tpu.core_type = #tpu.core_type<tc>} {
    %get3A = arith.constant 0 : index
    %get3A_0 = arith.constant 0 : index
    %get3A_1 = vector.load %arg2[%get3A, %get3A_0] : memref<32x10000xf32, #tpu.memory_space<vmem>>, vector<32x10000xf32>
    %broadcast_in_dim3A = arith.constant 1.000000e+00 : f32
    %broadcast_in_dim3A_2 = vector.broadcast %broadcast_in_dim3A : f32 to vector<32x1xf32>
    %dot_general3A = arith.constant dense<0.000000e+00> : vector<10000x1xf32>
    %dot_general3A_3 = tpu.matmul %get3A_1, %broadcast_in_dim3A_2, %dot_general3A {dimension_numbers = #tpu.dot_dimension_numbers<[0], [0], [1], [1], [0, 1, 1, 1], [], []>, transpose_lhs_hint = false} : vector<32x10000xf32>, vector<32x1xf32>, vector<10000x1xf32> -> vector<10000x1xf32>
    %add3A = arith.constant 1.000000e+00 : f32
    %add3A_4 = vector.broadcast %add3A : f32 to vector<10000x1xf32>
    %add3A_5 = arith.addf %dot_general3A_3, %add3A_4 : vector<10000x1xf32>
    %rsqrt3A = math.rsqrt %add3A_5 : vector<10000x1xf32>
    %swap3A = arith.constant 0 : index
    %swap3A_6 = arith.constant 0 : index
    %swap3A_7 = vector.load %arg4[%swap3A, %swap3A_6] : memref<10000x1xf32, #tpu.memory_space<vmem>>, vector<10000x1xf32>
    tpu.vector_store %arg4[%swap3A, %swap3A_6], %rsqrt3A {strides = array<i32>} : memref<10000x1xf32, #tpu.memory_space<vmem>>, vector<10000x1xf32>,
    %get3A_8 = arith.constant 0 : index
    %get3A_9 = arith.constant 0 : index
    %get3A_10 = vector.load %arg0[%get3A_8, %get3A_9] : memref<10000x128xf32, #tpu.memory_space<vmem>>, vector<10000x128xf32>
    %get3A_11 = arith.constant 0 : index
    %get3A_12 = arith.constant 0 : index
    %get3A_13 = vector.load %arg1[%get3A_11, %get3A_12] : memref<128x128xf32, #tpu.memory_space<vmem>>, vector<128x128xf32>
    %dot_general3A_14 = arith.constant dense<0.000000e+00> : vector<10000x128xf32>
    %dot_general3A_15 = tpu.matmul %get3A_10, %get3A_13, %dot_general3A_14 {dimension_numbers = #tpu.dot_dimension_numbers<[1], [0], [0], [1], [0, 0, 1, 1], [], []>, transpose_lhs_hint = false} : vector<10000x128xf32>, vector<128x128xf32>, vector<10000x128xf32> -> vector<10000x128xf32>
    %mul3A = vector.broadcast %rsqrt3A : vector<10000x1xf32> to vector<10000x128xf32>
    %mul3A_16 = arith.mulf %dot_general3A_15, %mul3A : vector<10000x128xf32>
    %swap3A_17 = arith.constant 0 : index
    %swap3A_18 = arith.constant 0 : index
    %swap3A_19 = vector.load %arg3[%swap3A_17, %swap3A_18] : memref<10000x128xf32, #tpu.memory_space<vmem>>, vector<10000x128xf32>
    tpu.vector_store %arg3[%swap3A_17, %swap3A_18], %mul3A_16 {strides = array<i32>} : memref<10000x128xf32, #tpu.memory_space<vmem>>, vector<10000x128xf32>,
    return
  }
}

module attributes {stable_mosaic.version = 14 : i64} {
  func.func @_tc3(%arg0: memref<2x10112x128xf32, #tpu.memory_space<vmem>>, %arg1: memref<10000x128xf32, #tpu.memory_space<vmem>>, %arg2: memref<10000x1xf32, #tpu.memory_space<vmem>>, %arg3: memref<128x128xf32, #tpu.memory_space<vmem>>, %arg4: memref<128x1xf32, #tpu.memory_space<vmem>>, %arg5: memref<64x10000xf32, #tpu.memory_space<vmem>>, %arg6: memref<64x10000xf32, #tpu.memory_space<vmem>>) attributes {dimension_semantics = [], scalar_prefetch = 0 : i64, scratch_operands = 0 : i64, tpu.core_type = #tpu.core_type<tc>} {
    %get3A = arith.constant 0 : index
    %get3A_0 = arith.constant 0 : index
    %get3A_1 = arith.constant 0 : index
    %get3A_2 = vector.load %arg0[%get3A, %get3A_0, %get3A_1] : memref<2x10112x128xf32, #tpu.memory_space<vmem>>, vector<1x10000x128xf32>
    %get3A_3 = vector.shape_cast %get3A_2 : vector<1x10000x128xf32> to vector<10000x128xf32>
    %get3A_4 = arith.constant 1 : index
    %get3A_5 = arith.constant 0 : index
    %get3A_6 = arith.constant 0 : index
    %get3A_7 = vector.load %arg0[%get3A_4, %get3A_5, %get3A_6] : memref<2x10112x128xf32, #tpu.memory_space<vmem>>, vector<1x10000x128xf32>
    %get3A_8 = vector.shape_cast %get3A_7 : vector<1x10000x128xf32> to vector<10000x128xf32>
    %add3A = arith.addf %get3A_3, %get3A_8 : vector<10000x128xf32>
    %get3A_9 = arith.constant 0 : index
    %get3A_10 = arith.constant 0 : index
    %get3A_11 = vector.load %arg1[%get3A_9, %get3A_10] : memref<10000x128xf32, #tpu.memory_space<vmem>>, vector<10000x128xf32>
    %add3A_12 = arith.addf %add3A, %get3A_11 : vector<10000x128xf32>
    %get3A_13 = arith.constant 0 : index
    %get3A_14 = arith.constant 0 : index
    %get3A_15 = vector.load %arg2[%get3A_13, %get3A_14] : memref<10000x1xf32, #tpu.memory_space<vmem>>, vector<10000x1xf32>
    %mul3A = vector.broadcast %get3A_15 : vector<10000x1xf32> to vector<10000x128xf32>
    %mul3A_16 = arith.mulf %add3A_12, %mul3A : vector<10000x128xf32>
    %get3A_17 = arith.constant 0 : index
    %get3A_18 = arith.constant 0 : index
    %get3A_19 = vector.load %arg3[%get3A_17, %get3A_18] : memref<128x128xf32, #tpu.memory_space<vmem>>, vector<128x128xf32>
    %dot_general3A = arith.constant dense<0.000000e+00> : vector<128x10000xf32>
    %dot_general3A_20 = tpu.matmul %get3A_19, %mul3A_16, %dot_general3A {dimension_numbers = #tpu.dot_dimension_numbers<[0], [1], [1], [0], [0, 1, 1, 0], [], []>, transpose_lhs_hint = false} : vector<128x128xf32>, vector<10000x128xf32>, vector<128x10000xf32> -> vector<128x10000xf32>
    %get3A_21 = arith.constant 0 : index
    %get3A_22 = arith.constant 0 : index
    %get3A_23 = vector.load %arg4[%get3A_21, %get3A_22] : memref<128x1xf32, #tpu.memory_space<vmem>>, vector<128x1xf32>
    %add3A_24 = vector.broadcast %get3A_23 : vector<128x1xf32> to vector<128x10000xf32>
    %add3A_25 = arith.addf %dot_general3A_20, %add3A_24 : vector<128x10000xf32>
    %slice3A = vector.extract_strided_slice %add3A_25 {offsets = [0, 0], sizes = [64, 10000], strides = [1, 1]} : vector<128x10000xf32> to vector<64x10000xf32>
    %swap3A = arith.constant 0 : index
    %swap3A_26 = arith.constant 0 : index
    %swap3A_27 = vector.load %arg5[%swap3A, %swap3A_26] : memref<64x10000xf32, #tpu.memory_space<vmem>>, vector<64x10000xf32>
    tpu.vector_store %arg5[%swap3A, %swap3A_26], %slice3A {strides = array<i32>} : memref<64x10000xf32, #tpu.memory_space<vmem>>, vector<64x10000xf32>,
    %slice3A_28 = vector.extract_strided_slice %add3A_25 {offsets = [64, 0], sizes = [64, 10000], strides = [1, 1]} : vector<128x10000xf32> to vector<64x10000xf32>
    %swap3A_29 = arith.constant 0 : index
    %swap3A_30 = arith.constant 0 : index
    %swap3A_31 = vector.load %arg6[%swap3A_29, %swap3A_30] : memref<64x10000xf32, #tpu.memory_space<vmem>>, vector<64x10000xf32>
    tpu.vector_store %arg6[%swap3A_29, %swap3A_30], %slice3A_28 {strides = array<i32>} : memref<64x10000xf32, #tpu.memory_space<vmem>>, vector<64x10000xf32>,
    return
  }
}

</mosaic_0001>

<sc_bundles>
// kernel: kernel.11.cloned.1.call-start
scs
__scs_entry_jumppad:
0x0: {  	(pc) =	sbr.rel $0x88, $3  }
0x1: {  	(tag) =	ssettag $0x0;
	lr =	simm.s32 $0x1  }
0x2: {  	[smem:$0x3F99] =	sst lr;
	_ =	strace $0xD0000000  }
0x3: {  	_ = 	snop  }
0x4: {  	_ = 	snop  }
0x5: {  	_ = 	snop  }
0x6: {  	_ = 	snop  }
0x7: {  	_ = 	snop  }
__scs_overlays_trampoline_lowered:
0x8: {  	[smem:$0x3FA8] =	sst s0  }
0x9: {  	[smem:$0x3FA9] =	sst s1  }
0xa: {  	[smem:$0x3FAA] =	sst s2  }
0xb: {  	[smem:$0x3FAB] =	sst s3  }
0xc: {  	[smem:$0x3FAC] =	sst s4  }
0xd: {  	[smem:$0x3FAD] =	sst s5  }
0xe: {  	[smem:$0x3FAE] =	sst s6  }
0xf: {  	[smem:$0x3FAF] =	sst s7  }
0x10: {  	[smem:$0x3FB0] =	sst s8  }
0x11: {  	[smem:$0x3FB1] =	sst s9;
	s0 =	simm.s32 @!p0 $0x0  }
0x12: {  	s1 =	sld [smem:$0x3F97];
	s0 =	simm.s32 @p0 $0x1  }
0x13: {  	[smem:$0x3FB2] =	sst s0;
	s0 =	simm.s32 @!p1 $0x0  }
0x14: {  	s2 =	sld [smem:$0x3F96];
	s0 =	simm.s32 @p1 $0x1  }
0x15: {  	[smem:$0x3FB3] =	sst s0;
	s0 =	simm.s32 @!p2 $0x0  }
0x16: {  	s3 =	sld [smem:$0x3FDB];
	s0 =	simm.s32 @p2 $0x1  }
0x17: {  	s4 =	simm.s32 $0x1BF5;
	[smem:$0x3FB5] =	sst s0  }
0x18: {  	s0 =	sld [smem:$0x3F98];
	_ =	swait.ge [sflag:s4], $0x0  }
0x19: {  	s7 =	sld [smem:$0x3F99]  }
0x1a: {  	s8 =	sadd.s32 $0xFFFFE003, lr  }
0x1b: {  	s9 =	sadd.s32 $0xFFFFFEF7, lr;
	s5 =	simm.s32 $0xFFFFFFFF;
	p2 =	slt.u32 s8, $0xFFFFF086  }
0x1c: {  	p1 =	slt.u32 s9, $0xF7A;
	s5 =	simm.s32 @!p2 $0x0  }
0x1d: {  	s5 =	simm.s32 @p1 $0x1;
	p0 =	seq.s32 s7, s2  }
0x1e: {  	s7 =	smul.u32 @!p0 $0xF7A, s2;
	p2 =	seq.s32 @!p0 s5, $0x0  }
0x1f: {  	s9 =	smul.u32 $0xF7A, s1;
	s8 =	simm.s32 @!p0 $0x1BF5;
	p2 =	por !p2, p0  }
0x20: {  	[sflag:s8] =	ssyncset.s32 @!p0 $0xFFFFF086;
	s6 =	sadd.s32 @!p0 s3, s7;
	s7 =	simm.s32 @!p0 $0x108  }
0x21: {  	s3 =	sadd.s32 s3, s9;
	s6 =	sadd.s32 @!p0 $0x88, s6;
	s7 =	simm.s32 @p2 $0x1082  }
0x22: {  	[simem:s7], [sflag:s8] =	dma.local @!p0 [hbm:s6], $0xF7A  }
0x23: {  	s9 =	sor.u32 $0xD0000000, s2;
	s6 =	simm.s32 $0x108;
	_ =	swait.ge @!p0 [sflag:s8], $0x0  }
0x24: {  	s3 =	sadd.s32 $0x88, s3;
	s6 =	simm.s32 @!p1 $0x1082;
	[sflag:s4] =	ssyncset.s32 $0xFFFFF086  }
0x25: {  	[simem:s6], [sflag:s4] =	dma.local [hbm:s3], $0xF7A  }
0x26: {  	[smem:$0x3F99] =	sst s1;
	(tag) =	ssettag s2;
	_ =	strace s9  }
0x27: {  	s1 =	sld [smem:$0x3FA9]  }
0x28: {  	s2 =	sld [smem:$0x3FAA]  }
0x29: {  	s4 =	sld [smem:$0x3FAC]  }
0x2a: {  	p0 =	seq.s32 s5, $0x0;
	s5 =	sld [smem:$0x3FAD]  }
0x2b: {  	s6 =	sld [smem:$0x3FAE]  }
0x2c: {  	s7 =	sld [smem:$0x3FAF]  }
0x2d: {  	s3 =	simm.s32 $0x108;
	s8 =	sld [smem:$0x3FB0]  }
0x2e: {  	s3 =	simm.s32 @!p0 $0x1082;
	s9 =	sld [smem:$0x3FB1]  }
0x2f: {  	lr =	sadd.s32 s0, s3;
	s0 =	sld [smem:$0x3FA8]  }
0x30: {  	s3 =	sld [smem:$0x3FAB]  }
0x31: {  	[smem:$0x3FB4] =	sst s10  }
0x32: {  	s10 =	sld [smem:$0x3FB2];
	_ =	sdelay $0x3  }
0x33: {  	p0 =	seq.s32 s10, $0x1;
	s10 =	sld [smem:$0x3FB4];
	_ =	sdelay $0x3  }
0x34: {  	[smem:$0x3FB4] =	sst s10  }
0x35: {  	s10 =	sld [smem:$0x3FB3];
	_ =	sdelay $0x3  }
0x36: {  	p1 =	seq.s32 s10, $0x1;
	s10 =	sld [smem:$0x3FB4];
	_ =	sdelay $0x3  }
0x37: {  	[smem:$0x3FB4] =	sst s10  }
0x38: {  	s10 =	sld [smem:$0x3FB5]  }
0x39: {  	_ = 	snop;
	(pc) =	sbr.ind lr, $3  }
0x3a: {  	_ = 	snop  }
0x3b: {  	_ = 	snop  }
0x3c: {  	p2 =	seq.s32 s10, $0x1;
	s10 =	sld [smem:$0x3FB4]  }
0x3d: {  	_ =	shalt  }
0x3e: {  	_ =	shalt  }
0x3f: {  	_ =	shalt  }
0x40: {  	_ =	shalt  }
0x41: {  	_ =	shalt  }
0x42: {  	_ =	shalt  }
0x43: {  	_ =	shalt  }
0x44: {  	_ =	shalt  }
0x45: {  	_ =	shalt  }
0x46: {  	_ =	shalt  }
0x47: {  	_ =	shalt  }
0x48: {  	_ =	shalt  }
0x49: {  	_ =	shalt  }
0x4a: {  	_ =	shalt  }
0x4b: {  	_ =	shalt  }
0x4c: {  	_ =	shalt  }
0x4d: {  	_ =	shalt  }
0x4e: {  	_ =	shalt  }
0x4f: {  	_ =	shalt  }
0x50: {  	_ =	shalt  }
0x51: {  	_ =	shalt  }
0x52: {  	_ =	shalt  }
0x53: {  	_ =	shalt  }
0x54: {  	_ =	shalt  }
0x55: {  	_ =	shalt  }
0x56: {  	_ =	shalt  }
0x57: {  	_ =	shalt  }
0x58: {  	_ =	shalt  }
0x59: {  	_ =	shalt  }
0x5a: {  	_ =	shalt  }
0x5b: {  	_ =	shalt  }
0x5c: {  	_ =	shalt  }
0x5d: {  	_ =	shalt  }
0x5e: {  	_ =	shalt  }
0x5f: {  	_ =	shalt  }
0x60: {  	_ =	shalt  }
0x61: {  	_ =	shalt  }
0x62: {  	_ =	shalt  }
0x63: {  	_ =	shalt  }
0x64: {  	_ =	shalt  }
0x65: {  	_ =	shalt  }
0x66: {  	_ =	shalt  }
0x67: {  	_ =	shalt  }
0x68: {  	_ =	shalt  }
0x69: {  	_ =	shalt  }
0x6a: {  	_ =	shalt  }
0x6b: {  	_ =	shalt  }
0x6c: {  	_ =	shalt  }
0x6d: {  	_ =	shalt  }
0x6e: {  	_ =	shalt  }
0x6f: {  	_ =	shalt  }
0x70: {  	_ =	shalt  }
0x71: {  	_ =	shalt  }
0x72: {  	_ =	shalt  }
0x73: {  	_ =	shalt  }
0x74: {  	_ =	shalt  }
0x75: {  	_ =	shalt  }
0x76: {  	_ =	shalt  }
0x77: {  	_ =	shalt  }
0x78: {  	_ =	shalt  }
0x79: {  	_ =	shalt  }
0x7a: {  	_ =	shalt  }
0x7b: {  	_ =	shalt  }
0x7c: {  	_ =	shalt  }
0x7d: {  	_ =	shalt  }
0x7e: {  	_ =	shalt  }
0x7f: {  	_ =	shalt  }
0x80: {  	_ =	shalt  }
0x81: {  	_ =	shalt  }
0x82: {  	_ =	shalt  }
0x83: {  	_ =	shalt  }
0x84: {  	_ =	shalt  }
0x85: {  	_ =	shalt  }
0x86: {  	_ =	shalt  }
0x87: {  	_ =	shalt  }
.Lfunc_end0:
.L_simem_size_0:
called_computation.1_lowered:
.L_overlay_start_0:
0x88: {  	s2 =	sld [smem:$0x3FD9]  }
0x89: {  	s3 =	sld [smem:$0x3FFE];
	_ =	sdelay $0x1  }
0x8a: {  	s1 =	srdreg.scid  }
0x8b: {  	s0 =	sand.u32 $0x1, s1  }
0x8c: {  	s14 =	sshll.u32 s0, $0xA;
	s2 =	sadd.s32 s3, s2  }
0x8d: {  	s2 =	sadd.s32 s2, s14  }
0x8e: {  	[smem:$0x3FC0] =	sst s2  }
0x8f: {  	_ = 	snop  }
0x90: {  	s2 =	sld [smem:$0x3FD0];
	_ =	sdelay $0x2  }
0x91: {  	s4 =	simm.s32 $0xA;
	s5 =	simm.s32 $0x10;
	s15 =	sld [smem:$0x3FC8]  }
0x92: {  	[smem:s5], [sflag:s4] =	dma.local [hbm:s2], $0x1  }
0x93: {  	_ =	swait.eq [sflag:s4], $0x1  }
0x94: {  	[sflag:s4] =	ssyncset.done $0x0  }
0x95: {  	[sflag:s4] =	ssyncadd.s32 $0xFFFFFFFF  }
0x96: {  	s16 =	sld [smem:$0x11];
	(tm) =	ssettm $0x1  }
0x97: {  	s17 =	sld [smem:$0x3FFB];
	_ =	sdelay $0x3  }
0x98: {  	_ =	strace s17  }
0x99: {  	s4 =	sld [smem:$0x3FFC];
	_ =	sdelay $0x3  }
0x9a: {  	_ =	strace s4  }
0x9b: {  	s4 =	sld [smem:$0x3FFD];
	_ =	sdelay $0x3  }
0x9c: {  	_ =	strace s4  }
0x9d: {  	_ =	strace $0x8FFFFFFF  }
0x9e: {  	s18 =	sld [smem:$0x3FDB];
	_ =	sdelay $0x1  }
0x9f: {  	s19 =	simm.s32 $_scs_section_size  }
0xa0: {  	s6 =	simm.s32 $_size__tile_overlayer_lowered;
	s7 =	simm.s32 $_tile_overlayer_lowered  }
0xa1: {  	s22 =	simm.s32 $0x1BFF;
	s21 =	sshll.u32 s7, $0x1;
	s4 =	sadd.s32 s19, s18  }
0xa2: {  	s8 =	simm.s32 $0x0;
	s20 =	sshll.u32 s6, $0x1;
	s6 =	sadd.s32 s21, s4  }
0xa3: {  	[timem:s8], [sflag:s22] =	dma.local [hbm:s6], s20  }
0xa4: {  	_ =	swait.ge [sflag:s22], s20  }
0xa5: {  	s5 =	ssub.s32 $0x0, s20;
	[sflag:s22] =	ssyncset.done $0x0  }
0xa6: {  	[sflag:s22] =	ssyncadd.s32 s5;
	_ =	sdelay $0x1  }
0xa7: {  	s23 =	simm.s32 $0x1B8B  }
0xa8: {  	_ =	swait.ge [sflag:s23], $0x1  }
0xa9: {  	[sflag:s23] =	ssyncset.done $0x0  }
0xaa: {  	s25 =	simm.s32 $0x1B8E;
	s24 =	sld [smem:$0x3FFE];
	[sflag:s23] =	ssyncadd.s32 $0xFFFFFFFF  }
0xab: {  	s26 =	simm.s32 $execute0_lowered;
	[smem:$0x3FD2] =	sst s25  }
0xac: {  	s6 =	sshll.u32 s26, $0x1;
	_ =	strace $0x80000049;
	[dreg:$0x1] =	wrdreg $0xFFFFFFFF  }
0xad: {  	s28 =	simm.s32 $_size_execute0_lowered;
	s4 =	sadd.s32 s4, s6;
	[dreg:$0x0] =	wrdreg $0x0  }
0xae: {  	s6 =	sshll.u32 s28, $0x1;
	[dreg:$0x2] =	wrdreg s4  }
0xaf: {  	[dreg:$0x3] =	wrdreg s6  }
0xb0: {  	[dreg:$0x4] =	wrdreg $0xC0  }
0xb1: {  	_ =	task [dreg:s8], $0x5FFFF  }
0xb2: {  	[dreg:$0x1] =	wrdreg $0xFFFFFFFF  }
0xb3: {  	[dreg:$0x0] =	wrdreg $0x60  }
0xb4: {  	[dreg:$0x2] =	wrdreg s15  }
0xb5: {  	[dreg:$0x3] =	wrdreg s16  }
0xb6: {  	[dreg:$0x4] =	wrdreg s24  }
0xb7: {  	[dreg:$0x5] =	wrdreg $0xC3000  }
0xb8: {  	[dreg:$0x6] =	wrdreg $0x9  }
0xb9: {  	_ =	task.clear_ibuf [dreg:s8], $0x7FFFF;
	_ =	strace $0x90000049  }
0xba: {  	s29 =	simm.s32 $0x9;
	_ =	strace $0x8000004B  }
0xbb: {  	_ =	swait.ge [sflag:s29], $0x1  }
0xbc: {  	[sflag:s29] =	ssyncadd.s32 $0xFFFFFFFF  }
0xbd: {  	_ =	strace $0x9000004B  }
0xbe: {  	_ =	sfence  }
0xbf: {  	s30 =	sld [smem:$0x0];
	_ =	sdelay $0x2  }
0xc0: {  	s31 =	sshll.u32 s1, $0xD;
	s1 =	sshrl.u32 s1, $0x2  }
0xc1: {  	s3 =	sand.u32 $0x4000, s31;
	s1 =	sadd.s32 s1, s30  }
0xc2: {  	s0 =	sor.u32 s3, s0;
	s1 =	sshll.u32 s1, $0x11  }
0xc3: {  	s0 =	sor.u32 s1, s0  }
0xc4: {  	s0 =	sadd.s32 $0x8F2B, s0  }
0xc5: {  	[sflag:s0] =	ssyncadd.remote.s32 $0x1  }
0xc6: {  	_ =	sfence.sel $0xFFFF  }
0xc7: {  	[dreg:$0x0] =	wrdreg $0xFFFFFFFF;
	(pc) =	sbr.abs _section_cstart, $3  }
0xc8: {  	[dreg:$0x1] =	wrdreg $0xFFFFFFFF  }
0xc9: {  	_ =	task.clear_ibuf [dreg:s8], $0x2FFFF;
	_ =	strace $0x9FFFFFFF  }
0xca: {  	(tm) =	ssettm $0x7FFFFFFF  }
0xcb: {  	_ =	shalt  }
tec
execute0_lowered:
.L_overlay_start_1:
0x0: {  	(tag) =	ssettag $0x1  }
0x1: {  	s1 =	rddreg [dreg:$0x0]  }
0x2: {  	s0 =	rddreg [dreg:$0x2]  }
0x3: {  	s3 =	rddreg [dreg:$0x3];
	s2 =	srdreg.scid  }
0x4: {  	s5 =	simm.s32 $0x0;
	s11 =	stileid.u32;
	s22 =	simm.s32 $0x4300  }
0x5: {  	s23 =	simm.s32 $0x140;
	s24 =	simm.s32 $0x6300;
	s25 =	simm.s32 $0x240  }
0x6: {  	s28 =	simm.s32 $0x6;
	s29 =	simm.s32 $0x9;
	s30 =	simm.s32 $0x0  }
0x7: {  	s2 =	sand.u32 $0x1, s2;
	[smem:$0x7FF] =	sst s5;
	s7 =	smul.u32 $0x13C00, s11  }
0x8: {  	s6 =	sadd.s32 $0x2E00, s0;
	s9 =	smul.u32 $0x4F000, s11;
	s16 =	sshll.u32 s11, $0x6  }
0x9: {  	s18 =	sshll.u32 s11, $0x5;
	_ =	strace $0x8000004A;
	[dreg:$0x7] =	wrdreg s22  }
0xa: {  	s4 =	smul.u32 $0x13C000, s2;
	s26 =	ssub.s32 $0x2, s2;
	[dreg:$0x8] =	wrdreg s23  }
0xb: {  	s14 =	sshll.u32 s2, $0x4;
	s10 =	sshll.u32 s2, $0xC;
	[dreg:$0x9] =	wrdreg s24  }
0xc: {  	s2 =	sshll.u32 s2, $0x9;
	[dreg:$0xa] =	wrdreg s25;
	s22 =	simm.s32 $0x4  }
0xd: {  	s23 =	simm.s32 $0x80;
	s24 =	simm.s32 $0x3;
	s25 =	simm.s32 $0x7  }
0xe: {  	s8 =	sshrl.u32 s26, $0x1;
	s13 =	sor.u32 s11, s14;
	s15 =	sshrl.u32 s9, $0x2  }
0xf: {  	s11 =	sshll.u32 s11, $0x8;
	s4 =	sadd.s32 s7, s4;
	s31 =	ssub.s32 s26, s8  }
0x10: {  	s14 =	sadd.s32 s15, s3;
	s7 =	sor.u32 $0x1C0A, s16;
	s17 =	sshll.u32 s13, $0x5  }
0x11: {  	s15 =	sadd.s32 s18, s1;
	s16 =	sor.u32 s11, s10;
	s26 =	simm.s32 $0xA300  }
0x12: {  	p0 =	sgt.u32 s13, $0x3;
	s4 =	sshrl.u32 s4, $0x3;
	s8 =	sadd.s32 s1, s17  }
0x13: {  	s20 =	sadd.s32 $0x13800, s15;
	s12 =	sor.u32 $0x8000, s16;
	s2 =	sadd.s32 s2, s15  }
0x14: {  	s14 =	sshrl.u32 s14, $0x3;
	s15 =	simm.s32 $0xA;
	s17 =	simm.s32 $0x300  }
0x15: {  	[dreg:$0xb] =	wrdreg s26;
	s26 =	simm.s32 $0x8300;
	s0 =	sadd.s32 s4, s0  }
0x16: {  	s19 =	sadd.s32 $0x400, s8;
	[dreg:$0xe] =	wrdreg s20;
	s21 =	sshrl.u32 s12, $0x3  }
0x17: {  	s12 =	smax.u32 s31, $0x1;
	s2 =	sadd.s32 $0x800, s2;
	[dreg:$0xd] =	wrdreg s19  }
0x18: {  	s20 =	simm.s32 $0x2;
	s31 =	simm.s32 $0x280;
	[dreg:$0x6] =	wrdreg s2  }
0x19: {  	s0 =	sadd.s32 $0x2A000, s0;
	s19 =	simm.s32 $0x100;
	[dreg:$0xc] =	wrdreg s31  }
0x1a: {  	[dreg:$0xf] =	wrdreg s0;
	s0 =	sadd.s32 s21, s1;
	s21 =	simm.s32 $0x200  }
0x1b: {  	[dreg:$0x5] =	wrdreg s0;
	s0 =	sor.u32 $0x6000, s16;
	s16 =	simm.s32 $0x40  }
.LBB2_1:
0x1c: {  	s2 =	rddreg [dreg:$0x1]  }
0x1d: {  	[spmem:s14], [sflag:s7] =	dma.local [hbm:s2], $0x2780  }
0x1e: {  	_ =	swait.ge [sflag:s15], $0x2780  }
0x1f: {  	[sflag:s15] =	ssyncset.done $0x0  }
0x20: {  	[sflag:s15] =	ssyncadd.s32 $0xFFFFD880  }
0x21: {  	[bflag:$0x0] =	sbarrier.arrive $0xFFFF  }
0x22: {  	[tilespmem:s5], [sflag:$0xA] =	stream.linear.gather [hbm4b:s8+s5], $0x100, $0x38;
	[tilespmem:$0x1FF00] =	vst v63  }
0x23: {  	_ =	swait.ge [sflag:s15], $0x100  }
0x24: {  	[sflag:s15] =	ssyncset.done $0x0  }
0x25: {  	[sflag:s15] =	ssyncadd.s32 $0xFFFFFF00  }
0x26: {  	[tilespmem:s17], [sflag:$0x4] =	stream.indirect.gather [hbm4b:s6+s16], $0x80, s5, s16, $0xb8;
	[tilespmem:$0x1FF00] =	vst v63  }
0x27: {  	s4 =	simm.s32 $0x2300  }
0x28: {  	[tilespmem:s4], [sflag:$0x4] =	stream.indirect.gather [hbm4b:s6+s16], $0x80, s16, s16, $0xb8;
	[tilespmem:$0x1FF00] =	vst v63  }
0x29: {  	s9 =	rddreg [dreg:$0xd]  }
0x2a: {  	[tilespmem:s19], [sflag:$0x2] =	stream.linear.gather [hbm4b:s9+s5], $0x100, $0x38;
	[tilespmem:$0x1FF00] =	vst v63  }
0x2b: {  	_ =	swait.ge [sflag:s20], $0x100  }
0x2c: {  	p1 =	por $0x1, $0x1;
	[sflag:s20] =	ssyncset.done $0x0  }
0x2d: {  	s2 =	simm.s32 @!p1 $0x9;
	[sflag:s20] =	ssyncadd.s32 $0xFFFFFF00  }
0x2e: {  	_ =	swait.ge @!p1 [sflag:s2], $0x4000  }
0x2f: {  	s4 =	rddreg [dreg:$0x9]  }
0x30: {  	s13 =	rddreg [dreg:$0x7];
	[sflag:s2] =	ssyncset.done @!p1 $0x0  }
0x31: {  	s31 =	rddreg [dreg:$0x8];
	[sflag:s2] =	ssyncadd.s32 @!p1 $0xFFFFC000  }
0x32: {  	[tilespmem:s13], [sflag:$0x5] =	stream.indirect.gather [hbm4b:s6+s16], $0x80, s19, s16, $0xb8;
	[tilespmem:$0x1FF00] =	vst v63  }
0x33: {  	s10 =	rddreg [dreg:$0x6]  }
0x34: {  	[tilespmem:s4], [sflag:$0x5] =	stream.indirect.gather [hbm4b:s6+s16], $0x80, s31, s16, $0xb8;
	[tilespmem:$0x1FF00] =	vst v63  }
0x35: {  	s2 =	sadd.s32 $0x0, s10  }
0x36: {  	[tilespmem:s21], [sflag:$0x3] =	stream.linear.gather [hbm4b:s2+s5], $0x100, $0x38;
	[tilespmem:$0x1FF00] =	vst v63  }
0x37: {  	_ =	swait.ge [sflag:s22], $0x2000  }
0x38: {  	[sflag:s22] =	ssyncset.done $0x0  }
0x39: {  	[sflag:s22] =	ssyncadd.s32 $0xFFFFE000  }
0x3a: {  	_ =	swait.ge [sflag:s22], $0x2000  }
0x3b: {  	[sflag:s22] =	ssyncset.done $0x0  }
0x3c: {  	[sflag:s22] =	ssyncadd.s32 $0xFFFFE000  }
0x3d: {  	[spmem:s3] =	stream.indirect.scatter.add.f32 [tilespmem:s17], [sflag:$0x7], $0x80, s23, s23, $0xb8;
	[tilespmem:$0x1FF00] =	vst v63  }
0x3e: {  	_ =	swait.ge [sflag:s24], $0x100  }
0x3f: {  	[sflag:s24] =	ssyncset.done $0x0  }
0x40: {  	[sflag:s24] =	ssyncadd.s32 $0xFFFFFF00  }
0x41: {  	_ =	swait.ge [sflag:s25], $0x4000  }
0x42: {  	[sflag:s25] =	ssyncset.done $0x0  }
0x43: {  	p1 =	por $0x1, $0x1;
	s11 =	rddreg [dreg:$0xb];
	[sflag:s25] =	ssyncadd.s32 $0xFFFFC000  }
0x44: {  	[tilespmem:s26], [sflag:$0x6] =	stream.indirect.gather [hbm4b:s6+s16], $0x80, s21, s16, $0xb8;
	[tilespmem:$0x1FF00] =	vst v63  }
0x45: {  	s13 =	sshrl.u32 @p1 s0, $0x3;
	s18 =	rddreg [dreg:$0xa]  }
0x46: {  	[tilespmem:s11], [sflag:$0x6] =	stream.indirect.gather [hbm4b:s6+s16], $0x80, s18, s16, $0xb8;
	[tilespmem:$0x1FF00] =	vst v63  }
0x47: {  	s4 =	simm.s32 @p1 $0x0;
	s2 =	sadd.s32 @p1 s1, s13;
	s13 =	simm.s32 @p1 $0x5  }
0x48: {  	[tilespmem:s4], [sflag:$0x1] =	stream.linear.gather @p1 [hbm4b:s2+s4], $0x100, $0x38;
	[tilespmem:$0x1FF00] =	vst v63  }
0x49: {  	_ =	swait.ge @p1 [sflag:s13], $0x2000  }
0x4a: {  	[sflag:s13] =	ssyncset.done @p1 $0x0  }
0x4b: {  	[sflag:s13] =	ssyncadd.s32 @p1 $0xFFFFE000  }
0x4c: {  	_ =	swait.ge @p1 [sflag:s13], $0x2000  }
0x4d: {  	s31 =	simm.s32 @p1 $0x80;
	[sflag:s13] =	ssyncset.done @p1 $0x0  }
0x4e: {  	s2 =	simm.s32 @p1 $0x4300;
	[sflag:s13] =	ssyncadd.s32 @p1 $0xFFFFE000;
	s13 =	simm.s32 @p1 $0x180  }
0x4f: {  	[spmem:s3] =	stream.indirect.scatter.add.f32 @p1 [tilespmem:s2], [sflag:$0x8], $0x80, s13, s31, $0xb8;
	[tilespmem:$0x1FF00] =	vst v63  }
0x50: {  	s2 =	simm.s32 @p1 $0x1  }
0x51: {  	_ =	swait.ge @p1 [sflag:s2], $0x100  }
0x52: {  	[sflag:s2] =	ssyncset.done @p1 $0x0  }
0x53: {  	s13 =	simm.s32 @p1 $0x8;
	[sflag:s2] =	ssyncadd.s32 @p1 $0xFFFFFF00  }
0x54: {  	_ =	swait.ge @p1 [sflag:s13], $0x4000  }
0x55: {  	[sflag:s13] =	ssyncset.done @p1 $0x0  }
0x56: {  	s2 =	simm.s32 @p1 $0x300;
	[sflag:s13] =	ssyncadd.s32 @p1 $0xFFFFC000;
	s13 =	simm.s32 @p1 $0x40  }
0x57: {  	[tilespmem:s2], [sflag:$0x4] =	stream.indirect.gather @p1 [hbm4b:s6+s13], $0x80, s4, s13, $0xb8;
	[tilespmem:$0x1FF00] =	vst v63  }
0x58: {  	s31 =	rddreg [dreg:$0x5];
	s2 =	simm.s32 @p1 $0x2300  }
0x59: {  	[tilespmem:s2], [sflag:$0x4] =	stream.indirect.gather @p1 [hbm4b:s6+s13], $0x80, s13, s13, $0xb8;
	[tilespmem:$0x1FF00] =	vst v63  }
0x5a: {  	s2 =	simm.s32 @p1 $0x100;
	s13 =	sadd.s32 @p1 $0x0, s31  }
0x5b: {  	[tilespmem:s2], [sflag:$0x2] =	stream.linear.gather @p1 [hbm4b:s13+s4], $0x100, $0x38;
	[tilespmem:$0x1FF00] =	vst v63  }
0x5c: {  	s2 =	simm.s32 @!p1 $0x5  }
0x5d: {  	_ =	swait.ge @!p1 [sflag:s2], $0x2000  }
0x5e: {  	[sflag:s2] =	ssyncset.done @!p1 $0x0  }
0x5f: {  	[sflag:s2] =	ssyncadd.s32 @!p1 $0xFFFFE000  }
0x60: {  	_ =	swait.ge @!p1 [sflag:s2], $0x2000  }
0x61: {  	s4 =	simm.s32 @!p1 $0x4300;
	[sflag:s2] =	ssyncset.done @!p1 $0x0  }
0x62: {  	s13 =	simm.s32 @!p1 $0x80;
	[sflag:s2] =	ssyncadd.s32 @!p1 $0xFFFFE000;
	s2 =	simm.s32 @!p1 $0x180  }
0x63: {  	[spmem:s3] =	stream.indirect.scatter.add.f32 @!p1 [tilespmem:s4], [sflag:$0x8], $0x80, s2, s13, $0xb8;
	[tilespmem:$0x1FF00] =	vst v63  }
0x64: {  	s2 =	simm.s32 @!p1 $0x8  }
0x65: {  	_ =	swait.ge @!p1 [sflag:s2], $0x4000  }
0x66: {  	[sflag:s2] =	ssyncset.done @!p1 $0x0  }
0x67: {  	[sflag:s2] =	ssyncadd.s32 @!p1 $0xFFFFC000  }
0x68: {  	_ =	swait.ge [sflag:s28], $0x2000  }
0x69: {  	[sflag:s28] =	ssyncset.done $0x0  }
0x6a: {  	[sflag:s28] =	ssyncadd.s32 $0xFFFFE000  }
0x6b: {  	_ =	swait.ge [sflag:s28], $0x2000  }
0x6c: {  	s31 =	simm.s32 $0xC00;
	[sflag:s28] =	ssyncset.done $0x0  }
0x6d: {  	s13 =	smov.u32 s0;
	s2 =	rddreg [dreg:$0xc];
	[sflag:s28] =	ssyncadd.s32 $0xFFFFE000  }
.LBB2_2:
0x6e: {  	[spmem:s3] =	stream.indirect.scatter.add.f32 [tilespmem:s26], [sflag:$0x9], $0x80, s2, s23, $0xb8;
	[tilespmem:$0x1FF00] =	vst v63  }
0x6f: {  	s4 =	smov.u32 s31;
	_ =	swait.ge [sflag:s20], $0x100  }
0x70: {  	p3 =	seq.s32 s4, $0x0;
	[sflag:s20] =	ssyncset.done $0x0  }
0x71: {  	s18 =	simm.s32 @!p3 $0x9;
	[sflag:s20] =	ssyncadd.s32 $0xFFFFFF00  }
0x72: {  	_ =	swait.ge @!p3 [sflag:s18], $0x4000  }
0x73: {  	s9 =	rddreg [dreg:$0x9]  }
0x74: {  	[sflag:s18] =	ssyncset.done @!p3 $0x0;
	s10 =	rddreg [dreg:$0x7]  }
0x75: {  	s11 =	rddreg [dreg:$0x6];
	[sflag:s18] =	ssyncadd.s32 @!p3 $0xFFFFC000  }
0x76: {  	[tilespmem:s10], [sflag:$0x5] =	stream.indirect.gather [hbm4b:s6+s16], $0x80, s19, s16, $0xb8;
	[tilespmem:$0x1FF00] =	vst v63  }
0x77: {  	s18 =	rddreg [dreg:$0x8]  }
0x78: {  	[tilespmem:s9], [sflag:$0x5] =	stream.indirect.gather [hbm4b:s6+s16], $0x80, s18, s16, $0xb8;
	[tilespmem:$0x1FF00] =	vst v63  }
0x79: {  	s18 =	sadd.s32 s4, s11  }
0x7a: {  	[tilespmem:s21], [sflag:$0x3] =	stream.linear.gather [hbm4b:s18+s5], $0x100, $0x38;
	[tilespmem:$0x1FF00] =	vst v63  }
0x7b: {  	_ =	swait.ge [sflag:s22], $0x2000  }
0x7c: {  	[sflag:s22] =	ssyncset.done $0x0  }
0x7d: {  	[sflag:s22] =	ssyncadd.s32 $0xFFFFE000  }
0x7e: {  	_ =	swait.ge [sflag:s22], $0x2000  }
0x7f: {  	[sflag:s22] =	ssyncset.done $0x0  }
0x80: {  	[sflag:s22] =	ssyncadd.s32 $0xFFFFE000  }
0x81: {  	[spmem:s3] =	stream.indirect.scatter.add.f32 [tilespmem:s17], [sflag:$0x7], $0x80, s23, s23, $0xb8;
	[tilespmem:$0x1FF00] =	vst v63  }
0x82: {  	_ =	swait.ge [sflag:s24], $0x100  }
0x83: {  	[sflag:s24] =	ssyncset.done $0x0  }
0x84: {  	[sflag:s24] =	ssyncadd.s32 $0xFFFFFF00  }
0x85: {  	_ =	swait.ge [sflag:s25], $0x4000  }
0x86: {  	p2 =	sne.s32 s31, $0x12C00;
	[sflag:s25] =	ssyncset.done $0x0  }
0x87: {  	s13 =	sadd.s32 $0x6000, s13;
	s10 =	rddreg [dreg:$0xb];
	[sflag:s25] =	ssyncadd.s32 $0xFFFFC000  }
0x88: {  	[tilespmem:s26], [sflag:$0x6] =	stream.indirect.gather [hbm4b:s6+s16], $0x80, s21, s16, $0xb8;
	[tilespmem:$0x1FF00] =	vst v63  }
0x89: {  	s2 =	sshrl.u32 @p2 s13, $0x3;
	s18 =	rddreg [dreg:$0xa]  }
0x8a: {  	[tilespmem:s10], [sflag:$0x6] =	stream.indirect.gather [hbm4b:s6+s16], $0x80, s18, s16, $0xb8;
	[tilespmem:$0x1FF00] =	vst v63  }
0x8b: {  	s2 =	sadd.s32 @p2 s1, s2;
	s11 =	simm.s32 @p2 $0x0;
	s9 =	simm.s32 @p2 $0x5  }
0x8c: {  	[tilespmem:s11], [sflag:$0x1] =	stream.linear.gather @p2 [hbm4b:s2+s11], $0x100, $0x38;
	[tilespmem:$0x1FF00] =	vst v63  }
0x8d: {  	_ =	swait.ge @p2 [sflag:s9], $0x2000  }
0x8e: {  	[sflag:s9] =	ssyncset.done @p2 $0x0  }
0x8f: {  	[sflag:s9] =	ssyncadd.s32 @p2 $0xFFFFE000  }
0x90: {  	_ =	swait.ge @p2 [sflag:s9], $0x2000  }
0x91: {  	s10 =	simm.s32 @p2 $0x80;
	s18 =	simm.s32 @p2 $0x180;
	[sflag:s9] =	ssyncset.done @p2 $0x0  }
0x92: {  	s2 =	simm.s32 @p2 $0x4300;
	[sflag:s9] =	ssyncadd.s32 @p2 $0xFFFFE000;
	s9 =	simm.s32 @p2 $0x1  }
0x93: {  	[spmem:s3] =	stream.indirect.scatter.add.f32 @p2 [tilespmem:s2], [sflag:$0x8], $0x80, s18, s10, $0xb8;
	[tilespmem:$0x1FF00] =	vst v63  }
0x94: {  	_ =	swait.ge @p2 [sflag:s9], $0x100  }
0x95: {  	[sflag:s9] =	ssyncset.done @p2 $0x0  }
0x96: {  	s2 =	simm.s32 @p2 $0x8;
	[sflag:s9] =	ssyncadd.s32 @p2 $0xFFFFFF00  }
0x97: {  	_ =	swait.ge @p2 [sflag:s2], $0x4000  }
0x98: {  	[sflag:s2] =	ssyncset.done @p2 $0x0  }
0x99: {  	s9 =	simm.s32 @p2 $0x300;
	[sflag:s2] =	ssyncadd.s32 @p2 $0xFFFFC000;
	s2 =	simm.s32 @p2 $0x40  }
0x9a: {  	[tilespmem:s9], [sflag:$0x4] =	stream.indirect.gather @p2 [hbm4b:s6+s2], $0x80, s11, s2, $0xb8;
	[tilespmem:$0x1FF00] =	vst v63  }
0x9b: {  	s10 =	rddreg [dreg:$0x5];
	s9 =	simm.s32 @p2 $0x2300  }
0x9c: {  	[tilespmem:s9], [sflag:$0x4] =	stream.indirect.gather @p2 [hbm4b:s6+s2], $0x80, s2, s2, $0xb8;
	[tilespmem:$0x1FF00] =	vst v63  }
0x9d: {  	s18 =	simm.s32 @p2 $0x100;
	s2 =	sadd.s32 @p2 s4, s10;
	s4 =	simm.s32 @!p2 $0x5  }
0x9e: {  	[tilespmem:s18], [sflag:$0x2] =	stream.linear.gather @p2 [hbm4b:s2+s11], $0x100, $0x38;
	[tilespmem:$0x1FF00] =	vst v63  }
0x9f: {  	_ =	swait.ge @!p2 [sflag:s4], $0x2000  }
0xa0: {  	[sflag:s4] =	ssyncset.done @!p2 $0x0  }
0xa1: {  	[sflag:s4] =	ssyncadd.s32 @!p2 $0xFFFFE000  }
0xa2: {  	_ =	swait.ge @!p2 [sflag:s4], $0x2000  }
0xa3: {  	s9 =	simm.s32 @!p2 $0x80;
	s10 =	simm.s32 @!p2 $0x180;
	[sflag:s4] =	ssyncset.done @!p2 $0x0  }
0xa4: {  	s2 =	simm.s32 @!p2 $0x4300;
	[sflag:s4] =	ssyncadd.s32 @!p2 $0xFFFFE000;
	s4 =	simm.s32 @!p2 $0x8  }
0xa5: {  	[spmem:s3] =	stream.indirect.scatter.add.f32 @!p2 [tilespmem:s2], [sflag:$0x8], $0x80, s10, s9, $0xb8;
	[tilespmem:$0x1FF00] =	vst v63  }
0xa6: {  	_ =	swait.ge @!p2 [sflag:s4], $0x4000  }
0xa7: {  	[sflag:s4] =	ssyncset.done @!p2 $0x0  }
0xa8: {  	s31 =	sadd.s32 $0xC00, s31;
	[sflag:s4] =	ssyncadd.s32 @!p2 $0xFFFFC000  }
0xa9: {  	p1 =	sne.s32 s31, $0x13800;
	_ =	swait.ge [sflag:s28], $0x2000  }
.Ltmp0:
0xaa: {  	[sflag:s28] =	ssyncset.done $0x0;
	(pc) =	sbr.rel @p1 .LBB2_2-.Ltmp0, $4  }
0xab: {  	[sflag:s28] =	ssyncadd.s32 $0xFFFFE000  }
0xac: {  	_ =	swait.ge [sflag:s28], $0x2000  }
0xad: {  	[sflag:s28] =	ssyncset.done $0x0  }
0xae: {  	s2 =	rddreg [dreg:$0xc];
	[sflag:s28] =	ssyncadd.s32 $0xFFFFE000  }
0xaf: {  	[spmem:s3] =	stream.indirect.scatter.add.f32 [tilespmem:s26], [sflag:$0x9], $0x80, s2, s23, $0xb8;
	[tilespmem:$0x1FF00] =	vst v63  }
0xb0: {  	_ =	swait.ge [sflag:s29], $0x4000  }
0xb1: {  	[sflag:s29] =	ssyncset.done $0x0  }
0xb2: {  	s2 =	simm.s32 @!p0 $0x0;
	s4 =	rddreg [dreg:$0xe];
	[sflag:s29] =	ssyncadd.s32 $0xFFFFC000  }
0xb3: {  	[tilespmem:s2], [sflag:$0xA] =	stream.linear.gather @!p0 [hbm4b:s4+s2], $0x100, $0x38;
	[tilespmem:$0x1FF00] =	vst v63  }
0xb4: {  	s4 =	simm.s32 @!p0 $0xA  }
0xb5: {  	_ =	swait.ge @!p0 [sflag:s4], $0x100  }
0xb6: {  	[sflag:s4] =	ssyncset.done @!p0 $0x0  }
0xb7: {  	s9 =	simm.s32 @!p0 $0x300;
	[sflag:s4] =	ssyncadd.s32 @!p0 $0xFFFFFF00;
	s4 =	simm.s32 @!p0 $0x40  }
0xb8: {  	[tilespmem:s9], [sflag:$0x4] =	stream.indirect.gather @!p0 [hbm4b:s6+s4], $0x80, s2, s4, $0xb8;
	[tilespmem:$0x1FF00] =	vst v63  }
0xb9: {  	s2 =	simm.s32 @!p0 $0x2300  }
0xba: {  	[tilespmem:s2], [sflag:$0x4] =	stream.indirect.gather @!p0 [hbm4b:s6+s4], $0x80, s4, s4, $0xb8;
	[tilespmem:$0x1FF00] =	vst v63  }
0xbb: {  	s2 =	simm.s32 @!p0 $0x4  }
0xbc: {  	_ =	swait.ge @!p0 [sflag:s2], $0x2000  }
0xbd: {  	[sflag:s2] =	ssyncset.done @!p0 $0x0  }
0xbe: {  	[sflag:s2] =	ssyncadd.s32 @!p0 $0xFFFFE000  }
0xbf: {  	_ =	swait.ge @!p0 [sflag:s2], $0x2000  }
0xc0: {  	[sflag:s2] =	ssyncset.done @!p0 $0x0  }
0xc1: {  	[sflag:s2] =	ssyncadd.s32 @!p0 $0xFFFFE000;
	s2 =	simm.s32 @!p0 $0x80  }
0xc2: {  	[spmem:s3] =	stream.indirect.scatter.add.f32 @!p0 [tilespmem:s9], [sflag:$0x7], $0x80, s2, s2, $0xb8;
	[tilespmem:$0x1FF00] =	vst v63  }
0xc3: {  	s2 =	simm.s32 @!p0 $0x7  }
0xc4: {  	_ =	swait.ge @!p0 [sflag:s2], $0x4000  }
0xc5: {  	[sflag:s2] =	ssyncset.done @!p0 $0x0  }
0xc6: {  	s30 =	sadd.s32 $0x1, s30;
	[sflag:s2] =	ssyncadd.s32 @!p0 $0xFFFFC000  }
0xc7: {  	p1 =	sne.s32 s30, s12;
	[bflag:$0x0] =	sbarrier.arrive $0xFFFF  }
.Ltmp1:
0xc8: {  	s31 =	rddreg [dreg:$0xf];
	(pc) =	sbr.rel @p1 .LBB2_1-.Ltmp1, $4  }
0xc9: {  	[hbm:s31], [sflag:s7] =	dma.local [spmem:s14], $0x2780  }
0xca: {  	_ =	swait.ge [sflag:s15], $0x2780  }
0xcb: {  	[sflag:s15] =	ssyncset.done $0x0  }
0xcc: {  	[sflag:s15] =	ssyncadd.s32 $0xFFFFD880  }
0xcd: {  	_ =	sfence.sel $0x180000  }
0xce: {  	[bflag:$0x0] =	sbarrier.arrive $0xFFFF  }
0xcf: {  	_ =	strace $0x9000004A  }
0xd0: {  	s0 =	stileid.u32;
	[bflag:$0x2] =	sbarrier.arrive $0xFFFF  }
0xd1: {  	p0 =	sne.s32 s0, $0x0;
	s0 =	rddreg [dreg:$0x4]  }
0xd2: {  	s0 =	sadd.s32 @!p0 $0x100000, s0  }
0xd3: {  	[sflag:s0] =	ssyncadd.tile.s32 @!p0 $0x1;
	_ =	shalt  }
.Lfunc_end2:
_tile_overlayer_lowered:
.L_overlay_start_2:
0xd4: {  	(tag) =	ssettag $0x2  }
0xd5: {  	s0 =	rddreg [dreg:$0x0];
	s2 =	stileid.u32  }
0xd6: {  	s1 =	rddreg [dreg:$0x1];
	p0 =	sne.s32 s2, $0x0  }
0xd7: {  	s3 =	rddreg [dreg:$0x2];
	[bflag:$0x3] =	sbarrier.arrive $0xFFFF;
	s2 =	simm.s32 @!p0 $0x1C0A  }
0xd8: {  	[timem:s3], [sflag:s2] =	dma.local @!p0 [hbm:s0], s1  }
0xd9: {  	s0 =	simm.s32 @!p0 $0xA  }
0xda: {  	_ =	swait.ge @!p0 [sflag:s0], s1  }
0xdb: {  	s1 =	ssub.s32 @!p0 $0x0, s1;
	[sflag:s0] =	ssyncset.done @!p0 $0x0  }
0xdc: {  	[sflag:s0] =	ssyncadd.s32 @!p0 s1  }
0xdd: {  	[bflag:$0x3] =	sbarrier.arrive $0xFFFF  }
0xde: {  	_ =	shalt  }

// kernel: kernel.14.cloned.1.call-start
scs
__scs_entry_jumppad:
0x0: {  	(pc) =	sbr.rel $0x88, $3  }
0x1: {  	(tag) =	ssettag $0x0;
	lr =	simm.s32 $0x1  }
0x2: {  	[smem:$0x3F99] =	sst lr;
	_ =	strace $0xD0000000  }
0x3: {  	_ = 	snop  }
0x4: {  	_ = 	snop  }
0x5: {  	_ = 	snop  }
0x6: {  	_ = 	snop  }
0x7: {  	_ = 	snop  }
__scs_overlays_trampoline_lowered:
0x8: {  	[smem:$0x3FA8] =	sst s0  }
0x9: {  	[smem:$0x3FA9] =	sst s1  }
0xa: {  	[smem:$0x3FAA] =	sst s2  }
0xb: {  	[smem:$0x3FAB] =	sst s3  }
0xc: {  	[smem:$0x3FAC] =	sst s4  }
0xd: {  	[smem:$0x3FAD] =	sst s5  }
0xe: {  	[smem:$0x3FAE] =	sst s6  }
0xf: {  	[smem:$0x3FAF] =	sst s7  }
0x10: {  	[smem:$0x3FB0] =	sst s8  }
0x11: {  	[smem:$0x3FB1] =	sst s9;
	s0 =	simm.s32 @!p0 $0x0  }
0x12: {  	s1 =	sld [smem:$0x3F97];
	s0 =	simm.s32 @p0 $0x1  }
0x13: {  	[smem:$0x3FB2] =	sst s0;
	s0 =	simm.s32 @!p1 $0x0  }
0x14: {  	s2 =	sld [smem:$0x3F96];
	s0 =	simm.s32 @p1 $0x1  }
0x15: {  	[smem:$0x3FB3] =	sst s0;
	s0 =	simm.s32 @!p2 $0x0  }
0x16: {  	s3 =	sld [smem:$0x3FDB];
	s0 =	simm.s32 @p2 $0x1  }
0x17: {  	s4 =	simm.s32 $0x1BF5;
	[smem:$0x3FB5] =	sst s0  }
0x18: {  	s0 =	sld [smem:$0x3F98];
	_ =	swait.ge [sflag:s4], $0x0  }
0x19: {  	s7 =	sld [smem:$0x3F99]  }
0x1a: {  	s8 =	sadd.s32 $0xFFFFE003, lr  }
0x1b: {  	s9 =	sadd.s32 $0xFFFFFEF7, lr;
	s5 =	simm.s32 $0xFFFFFFFF;
	p2 =	slt.u32 s8, $0xFFFFF086  }
0x1c: {  	p1 =	slt.u32 s9, $0xF7A;
	s5 =	simm.s32 @!p2 $0x0  }
0x1d: {  	s5 =	simm.s32 @p1 $0x1;
	p0 =	seq.s32 s7, s2  }
0x1e: {  	s7 =	smul.u32 @!p0 $0xF7A, s2;
	p2 =	seq.s32 @!p0 s5, $0x0  }
0x1f: {  	s9 =	smul.u32 $0xF7A, s1;
	s8 =	simm.s32 @!p0 $0x1BF5;
	p2 =	por !p2, p0  }
0x20: {  	[sflag:s8] =	ssyncset.s32 @!p0 $0xFFFFF086;
	s6 =	sadd.s32 @!p0 s3, s7;
	s7 =	simm.s32 @!p0 $0x108  }
0x21: {  	s3 =	sadd.s32 s3, s9;
	s6 =	sadd.s32 @!p0 $0x88, s6;
	s7 =	simm.s32 @p2 $0x1082  }
0x22: {  	[simem:s7], [sflag:s8] =	dma.local @!p0 [hbm:s6], $0xF7A  }
0x23: {  	s9 =	sor.u32 $0xD0000000, s2;
	s6 =	simm.s32 $0x108;
	_ =	swait.ge @!p0 [sflag:s8], $0x0  }
0x24: {  	s3 =	sadd.s32 $0x88, s3;
	s6 =	simm.s32 @!p1 $0x1082;
	[sflag:s4] =	ssyncset.s32 $0xFFFFF086  }
0x25: {  	[simem:s6], [sflag:s4] =	dma.local [hbm:s3], $0xF7A  }
0x26: {  	[smem:$0x3F99] =	sst s1;
	(tag) =	ssettag s2;
	_ =	strace s9  }
0x27: {  	s1 =	sld [smem:$0x3FA9]  }
0x28: {  	s2 =	sld [smem:$0x3FAA]  }
0x29: {  	s4 =	sld [smem:$0x3FAC]  }
0x2a: {  	p0 =	seq.s32 s5, $0x0;
	s5 =	sld [smem:$0x3FAD]  }
0x2b: {  	s6 =	sld [smem:$0x3FAE]  }
0x2c: {  	s7 =	sld [smem:$0x3FAF]  }
0x2d: {  	s3 =	simm.s32 $0x108;
	s8 =	sld [smem:$0x3FB0]  }
0x2e: {  	s3 =	simm.s32 @!p0 $0x1082;
	s9 =	sld [smem:$0x3FB1]  }
0x2f: {  	lr =	sadd.s32 s0, s3;
	s0 =	sld [smem:$0x3FA8]  }
0x30: {  	s3 =	sld [smem:$0x3FAB]  }
0x31: {  	[smem:$0x3FB4] =	sst s10  }
0x32: {  	s10 =	sld [smem:$0x3FB2];
	_ =	sdelay $0x3  }
0x33: {  	p0 =	seq.s32 s10, $0x1;
	s10 =	sld [smem:$0x3FB4];
	_ =	sdelay $0x3  }
0x34: {  	[smem:$0x3FB4] =	sst s10  }
0x35: {  	s10 =	sld [smem:$0x3FB3];
	_ =	sdelay $0x3  }
0x36: {  	p1 =	seq.s32 s10, $0x1;
	s10 =	sld [smem:$0x3FB4];
	_ =	sdelay $0x3  }
0x37: {  	[smem:$0x3FB4] =	sst s10  }
0x38: {  	s10 =	sld [smem:$0x3FB5]  }
0x39: {  	_ = 	snop;
	(pc) =	sbr.ind lr, $3  }
0x3a: {  	_ = 	snop  }
0x3b: {  	_ = 	snop  }
0x3c: {  	p2 =	seq.s32 s10, $0x1;
	s10 =	sld [smem:$0x3FB4]  }
0x3d: {  	_ =	shalt  }
0x3e: {  	_ =	shalt  }
0x3f: {  	_ =	shalt  }
0x40: {  	_ =	shalt  }
0x41: {  	_ =	shalt  }
0x42: {  	_ =	shalt  }
0x43: {  	_ =	shalt  }
0x44: {  	_ =	shalt  }
0x45: {  	_ =	shalt  }
0x46: {  	_ =	shalt  }
0x47: {  	_ =	shalt  }
0x48: {  	_ =	shalt  }
0x49: {  	_ =	shalt  }
0x4a: {  	_ =	shalt  }
0x4b: {  	_ =	shalt  }
0x4c: {  	_ =	shalt  }
0x4d: {  	_ =	shalt  }
0x4e: {  	_ =	shalt  }
0x4f: {  	_ =	shalt  }
0x50: {  	_ =	shalt  }
0x51: {  	_ =	shalt  }
0x52: {  	_ =	shalt  }
0x53: {  	_ =	shalt  }
0x54: {  	_ =	shalt  }
0x55: {  	_ =	shalt  }
0x56: {  	_ =	shalt  }
0x57: {  	_ =	shalt  }
0x58: {  	_ =	shalt  }
0x59: {  	_ =	shalt  }
0x5a: {  	_ =	shalt  }
0x5b: {  	_ =	shalt  }
0x5c: {  	_ =	shalt  }
0x5d: {  	_ =	shalt  }
0x5e: {  	_ =	shalt  }
0x5f: {  	_ =	shalt  }
0x60: {  	_ =	shalt  }
0x61: {  	_ =	shalt  }
0x62: {  	_ =	shalt  }
0x63: {  	_ =	shalt  }
0x64: {  	_ =	shalt  }
0x65: {  	_ =	shalt  }
0x66: {  	_ =	shalt  }
0x67: {  	_ =	shalt  }
0x68: {  	_ =	shalt  }
0x69: {  	_ =	shalt  }
0x6a: {  	_ =	shalt  }
0x6b: {  	_ =	shalt  }
0x6c: {  	_ =	shalt  }
0x6d: {  	_ =	shalt  }
0x6e: {  	_ =	shalt  }
0x6f: {  	_ =	shalt  }
0x70: {  	_ =	shalt  }
0x71: {  	_ =	shalt  }
0x72: {  	_ =	shalt  }
0x73: {  	_ =	shalt  }
0x74: {  	_ =	shalt  }
0x75: {  	_ =	shalt  }
0x76: {  	_ =	shalt  }
0x77: {  	_ =	shalt  }
0x78: {  	_ =	shalt  }
0x79: {  	_ =	shalt  }
0x7a: {  	_ =	shalt  }
0x7b: {  	_ =	shalt  }
0x7c: {  	_ =	shalt  }
0x7d: {  	_ =	shalt  }
0x7e: {  	_ =	shalt  }
0x7f: {  	_ =	shalt  }
0x80: {  	_ =	shalt  }
0x81: {  	_ =	shalt  }
0x82: {  	_ =	shalt  }
0x83: {  	_ =	shalt  }
0x84: {  	_ =	shalt  }
0x85: {  	_ =	shalt  }
0x86: {  	_ =	shalt  }
0x87: {  	_ =	shalt  }
.Lfunc_end0:
.L_simem_size_0:
called_computation.2_lowered:
.L_overlay_start_0:
0x88: {  	s2 =	sld [smem:$0x3FD9]  }
0x89: {  	s3 =	sld [smem:$0x3FFE];
	_ =	sdelay $0x1  }
0x8a: {  	s1 =	srdreg.scid  }
0x8b: {  	s0 =	sand.u32 $0x1, s1  }
0x8c: {  	s14 =	sshll.u32 s0, $0xA;
	s2 =	sadd.s32 s3, s2  }
0x8d: {  	s2 =	sadd.s32 s2, s14  }
0x8e: {  	[smem:$0x3FC0] =	sst s2  }
0x8f: {  	_ = 	snop  }
0x90: {  	s2 =	sld [smem:$0x3FD0];
	_ =	sdelay $0x2  }
0x91: {  	s4 =	simm.s32 $0xA;
	s5 =	simm.s32 $0x10;
	s15 =	sld [smem:$0x3FC8]  }
0x92: {  	[smem:s5], [sflag:s4] =	dma.local [hbm:s2], $0x1  }
0x93: {  	_ =	swait.eq [sflag:s4], $0x1  }
0x94: {  	[sflag:s4] =	ssyncset.done $0x0  }
0x95: {  	[sflag:s4] =	ssyncadd.s32 $0xFFFFFFFF  }
0x96: {  	s16 =	sld [smem:$0x11];
	(tm) =	ssettm $0x1  }
0x97: {  	s17 =	sld [smem:$0x3FFB];
	_ =	sdelay $0x3  }
0x98: {  	_ =	strace s17  }
0x99: {  	s4 =	sld [smem:$0x3FFC];
	_ =	sdelay $0x3  }
0x9a: {  	_ =	strace s4  }
0x9b: {  	s4 =	sld [smem:$0x3FFD];
	_ =	sdelay $0x3  }
0x9c: {  	_ =	strace s4  }
0x9d: {  	_ =	strace $0x8FFFFFFF  }
0x9e: {  	s18 =	sld [smem:$0x3FDB];
	_ =	sdelay $0x1  }
0x9f: {  	s19 =	simm.s32 $_scs_section_size  }
0xa0: {  	s6 =	simm.s32 $_size__tile_overlayer_lowered;
	s7 =	simm.s32 $_tile_overlayer_lowered  }
0xa1: {  	s22 =	simm.s32 $0x1BFF;
	s21 =	sshll.u32 s7, $0x1;
	s4 =	sadd.s32 s19, s18  }
0xa2: {  	s8 =	simm.s32 $0x0;
	s20 =	sshll.u32 s6, $0x1;
	s6 =	sadd.s32 s21, s4  }
0xa3: {  	[timem:s8], [sflag:s22] =	dma.local [hbm:s6], s20  }
0xa4: {  	_ =	swait.ge [sflag:s22], s20  }
0xa5: {  	s5 =	ssub.s32 $0x0, s20;
	[sflag:s22] =	ssyncset.done $0x0  }
0xa6: {  	[sflag:s22] =	ssyncadd.s32 s5;
	_ =	sdelay $0x1  }
0xa7: {  	s23 =	simm.s32 $0x1B8B  }
0xa8: {  	_ =	swait.ge [sflag:s23], $0x1  }
0xa9: {  	[sflag:s23] =	ssyncset.done $0x0  }
0xaa: {  	s25 =	simm.s32 $0x1B8E;
	s24 =	sld [smem:$0x3FFE];
	[sflag:s23] =	ssyncadd.s32 $0xFFFFFFFF  }
0xab: {  	s26 =	simm.s32 $execute0_lowered;
	[smem:$0x3FD2] =	sst s25  }
0xac: {  	s6 =	sshll.u32 s26, $0x1;
	_ =	strace $0x8000004C;
	[dreg:$0x1] =	wrdreg $0xFFFFFFFF  }
0xad: {  	s28 =	simm.s32 $_size_execute0_lowered;
	s4 =	sadd.s32 s4, s6;
	[dreg:$0x0] =	wrdreg $0x0  }
0xae: {  	s6 =	sshll.u32 s28, $0x1;
	[dreg:$0x2] =	wrdreg s4  }
0xaf: {  	[dreg:$0x3] =	wrdreg s6  }
0xb0: {  	[dreg:$0x4] =	wrdreg $0xC0  }
0xb1: {  	_ =	task [dreg:s8], $0x5FFFF  }
0xb2: {  	[dreg:$0x1] =	wrdreg $0xFFFFFFFF  }
0xb3: {  	[dreg:$0x0] =	wrdreg $0x60  }
0xb4: {  	[dreg:$0x2] =	wrdreg s15  }
0xb5: {  	[dreg:$0x3] =	wrdreg s16  }
0xb6: {  	[dreg:$0x4] =	wrdreg s24  }
0xb7: {  	[dreg:$0x5] =	wrdreg $0xC3000  }
0xb8: {  	[dreg:$0x6] =	wrdreg $0x9  }
0xb9: {  	_ =	task.clear_ibuf [dreg:s8], $0x7FFFF;
	_ =	strace $0x9000004C  }
0xba: {  	s29 =	simm.s32 $0x9;
	_ =	strace $0x8000004E  }
0xbb: {  	_ =	swait.ge [sflag:s29], $0x1  }
0xbc: {  	[sflag:s29] =	ssyncadd.s32 $0xFFFFFFFF  }
0xbd: {  	_ =	strace $0x9000004E  }
0xbe: {  	_ =	sfence  }
0xbf: {  	s30 =	sld [smem:$0x0];
	_ =	sdelay $0x2  }
0xc0: {  	s31 =	sshll.u32 s1, $0xD;
	s1 =	sshrl.u32 s1, $0x2  }
0xc1: {  	s3 =	sand.u32 $0x4000, s31;
	s1 =	sadd.s32 s1, s30  }
0xc2: {  	s0 =	sor.u32 s3, s0;
	s1 =	sshll.u32 s1, $0x11  }
0xc3: {  	s0 =	sor.u32 s1, s0  }
0xc4: {  	s0 =	sadd.s32 $0x8F2B, s0  }
0xc5: {  	[sflag:s0] =	ssyncadd.remote.s32 $0x1  }
0xc6: {  	_ =	sfence.sel $0xFFFF  }
0xc7: {  	[dreg:$0x0] =	wrdreg $0xFFFFFFFF;
	(pc) =	sbr.abs _section_cstart, $3  }
0xc8: {  	[dreg:$0x1] =	wrdreg $0xFFFFFFFF  }
0xc9: {  	_ =	task.clear_ibuf [dreg:s8], $0x2FFFF;
	_ =	strace $0x9FFFFFFF  }
0xca: {  	(tm) =	ssettm $0x7FFFFFFF  }
0xcb: {  	_ =	shalt  }
tec
execute0_lowered:
.L_overlay_start_1:
0x0: {  	(tag) =	ssettag $0x1  }
0x1: {  	s1 =	rddreg [dreg:$0x0]  }
0x2: {  	s0 =	rddreg [dreg:$0x2]  }
0x3: {  	s3 =	rddreg [dreg:$0x3];
	s2 =	srdreg.scid  }
0x4: {  	s5 =	simm.s32 $0x0;
	s11 =	stileid.u32;
	s22 =	simm.s32 $0x4300  }
0x5: {  	s23 =	simm.s32 $0x140;
	s24 =	simm.s32 $0x6300;
	s25 =	simm.s32 $0x240  }
0x6: {  	s28 =	simm.s32 $0x6;
	s29 =	simm.s32 $0x9;
	s30 =	simm.s32 $0x0  }
0x7: {  	s2 =	sand.u32 $0x1, s2;
	[smem:$0x7FF] =	sst s5;
	s7 =	smul.u32 $0x13C00, s11  }
0x8: {  	s6 =	sadd.s32 $0x2E00, s0;
	s9 =	smul.u32 $0x4F000, s11;
	s16 =	sshll.u32 s11, $0x6  }
0x9: {  	s18 =	sshll.u32 s11, $0x5;
	_ =	strace $0x8000004D;
	[dreg:$0x7] =	wrdreg s22  }
0xa: {  	s4 =	smul.u32 $0x13C000, s2;
	s26 =	ssub.s32 $0x2, s2;
	[dreg:$0x8] =	wrdreg s23  }
0xb: {  	s14 =	sshll.u32 s2, $0x4;
	s10 =	sshll.u32 s2, $0xC;
	[dreg:$0x9] =	wrdreg s24  }
0xc: {  	s2 =	sshll.u32 s2, $0x9;
	[dreg:$0xa] =	wrdreg s25;
	s22 =	simm.s32 $0x4  }
0xd: {  	s23 =	simm.s32 $0x80;
	s24 =	simm.s32 $0x3;
	s25 =	simm.s32 $0x7  }
0xe: {  	s8 =	sshrl.u32 s26, $0x1;
	s13 =	sor.u32 s11, s14;
	s15 =	sshrl.u32 s9, $0x2  }
0xf: {  	s11 =	sshll.u32 s11, $0x8;
	s4 =	sadd.s32 s7, s4;
	s31 =	ssub.s32 s26, s8  }
0x10: {  	s14 =	sadd.s32 s15, s3;
	s7 =	sor.u32 $0x1C0A, s16;
	s17 =	sshll.u32 s13, $0x5  }
0x11: {  	s15 =	sadd.s32 s18, s1;
	s16 =	sor.u32 s11, s10;
	s26 =	simm.s32 $0xA300  }
0x12: {  	p0 =	sgt.u32 s13, $0x3;
	s4 =	sshrl.u32 s4, $0x3;
	s8 =	sadd.s32 s1, s17  }
0x13: {  	s20 =	sadd.s32 $0x13800, s15;
	s12 =	sor.u32 $0x8000, s16;
	s2 =	sadd.s32 s2, s15  }
0x14: {  	s14 =	sshrl.u32 s14, $0x3;
	s15 =	simm.s32 $0xA;
	s17 =	simm.s32 $0x300  }
0x15: {  	[dreg:$0xb] =	wrdreg s26;
	s26 =	simm.s32 $0x8300;
	s0 =	sadd.s32 s4, s0  }
0x16: {  	s19 =	sadd.s32 $0x400, s8;
	[dreg:$0xe] =	wrdreg s20;
	s21 =	sshrl.u32 s12, $0x3  }
0x17: {  	s12 =	smax.u32 s31, $0x1;
	s2 =	sadd.s32 $0x800, s2;
	[dreg:$0xd] =	wrdreg s19  }
0x18: {  	s20 =	simm.s32 $0x2;
	s31 =	simm.s32 $0x280;
	[dreg:$0x6] =	wrdreg s2  }
0x19: {  	s0 =	sadd.s32 $0x2A000, s0;
	s19 =	simm.s32 $0x100;
	[dreg:$0xc] =	wrdreg s31  }
0x1a: {  	[dreg:$0xf] =	wrdreg s0;
	s0 =	sadd.s32 s21, s1;
	s21 =	simm.s32 $0x200  }
0x1b: {  	[dreg:$0x5] =	wrdreg s0;
	s0 =	sor.u32 $0x6000, s16;
	s16 =	simm.s32 $0x40  }
.LBB2_1:
0x1c: {  	s2 =	rddreg [dreg:$0x1]  }
0x1d: {  	[spmem:s14], [sflag:s7] =	dma.local [hbm:s2], $0x2780  }
0x1e: {  	_ =	swait.ge [sflag:s15], $0x2780  }
0x1f: {  	[sflag:s15] =	ssyncset.done $0x0  }
0x20: {  	[sflag:s15] =	ssyncadd.s32 $0xFFFFD880  }
0x21: {  	[bflag:$0x0] =	sbarrier.arrive $0xFFFF  }
0x22: {  	[tilespmem:s5], [sflag:$0xA] =	stream.linear.gather [hbm4b:s8+s5], $0x100, $0x38;
	[tilespmem:$0x1FF00] =	vst v63  }
0x23: {  	_ =	swait.ge [sflag:s15], $0x100  }
0x24: {  	[sflag:s15] =	ssyncset.done $0x0  }
0x25: {  	[sflag:s15] =	ssyncadd.s32 $0xFFFFFF00  }
0x26: {  	[tilespmem:s17], [sflag:$0x4] =	stream.indirect.gather [hbm4b:s6+s16], $0x80, s5, s16, $0xb8;
	[tilespmem:$0x1FF00] =	vst v63  }
0x27: {  	s4 =	simm.s32 $0x2300  }
0x28: {  	[tilespmem:s4], [sflag:$0x4] =	stream.indirect.gather [hbm4b:s6+s16], $0x80, s16, s16, $0xb8;
	[tilespmem:$0x1FF00] =	vst v63  }
0x29: {  	s9 =	rddreg [dreg:$0xd]  }
0x2a: {  	[tilespmem:s19], [sflag:$0x2] =	stream.linear.gather [hbm4b:s9+s5], $0x100, $0x38;
	[tilespmem:$0x1FF00] =	vst v63  }
0x2b: {  	_ =	swait.ge [sflag:s20], $0x100  }
0x2c: {  	p1 =	por $0x1, $0x1;
	[sflag:s20] =	ssyncset.done $0x0  }
0x2d: {  	s2 =	simm.s32 @!p1 $0x9;
	[sflag:s20] =	ssyncadd.s32 $0xFFFFFF00  }
0x2e: {  	_ =	swait.ge @!p1 [sflag:s2], $0x4000  }
0x2f: {  	s4 =	rddreg [dreg:$0x9]  }
0x30: {  	s13 =	rddreg [dreg:$0x7];
	[sflag:s2] =	ssyncset.done @!p1 $0x0  }
0x31: {  	s31 =	rddreg [dreg:$0x8];
	[sflag:s2] =	ssyncadd.s32 @!p1 $0xFFFFC000  }
0x32: {  	[tilespmem:s13], [sflag:$0x5] =	stream.indirect.gather [hbm4b:s6+s16], $0x80, s19, s16, $0xb8;
	[tilespmem:$0x1FF00] =	vst v63  }
0x33: {  	s10 =	rddreg [dreg:$0x6]  }
0x34: {  	[tilespmem:s4], [sflag:$0x5] =	stream.indirect.gather [hbm4b:s6+s16], $0x80, s31, s16, $0xb8;
	[tilespmem:$0x1FF00] =	vst v63  }
0x35: {  	s2 =	sadd.s32 $0x0, s10  }
0x36: {  	[tilespmem:s21], [sflag:$0x3] =	stream.linear.gather [hbm4b:s2+s5], $0x100, $0x38;
	[tilespmem:$0x1FF00] =	vst v63  }
0x37: {  	_ =	swait.ge [sflag:s22], $0x2000  }
0x38: {  	[sflag:s22] =	ssyncset.done $0x0  }
0x39: {  	[sflag:s22] =	ssyncadd.s32 $0xFFFFE000  }
0x3a: {  	_ =	swait.ge [sflag:s22], $0x2000  }
0x3b: {  	[sflag:s22] =	ssyncset.done $0x0  }
0x3c: {  	[sflag:s22] =	ssyncadd.s32 $0xFFFFE000  }
0x3d: {  	[spmem:s3] =	stream.indirect.scatter.add.f32 [tilespmem:s17], [sflag:$0x7], $0x80, s23, s23, $0xb8;
	[tilespmem:$0x1FF00] =	vst v63  }
0x3e: {  	_ =	swait.ge [sflag:s24], $0x100  }
0x3f: {  	[sflag:s24] =	ssyncset.done $0x0  }
0x40: {  	[sflag:s24] =	ssyncadd.s32 $0xFFFFFF00  }
0x41: {  	_ =	swait.ge [sflag:s25], $0x4000  }
0x42: {  	[sflag:s25] =	ssyncset.done $0x0  }
0x43: {  	p1 =	por $0x1, $0x1;
	s11 =	rddreg [dreg:$0xb];
	[sflag:s25] =	ssyncadd.s32 $0xFFFFC000  }
0x44: {  	[tilespmem:s26], [sflag:$0x6] =	stream.indirect.gather [hbm4b:s6+s16], $0x80, s21, s16, $0xb8;
	[tilespmem:$0x1FF00] =	vst v63  }
0x45: {  	s13 =	sshrl.u32 @p1 s0, $0x3;
	s18 =	rddreg [dreg:$0xa]  }
0x46: {  	[tilespmem:s11], [sflag:$0x6] =	stream.indirect.gather [hbm4b:s6+s16], $0x80, s18, s16, $0xb8;
	[tilespmem:$0x1FF00] =	vst v63  }
0x47: {  	s4 =	simm.s32 @p1 $0x0;
	s2 =	sadd.s32 @p1 s1, s13;
	s13 =	simm.s32 @p1 $0x5  }
0x48: {  	[tilespmem:s4], [sflag:$0x1] =	stream.linear.gather @p1 [hbm4b:s2+s4], $0x100, $0x38;
	[tilespmem:$0x1FF00] =	vst v63  }
0x49: {  	_ =	swait.ge @p1 [sflag:s13], $0x2000  }
0x4a: {  	[sflag:s13] =	ssyncset.done @p1 $0x0  }
0x4b: {  	[sflag:s13] =	ssyncadd.s32 @p1 $0xFFFFE000  }
0x4c: {  	_ =	swait.ge @p1 [sflag:s13], $0x2000  }
0x4d: {  	s31 =	simm.s32 @p1 $0x80;
	[sflag:s13] =	ssyncset.done @p1 $0x0  }
0x4e: {  	s2 =	simm.s32 @p1 $0x4300;
	[sflag:s13] =	ssyncadd.s32 @p1 $0xFFFFE000;
	s13 =	simm.s32 @p1 $0x180  }
0x4f: {  	[spmem:s3] =	stream.indirect.scatter.add.f32 @p1 [tilespmem:s2], [sflag:$0x8], $0x80, s13, s31, $0xb8;
	[tilespmem:$0x1FF00] =	vst v63  }
0x50: {  	s2 =	simm.s32 @p1 $0x1  }
0x51: {  	_ =	swait.ge @p1 [sflag:s2], $0x100  }
0x52: {  	[sflag:s2] =	ssyncset.done @p1 $0x0  }
0x53: {  	s13 =	simm.s32 @p1 $0x8;
	[sflag:s2] =	ssyncadd.s32 @p1 $0xFFFFFF00  }
0x54: {  	_ =	swait.ge @p1 [sflag:s13], $0x4000  }
0x55: {  	[sflag:s13] =	ssyncset.done @p1 $0x0  }
0x56: {  	s2 =	simm.s32 @p1 $0x300;
	[sflag:s13] =	ssyncadd.s32 @p1 $0xFFFFC000;
	s13 =	simm.s32 @p1 $0x40  }
0x57: {  	[tilespmem:s2], [sflag:$0x4] =	stream.indirect.gather @p1 [hbm4b:s6+s13], $0x80, s4, s13, $0xb8;
	[tilespmem:$0x1FF00] =	vst v63  }
0x58: {  	s31 =	rddreg [dreg:$0x5];
	s2 =	simm.s32 @p1 $0x2300  }
0x59: {  	[tilespmem:s2], [sflag:$0x4] =	stream.indirect.gather @p1 [hbm4b:s6+s13], $0x80, s13, s13, $0xb8;
	[tilespmem:$0x1FF00] =	vst v63  }
0x5a: {  	s2 =	simm.s32 @p1 $0x100;
	s13 =	sadd.s32 @p1 $0x0, s31  }
0x5b: {  	[tilespmem:s2], [sflag:$0x2] =	stream.linear.gather @p1 [hbm4b:s13+s4], $0x100, $0x38;
	[tilespmem:$0x1FF00] =	vst v63  }
0x5c: {  	s2 =	simm.s32 @!p1 $0x5  }
0x5d: {  	_ =	swait.ge @!p1 [sflag:s2], $0x2000  }
0x5e: {  	[sflag:s2] =	ssyncset.done @!p1 $0x0  }
0x5f: {  	[sflag:s2] =	ssyncadd.s32 @!p1 $0xFFFFE000  }
0x60: {  	_ =	swait.ge @!p1 [sflag:s2], $0x2000  }
0x61: {  	s4 =	simm.s32 @!p1 $0x4300;
	[sflag:s2] =	ssyncset.done @!p1 $0x0  }
0x62: {  	s13 =	simm.s32 @!p1 $0x80;
	[sflag:s2] =	ssyncadd.s32 @!p1 $0xFFFFE000;
	s2 =	simm.s32 @!p1 $0x180  }
0x63: {  	[spmem:s3] =	stream.indirect.scatter.add.f32 @!p1 [tilespmem:s4], [sflag:$0x8], $0x80, s2, s13, $0xb8;
	[tilespmem:$0x1FF00] =	vst v63  }
0x64: {  	s2 =	simm.s32 @!p1 $0x8  }
0x65: {  	_ =	swait.ge @!p1 [sflag:s2], $0x4000  }
0x66: {  	[sflag:s2] =	ssyncset.done @!p1 $0x0  }
0x67: {  	[sflag:s2] =	ssyncadd.s32 @!p1 $0xFFFFC000  }
0x68: {  	_ =	swait.ge [sflag:s28], $0x2000  }
0x69: {  	[sflag:s28] =	ssyncset.done $0x0  }
0x6a: {  	[sflag:s28] =	ssyncadd.s32 $0xFFFFE000  }
0x6b: {  	_ =	swait.ge [sflag:s28], $0x2000  }
0x6c: {  	s31 =	simm.s32 $0xC00;
	[sflag:s28] =	ssyncset.done $0x0  }
0x6d: {  	s13 =	smov.u32 s0;
	s2 =	rddreg [dreg:$0xc];
	[sflag:s28] =	ssyncadd.s32 $0xFFFFE000  }
.LBB2_2:
0x6e: {  	[spmem:s3] =	stream.indirect.scatter.add.f32 [tilespmem:s26], [sflag:$0x9], $0x80, s2, s23, $0xb8;
	[tilespmem:$0x1FF00] =	vst v63  }
0x6f: {  	s4 =	smov.u32 s31;
	_ =	swait.ge [sflag:s20], $0x100  }
0x70: {  	p3 =	seq.s32 s4, $0x0;
	[sflag:s20] =	ssyncset.done $0x0  }
0x71: {  	s18 =	simm.s32 @!p3 $0x9;
	[sflag:s20] =	ssyncadd.s32 $0xFFFFFF00  }
0x72: {  	_ =	swait.ge @!p3 [sflag:s18], $0x4000  }
0x73: {  	s9 =	rddreg [dreg:$0x9]  }
0x74: {  	[sflag:s18] =	ssyncset.done @!p3 $0x0;
	s10 =	rddreg [dreg:$0x7]  }
0x75: {  	s11 =	rddreg [dreg:$0x6];
	[sflag:s18] =	ssyncadd.s32 @!p3 $0xFFFFC000  }
0x76: {  	[tilespmem:s10], [sflag:$0x5] =	stream.indirect.gather [hbm4b:s6+s16], $0x80, s19, s16, $0xb8;
	[tilespmem:$0x1FF00] =	vst v63  }
0x77: {  	s18 =	rddreg [dreg:$0x8]  }
0x78: {  	[tilespmem:s9], [sflag:$0x5] =	stream.indirect.gather [hbm4b:s6+s16], $0x80, s18, s16, $0xb8;
	[tilespmem:$0x1FF00] =	vst v63  }
0x79: {  	s18 =	sadd.s32 s4, s11  }
0x7a: {  	[tilespmem:s21], [sflag:$0x3] =	stream.linear.gather [hbm4b:s18+s5], $0x100, $0x38;
	[tilespmem:$0x1FF00] =	vst v63  }
0x7b: {  	_ =	swait.ge [sflag:s22], $0x2000  }
0x7c: {  	[sflag:s22] =	ssyncset.done $0x0  }
0x7d: {  	[sflag:s22] =	ssyncadd.s32 $0xFFFFE000  }
0x7e: {  	_ =	swait.ge [sflag:s22], $0x2000  }
0x7f: {  	[sflag:s22] =	ssyncset.done $0x0  }
0x80: {  	[sflag:s22] =	ssyncadd.s32 $0xFFFFE000  }
0x81: {  	[spmem:s3] =	stream.indirect.scatter.add.f32 [tilespmem:s17], [sflag:$0x7], $0x80, s23, s23, $0xb8;
	[tilespmem:$0x1FF00] =	vst v63  }
0x82: {  	_ =	swait.ge [sflag:s24], $0x100  }
0x83: {  	[sflag:s24] =	ssyncset.done $0x0  }
0x84: {  	[sflag:s24] =	ssyncadd.s32 $0xFFFFFF00  }
0x85: {  	_ =	swait.ge [sflag:s25], $0x4000  }
0x86: {  	p2 =	sne.s32 s31, $0x12C00;
	[sflag:s25] =	ssyncset.done $0x0  }
0x87: {  	s13 =	sadd.s32 $0x6000, s13;
	s10 =	rddreg [dreg:$0xb];
	[sflag:s25] =	ssyncadd.s32 $0xFFFFC000  }
0x88: {  	[tilespmem:s26], [sflag:$0x6] =	stream.indirect.gather [hbm4b:s6+s16], $0x80, s21, s16, $0xb8;
	[tilespmem:$0x1FF00] =	vst v63  }
0x89: {  	s2 =	sshrl.u32 @p2 s13, $0x3;
	s18 =	rddreg [dreg:$0xa]  }
0x8a: {  	[tilespmem:s10], [sflag:$0x6] =	stream.indirect.gather [hbm4b:s6+s16], $0x80, s18, s16, $0xb8;
	[tilespmem:$0x1FF00] =	vst v63  }
0x8b: {  	s2 =	sadd.s32 @p2 s1, s2;
	s11 =	simm.s32 @p2 $0x0;
	s9 =	simm.s32 @p2 $0x5  }
0x8c: {  	[tilespmem:s11], [sflag:$0x1] =	stream.linear.gather @p2 [hbm4b:s2+s11], $0x100, $0x38;
	[tilespmem:$0x1FF00] =	vst v63  }
0x8d: {  	_ =	swait.ge @p2 [sflag:s9], $0x2000  }
0x8e: {  	[sflag:s9] =	ssyncset.done @p2 $0x0  }
0x8f: {  	[sflag:s9] =	ssyncadd.s32 @p2 $0xFFFFE000  }
0x90: {  	_ =	swait.ge @p2 [sflag:s9], $0x2000  }
0x91: {  	s10 =	simm.s32 @p2 $0x80;
	s18 =	simm.s32 @p2 $0x180;
	[sflag:s9] =	ssyncset.done @p2 $0x0  }
0x92: {  	s2 =	simm.s32 @p2 $0x4300;
	[sflag:s9] =	ssyncadd.s32 @p2 $0xFFFFE000;
	s9 =	simm.s32 @p2 $0x1  }
0x93: {  	[spmem:s3] =	stream.indirect.scatter.add.f32 @p2 [tilespmem:s2], [sflag:$0x8], $0x80, s18, s10, $0xb8;
	[tilespmem:$0x1FF00] =	vst v63  }
0x94: {  	_ =	swait.ge @p2 [sflag:s9], $0x100  }
0x95: {  	[sflag:s9] =	ssyncset.done @p2 $0x0  }
0x96: {  	s2 =	simm.s32 @p2 $0x8;
	[sflag:s9] =	ssyncadd.s32 @p2 $0xFFFFFF00  }
0x97: {  	_ =	swait.ge @p2 [sflag:s2], $0x4000  }
0x98: {  	[sflag:s2] =	ssyncset.done @p2 $0x0  }
0x99: {  	s9 =	simm.s32 @p2 $0x300;
	[sflag:s2] =	ssyncadd.s32 @p2 $0xFFFFC000;
	s2 =	simm.s32 @p2 $0x40  }
0x9a: {  	[tilespmem:s9], [sflag:$0x4] =	stream.indirect.gather @p2 [hbm4b:s6+s2], $0x80, s11, s2, $0xb8;
	[tilespmem:$0x1FF00] =	vst v63  }
0x9b: {  	s10 =	rddreg [dreg:$0x5];
	s9 =	simm.s32 @p2 $0x2300  }
0x9c: {  	[tilespmem:s9], [sflag:$0x4] =	stream.indirect.gather @p2 [hbm4b:s6+s2], $0x80, s2, s2, $0xb8;
	[tilespmem:$0x1FF00] =	vst v63  }
0x9d: {  	s18 =	simm.s32 @p2 $0x100;
	s2 =	sadd.s32 @p2 s4, s10;
	s4 =	simm.s32 @!p2 $0x5  }
0x9e: {  	[tilespmem:s18], [sflag:$0x2] =	stream.linear.gather @p2 [hbm4b:s2+s11], $0x100, $0x38;
	[tilespmem:$0x1FF00] =	vst v63  }
0x9f: {  	_ =	swait.ge @!p2 [sflag:s4], $0x2000  }
0xa0: {  	[sflag:s4] =	ssyncset.done @!p2 $0x0  }
0xa1: {  	[sflag:s4] =	ssyncadd.s32 @!p2 $0xFFFFE000  }
0xa2: {  	_ =	swait.ge @!p2 [sflag:s4], $0x2000  }
0xa3: {  	s9 =	simm.s32 @!p2 $0x80;
	s10 =	simm.s32 @!p2 $0x180;
	[sflag:s4] =	ssyncset.done @!p2 $0x0  }
0xa4: {  	s2 =	simm.s32 @!p2 $0x4300;
	[sflag:s4] =	ssyncadd.s32 @!p2 $0xFFFFE000;
	s4 =	simm.s32 @!p2 $0x8  }
0xa5: {  	[spmem:s3] =	stream.indirect.scatter.add.f32 @!p2 [tilespmem:s2], [sflag:$0x8], $0x80, s10, s9, $0xb8;
	[tilespmem:$0x1FF00] =	vst v63  }
0xa6: {  	_ =	swait.ge @!p2 [sflag:s4], $0x4000  }
0xa7: {  	[sflag:s4] =	ssyncset.done @!p2 $0x0  }
0xa8: {  	s31 =	sadd.s32 $0xC00, s31;
	[sflag:s4] =	ssyncadd.s32 @!p2 $0xFFFFC000  }
0xa9: {  	p1 =	sne.s32 s31, $0x13800;
	_ =	swait.ge [sflag:s28], $0x2000  }
.Ltmp0:
0xaa: {  	[sflag:s28] =	ssyncset.done $0x0;
	(pc) =	sbr.rel @p1 .LBB2_2-.Ltmp0, $4  }
0xab: {  	[sflag:s28] =	ssyncadd.s32 $0xFFFFE000  }
0xac: {  	_ =	swait.ge [sflag:s28], $0x2000  }
0xad: {  	[sflag:s28] =	ssyncset.done $0x0  }
0xae: {  	s2 =	rddreg [dreg:$0xc];
	[sflag:s28] =	ssyncadd.s32 $0xFFFFE000  }
0xaf: {  	[spmem:s3] =	stream.indirect.scatter.add.f32 [tilespmem:s26], [sflag:$0x9], $0x80, s2, s23, $0xb8;
	[tilespmem:$0x1FF00] =	vst v63  }
0xb0: {  	_ =	swait.ge [sflag:s29], $0x4000  }
0xb1: {  	[sflag:s29] =	ssyncset.done $0x0  }
0xb2: {  	s2 =	simm.s32 @!p0 $0x0;
	s4 =	rddreg [dreg:$0xe];
	[sflag:s29] =	ssyncadd.s32 $0xFFFFC000  }
0xb3: {  	[tilespmem:s2], [sflag:$0xA] =	stream.linear.gather @!p0 [hbm4b:s4+s2], $0x100, $0x38;
	[tilespmem:$0x1FF00] =	vst v63  }
0xb4: {  	s4 =	simm.s32 @!p0 $0xA  }
0xb5: {  	_ =	swait.ge @!p0 [sflag:s4], $0x100  }
0xb6: {  	[sflag:s4] =	ssyncset.done @!p0 $0x0  }
0xb7: {  	s9 =	simm.s32 @!p0 $0x300;
	[sflag:s4] =	ssyncadd.s32 @!p0 $0xFFFFFF00;
	s4 =	simm.s32 @!p0 $0x40  }
0xb8: {  	[tilespmem:s9], [sflag:$0x4] =	stream.indirect.gather @!p0 [hbm4b:s6+s4], $0x80, s2, s4, $0xb8;
	[tilespmem:$0x1FF00] =	vst v63  }
0xb9: {  	s2 =	simm.s32 @!p0 $0x2300  }
0xba: {  	[tilespmem:s2], [sflag:$0x4] =	stream.indirect.gather @!p0 [hbm4b:s6+s4], $0x80, s4, s4, $0xb8;
	[tilespmem:$0x1FF00] =	vst v63  }
0xbb: {  	s2 =	simm.s32 @!p0 $0x4  }
0xbc: {  	_ =	swait.ge @!p0 [sflag:s2], $0x2000  }
0xbd: {  	[sflag:s2] =	ssyncset.done @!p0 $0x0  }
0xbe: {  	[sflag:s2] =	ssyncadd.s32 @!p0 $0xFFFFE000  }
0xbf: {  	_ =	swait.ge @!p0 [sflag:s2], $0x2000  }
0xc0: {  	[sflag:s2] =	ssyncset.done @!p0 $0x0  }
0xc1: {  	[sflag:s2] =	ssyncadd.s32 @!p0 $0xFFFFE000;
	s2 =	simm.s32 @!p0 $0x80  }
0xc2: {  	[spmem:s3] =	stream.indirect.scatter.add.f32 @!p0 [tilespmem:s9], [sflag:$0x7], $0x80, s2, s2, $0xb8;
	[tilespmem:$0x1FF00] =	vst v63  }
0xc3: {  	s2 =	simm.s32 @!p0 $0x7  }
0xc4: {  	_ =	swait.ge @!p0 [sflag:s2], $0x4000  }
0xc5: {  	[sflag:s2] =	ssyncset.done @!p0 $0x0  }
0xc6: {  	s30 =	sadd.s32 $0x1, s30;
	[sflag:s2] =	ssyncadd.s32 @!p0 $0xFFFFC000  }
0xc7: {  	p1 =	sne.s32 s30, s12;
	[bflag:$0x0] =	sbarrier.arrive $0xFFFF  }
.Ltmp1:
0xc8: {  	s31 =	rddreg [dreg:$0xf];
	(pc) =	sbr.rel @p1 .LBB2_1-.Ltmp1, $4  }
0xc9: {  	[hbm:s31], [sflag:s7] =	dma.local [spmem:s14], $0x2780  }
0xca: {  	_ =	swait.ge [sflag:s15], $0x2780  }
0xcb: {  	[sflag:s15] =	ssyncset.done $0x0  }
0xcc: {  	[sflag:s15] =	ssyncadd.s32 $0xFFFFD880  }
0xcd: {  	_ =	sfence.sel $0x180000  }
0xce: {  	[bflag:$0x0] =	sbarrier.arrive $0xFFFF  }
0xcf: {  	_ =	strace $0x9000004D  }
0xd0: {  	s0 =	stileid.u32;
	[bflag:$0x2] =	sbarrier.arrive $0xFFFF  }
0xd1: {  	p0 =	sne.s32 s0, $0x0;
	s0 =	rddreg [dreg:$0x4]  }
0xd2: {  	s0 =	sadd.s32 @!p0 $0x100000, s0  }
0xd3: {  	[sflag:s0] =	ssyncadd.tile.s32 @!p0 $0x1;
	_ =	shalt  }
.Lfunc_end2:
_tile_overlayer_lowered:
.L_overlay_start_2:
0xd4: {  	(tag) =	ssettag $0x2  }
0xd5: {  	s0 =	rddreg [dreg:$0x0];
	s2 =	stileid.u32  }
0xd6: {  	s1 =	rddreg [dreg:$0x1];
	p0 =	sne.s32 s2, $0x0  }
0xd7: {  	s3 =	rddreg [dreg:$0x2];
	[bflag:$0x3] =	sbarrier.arrive $0xFFFF;
	s2 =	simm.s32 @!p0 $0x1C0A  }
0xd8: {  	[timem:s3], [sflag:s2] =	dma.local @!p0 [hbm:s0], s1  }
0xd9: {  	s0 =	simm.s32 @!p0 $0xA  }
0xda: {  	_ =	swait.ge @!p0 [sflag:s0], s1  }
0xdb: {  	s1 =	ssub.s32 @!p0 $0x0, s1;
	[sflag:s0] =	ssyncset.done @!p0 $0x0  }
0xdc: {  	[sflag:s0] =	ssyncadd.s32 @!p0 s1  }
0xdd: {  	[bflag:$0x3] =	sbarrier.arrive $0xFFFF  }
0xde: {  	_ =	shalt  }

// kernel: kernel.8.cloned.1.call-start
scs
__scs_entry_jumppad:
0x0: {  	(pc) =	sbr.rel $0x88, $3  }
0x1: {  	(tag) =	ssettag $0x0;
	lr =	simm.s32 $0x1  }
0x2: {  	[smem:$0x3F99] =	sst lr;
	_ =	strace $0xD0000000  }
0x3: {  	_ = 	snop  }
0x4: {  	_ = 	snop  }
0x5: {  	_ = 	snop  }
0x6: {  	_ = 	snop  }
0x7: {  	_ = 	snop  }
__scs_overlays_trampoline_lowered:
0x8: {  	[smem:$0x3FA8] =	sst s0  }
0x9: {  	[smem:$0x3FA9] =	sst s1  }
0xa: {  	[smem:$0x3FAA] =	sst s2  }
0xb: {  	[smem:$0x3FAB] =	sst s3  }
0xc: {  	[smem:$0x3FAC] =	sst s4  }
0xd: {  	[smem:$0x3FAD] =	sst s5  }
0xe: {  	[smem:$0x3FAE] =	sst s6  }
0xf: {  	[smem:$0x3FAF] =	sst s7  }
0x10: {  	[smem:$0x3FB0] =	sst s8  }
0x11: {  	[smem:$0x3FB1] =	sst s9;
	s0 =	simm.s32 @!p0 $0x0  }
0x12: {  	s1 =	sld [smem:$0x3F97];
	s0 =	simm.s32 @p0 $0x1  }
0x13: {  	[smem:$0x3FB2] =	sst s0;
	s0 =	simm.s32 @!p1 $0x0  }
0x14: {  	s2 =	sld [smem:$0x3F96];
	s0 =	simm.s32 @p1 $0x1  }
0x15: {  	[smem:$0x3FB3] =	sst s0;
	s0 =	simm.s32 @!p2 $0x0  }
0x16: {  	s3 =	sld [smem:$0x3FDB];
	s0 =	simm.s32 @p2 $0x1  }
0x17: {  	s4 =	simm.s32 $0x1BF5;
	[smem:$0x3FB5] =	sst s0  }
0x18: {  	s0 =	sld [smem:$0x3F98];
	_ =	swait.ge [sflag:s4], $0x0  }
0x19: {  	s7 =	sld [smem:$0x3F99]  }
0x1a: {  	s8 =	sadd.s32 $0xFFFFE003, lr  }
0x1b: {  	s9 =	sadd.s32 $0xFFFFFEF7, lr;
	s5 =	simm.s32 $0xFFFFFFFF;
	p2 =	slt.u32 s8, $0xFFFFF086  }
0x1c: {  	p1 =	slt.u32 s9, $0xF7A;
	s5 =	simm.s32 @!p2 $0x0  }
0x1d: {  	s5 =	simm.s32 @p1 $0x1;
	p0 =	seq.s32 s7, s2  }
0x1e: {  	s7 =	smul.u32 @!p0 $0xF7A, s2;
	p2 =	seq.s32 @!p0 s5, $0x0  }
0x1f: {  	s9 =	smul.u32 $0xF7A, s1;
	s8 =	simm.s32 @!p0 $0x1BF5;
	p2 =	por !p2, p0  }
0x20: {  	[sflag:s8] =	ssyncset.s32 @!p0 $0xFFFFF086;
	s6 =	sadd.s32 @!p0 s3, s7;
	s7 =	simm.s32 @!p0 $0x108  }
0x21: {  	s3 =	sadd.s32 s3, s9;
	s6 =	sadd.s32 @!p0 $0x88, s6;
	s7 =	simm.s32 @p2 $0x1082  }
0x22: {  	[simem:s7], [sflag:s8] =	dma.local @!p0 [hbm:s6], $0xF7A  }
0x23: {  	s9 =	sor.u32 $0xD0000000, s2;
	s6 =	simm.s32 $0x108;
	_ =	swait.ge @!p0 [sflag:s8], $0x0  }
0x24: {  	s3 =	sadd.s32 $0x88, s3;
	s6 =	simm.s32 @!p1 $0x1082;
	[sflag:s4] =	ssyncset.s32 $0xFFFFF086  }
0x25: {  	[simem:s6], [sflag:s4] =	dma.local [hbm:s3], $0xF7A  }
0x26: {  	[smem:$0x3F99] =	sst s1;
	(tag) =	ssettag s2;
	_ =	strace s9  }
0x27: {  	s1 =	sld [smem:$0x3FA9]  }
0x28: {  	s2 =	sld [smem:$0x3FAA]  }
0x29: {  	s4 =	sld [smem:$0x3FAC]  }
0x2a: {  	p0 =	seq.s32 s5, $0x0;
	s5 =	sld [smem:$0x3FAD]  }
0x2b: {  	s6 =	sld [smem:$0x3FAE]  }
0x2c: {  	s7 =	sld [smem:$0x3FAF]  }
0x2d: {  	s3 =	simm.s32 $0x108;
	s8 =	sld [smem:$0x3FB0]  }
0x2e: {  	s3 =	simm.s32 @!p0 $0x1082;
	s9 =	sld [smem:$0x3FB1]  }
0x2f: {  	lr =	sadd.s32 s0, s3;
	s0 =	sld [smem:$0x3FA8]  }
0x30: {  	s3 =	sld [smem:$0x3FAB]  }
0x31: {  	[smem:$0x3FB4] =	sst s10  }
0x32: {  	s10 =	sld [smem:$0x3FB2];
	_ =	sdelay $0x3  }
0x33: {  	p0 =	seq.s32 s10, $0x1;
	s10 =	sld [smem:$0x3FB4];
	_ =	sdelay $0x3  }
0x34: {  	[smem:$0x3FB4] =	sst s10  }
0x35: {  	s10 =	sld [smem:$0x3FB3];
	_ =	sdelay $0x3  }
0x36: {  	p1 =	seq.s32 s10, $0x1;
	s10 =	sld [smem:$0x3FB4];
	_ =	sdelay $0x3  }
0x37: {  	[smem:$0x3FB4] =	sst s10  }
0x38: {  	s10 =	sld [smem:$0x3FB5]  }
0x39: {  	_ = 	snop;
	(pc) =	sbr.ind lr, $3  }
0x3a: {  	_ = 	snop  }
0x3b: {  	_ = 	snop  }
0x3c: {  	p2 =	seq.s32 s10, $0x1;
	s10 =	sld [smem:$0x3FB4]  }
0x3d: {  	_ =	shalt  }
0x3e: {  	_ =	shalt  }
0x3f: {  	_ =	shalt  }
0x40: {  	_ =	shalt  }
0x41: {  	_ =	shalt  }
0x42: {  	_ =	shalt  }
0x43: {  	_ =	shalt  }
0x44: {  	_ =	shalt  }
0x45: {  	_ =	shalt  }
0x46: {  	_ =	shalt  }
0x47: {  	_ =	shalt  }
0x48: {  	_ =	shalt  }
0x49: {  	_ =	shalt  }
0x4a: {  	_ =	shalt  }
0x4b: {  	_ =	shalt  }
0x4c: {  	_ =	shalt  }
0x4d: {  	_ =	shalt  }
0x4e: {  	_ =	shalt  }
0x4f: {  	_ =	shalt  }
0x50: {  	_ =	shalt  }
0x51: {  	_ =	shalt  }
0x52: {  	_ =	shalt  }
0x53: {  	_ =	shalt  }
0x54: {  	_ =	shalt  }
0x55: {  	_ =	shalt  }
0x56: {  	_ =	shalt  }
0x57: {  	_ =	shalt  }
0x58: {  	_ =	shalt  }
0x59: {  	_ =	shalt  }
0x5a: {  	_ =	shalt  }
0x5b: {  	_ =	shalt  }
0x5c: {  	_ =	shalt  }
0x5d: {  	_ =	shalt  }
0x5e: {  	_ =	shalt  }
0x5f: {  	_ =	shalt  }
0x60: {  	_ =	shalt  }
0x61: {  	_ =	shalt  }
0x62: {  	_ =	shalt  }
0x63: {  	_ =	shalt  }
0x64: {  	_ =	shalt  }
0x65: {  	_ =	shalt  }
0x66: {  	_ =	shalt  }
0x67: {  	_ =	shalt  }
0x68: {  	_ =	shalt  }
0x69: {  	_ =	shalt  }
0x6a: {  	_ =	shalt  }
0x6b: {  	_ =	shalt  }
0x6c: {  	_ =	shalt  }
0x6d: {  	_ =	shalt  }
0x6e: {  	_ =	shalt  }
0x6f: {  	_ =	shalt  }
0x70: {  	_ =	shalt  }
0x71: {  	_ =	shalt  }
0x72: {  	_ =	shalt  }
0x73: {  	_ =	shalt  }
0x74: {  	_ =	shalt  }
0x75: {  	_ =	shalt  }
0x76: {  	_ =	shalt  }
0x77: {  	_ =	shalt  }
0x78: {  	_ =	shalt  }
0x79: {  	_ =	shalt  }
0x7a: {  	_ =	shalt  }
0x7b: {  	_ =	shalt  }
0x7c: {  	_ =	shalt  }
0x7d: {  	_ =	shalt  }
0x7e: {  	_ =	shalt  }
0x7f: {  	_ =	shalt  }
0x80: {  	_ =	shalt  }
0x81: {  	_ =	shalt  }
0x82: {  	_ =	shalt  }
0x83: {  	_ =	shalt  }
0x84: {  	_ =	shalt  }
0x85: {  	_ =	shalt  }
0x86: {  	_ =	shalt  }
0x87: {  	_ =	shalt  }
.Lfunc_end0:
.L_simem_size_0:
called_computation_lowered:
.L_overlay_start_0:
0x88: {  	s2 =	sld [smem:$0x3FD9]  }
0x89: {  	s3 =	sld [smem:$0x3FFE];
	_ =	sdelay $0x1  }
0x8a: {  	s1 =	srdreg.scid  }
0x8b: {  	s0 =	sand.u32 $0x1, s1  }
0x8c: {  	s15 =	sshll.u32 s0, $0xA;
	s2 =	sadd.s32 s3, s2  }
0x8d: {  	s2 =	sadd.s32 s2, s15  }
0x8e: {  	[smem:$0x3FC0] =	sst s2  }
0x8f: {  	_ = 	snop  }
0x90: {  	s2 =	sld [smem:$0x3FD0];
	_ =	sdelay $0x2  }
0x91: {  	s4 =	simm.s32 $0xA;
	s5 =	simm.s32 $0x10;
	s16 =	sld [smem:$0x3FC8]  }
0x92: {  	[smem:s5], [sflag:s4] =	dma.local [hbm:s2], $0x1  }
0x93: {  	_ =	swait.eq [sflag:s4], $0x1  }
0x94: {  	[sflag:s4] =	ssyncset.done $0x0  }
0x95: {  	[sflag:s4] =	ssyncadd.s32 $0xFFFFFFFF  }
0x96: {  	s17 =	sld [smem:$0x11];
	(tm) =	ssettm $0x1  }
0x97: {  	s18 =	sld [smem:$0x3FFB];
	_ =	sdelay $0x3  }
0x98: {  	_ =	strace s18  }
0x99: {  	s4 =	sld [smem:$0x3FFC];
	_ =	sdelay $0x3  }
0x9a: {  	_ =	strace s4  }
0x9b: {  	s4 =	sld [smem:$0x3FFD];
	_ =	sdelay $0x3  }
0x9c: {  	_ =	strace s4  }
0x9d: {  	_ =	strace $0x8FFFFFFF  }
0x9e: {  	s19 =	sld [smem:$0x3FDB];
	_ =	sdelay $0x1  }
0x9f: {  	s20 =	simm.s32 $_scs_section_size  }
0xa0: {  	s6 =	simm.s32 $_size__tile_overlayer_lowered;
	s7 =	simm.s32 $_tile_overlayer_lowered  }
0xa1: {  	s23 =	simm.s32 $0x1BFF;
	s22 =	sshll.u32 s7, $0x1;
	s4 =	sadd.s32 s20, s19  }
0xa2: {  	s8 =	simm.s32 $0x0;
	s21 =	sshll.u32 s6, $0x1;
	s6 =	sadd.s32 s22, s4  }
0xa3: {  	[timem:s8], [sflag:s23] =	dma.local [hbm:s6], s21  }
0xa4: {  	_ =	swait.ge [sflag:s23], s21  }
0xa5: {  	s5 =	ssub.s32 $0x0, s21;
	[sflag:s23] =	ssyncset.done $0x0  }
0xa6: {  	[sflag:s23] =	ssyncadd.s32 s5;
	_ =	sdelay $0x1  }
0xa7: {  	s24 =	simm.s32 $0x1B8B  }
0xa8: {  	_ =	swait.ge [sflag:s24], $0x1  }
0xa9: {  	[sflag:s24] =	ssyncset.done $0x0  }
0xaa: {  	s25 =	simm.s32 $0x1B8E;
	[sflag:s24] =	ssyncadd.s32 $0xFFFFFFFF  }
0xab: {  	s26 =	simm.s32 $execute0_lowered;
	[smem:$0x3FD2] =	sst s25  }
0xac: {  	s5 =	sshll.u32 s26, $0x1;
	_ =	strace $0x80000046;
	[dreg:$0x1] =	wrdreg $0xFFFFFFFF  }
0xad: {  	s28 =	simm.s32 $_size_execute0_lowered;
	s4 =	sadd.s32 s4, s5;
	[dreg:$0x0] =	wrdreg $0x0  }
0xae: {  	s5 =	sshll.u32 s28, $0x1;
	[dreg:$0x2] =	wrdreg s4  }
0xaf: {  	[dreg:$0x3] =	wrdreg s5  }
0xb0: {  	[dreg:$0x4] =	wrdreg $0xC0  }
0xb1: {  	_ =	task [dreg:s8], $0x5FFFF  }
0xb2: {  	[dreg:$0x1] =	wrdreg $0xFFFFFFFF  }
0xb3: {  	[dreg:$0x0] =	wrdreg $0x60  }
0xb4: {  	[dreg:$0x2] =	wrdreg s16  }
0xb5: {  	[dreg:$0x3] =	wrdreg s17  }
0xb6: {  	[dreg:$0x4] =	wrdreg $0x9  }
0xb7: {  	_ =	task.clear_ibuf [dreg:s8], $0x5FFFF;
	_ =	strace $0x90000046  }
0xb8: {  	s29 =	simm.s32 $0x9;
	_ =	strace $0x80000048  }
0xb9: {  	_ =	swait.ge [sflag:s29], $0x1  }
0xba: {  	[sflag:s29] =	ssyncadd.s32 $0xFFFFFFFF  }
0xbb: {  	_ =	strace $0x90000048  }
0xbc: {  	_ =	sfence  }
0xbd: {  	s30 =	sld [smem:$0x0];
	_ =	sdelay $0x2  }
0xbe: {  	s31 =	sshll.u32 s1, $0xD;
	s1 =	sshrl.u32 s1, $0x2  }
0xbf: {  	s3 =	sand.u32 $0x4000, s31;
	s1 =	sadd.s32 s1, s30  }
0xc0: {  	s0 =	sor.u32 s3, s0;
	s1 =	sshll.u32 s1, $0x11  }
0xc1: {  	s0 =	sor.u32 s1, s0  }
0xc2: {  	s0 =	sadd.s32 $0x8F2B, s0  }
0xc3: {  	[sflag:s0] =	ssyncadd.remote.s32 $0x1  }
0xc4: {  	_ =	sfence.sel $0xFFFF  }
0xc5: {  	[dreg:$0x0] =	wrdreg $0xFFFFFFFF;
	(pc) =	sbr.abs _section_cstart, $3  }
0xc6: {  	[dreg:$0x1] =	wrdreg $0xFFFFFFFF  }
0xc7: {  	_ =	task.clear_ibuf [dreg:s8], $0x2FFFF;
	_ =	strace $0x9FFFFFFF  }
0xc8: {  	(tm) =	ssettm $0x7FFFFFFF  }
0xc9: {  	_ =	shalt  }
tec
execute0_lowered:
.L_overlay_start_1:
0x0: {  	(tag) =	ssettag $0x1  }
0x1: {  	s3 =	rddreg [dreg:$0x0]  }
0x2: {  	s5 =	rddreg [dreg:$0x1]  }
0x3: {  	s1 =	srdreg.scid;
	s0 =	rddreg [dreg:$0x2];
	s2 =	simm.s32 $0x0  }
0x4: {  	s4 =	sand.u32 $0x1, s1;
	s1 =	stileid.u32;
	[smem:$0x7FF] =	sst s2  }
0x5: {  	s6 =	sshll.u32 s4, $0x4;
	s4 =	ssub.s32 $0x2, s4;
	s8 =	sshll.u32 s1, $0x5  }
0x6: {  	_ =	strace $0x80000047;
	s9 =	sor.u32 s1, s6;
	s29 =	sshrl.u32 s4, $0x1  }
0x7: {  	s30 =	sadd.s32 s8, s3;
	s8 =	simm.s32 $0x4E00;
	s7 =	smul.u32 $0x9C0, s9  }
0x8: {  	s6 =	ssub.s32 s4, s29;
	s31 =	smul.u32 $0x4E2, s9;
	s4 =	sadd.s32 $0x13800, s30  }
0x9: {  	p0 =	sgt.u32 s9, $0x3;
	s9 =	simm.s32 $0x0;
	s6 =	smax.u32 s6, $0x1  }
0xa: {  	v0 =	vimm.f32 $0.0e+00;
	v1 =	vimm.f32 $1.000000000e+00;
	s3 =	sadd.s32 s3, s7;
	s5 =	sadd.s32 s5, s31;
	s7 =	simm.s32 $0x1  }
.LBB2_1:
0xb: {  	s10 =	simm.s32 $0x40;
	s11 =	simm.s32 $0x0  }
.LBB2_2:
0xc: {  	p1 =	sne.s32 s10, $0x9C00;
	[tilespmem:s11+$0x4E00] =	vst v0;
	s11 =	smov.u32 s10;
	s10 =	sadd.s32 $0x40, s10  }
.Ltmp0:
0xd: {  	(pc) =	sbr.rel @p1 .LBB2_2-.Ltmp0, $2  }
0xe: {  	_ =	sdelay $0x2  }
0xf: {  	s11 =	sshra.s32 s11, $0x2  }
0x10: {  	[tilespmem:s11+$0x4E00] =	vst v0;
	s10 =	simm.s32 $0x0  }
0x11: {  	[tilespmem:s10], [sflag:$0x1] =	stream.linear.gather [hbm4b:s3+s10], $0x4E00, $0x38;
	[tilespmem:$0x7580] =	vst v63  }
0x12: {  	_ =	swait.ge [sflag:s7], $0x4E00  }
0x13: {  	s31 =	sand.u32 $0x70, s10;
	s10 =	sand.u32 $0x7F00, s10;
	[sflag:s7] =	ssyncset.done $0x0  }
0x14: {  	s11 =	sor.u32 s31, s10;
	[sflag:s7] =	ssyncadd.s32 $0xFFFFB200  }
0x15: {  	v2 =	vld [tilespmem:s11+$0x80];
	_ =	sdelay $0x5  }
0x16: {  	s12 =	simm.s32 $0x10;
	s10 =	simm.s32 $0x20  }
0x17: {  	s12 =	sand.u32 $0x70, s12;
	s13 =	sand.u32 $0x7F00, s10;
	s11 =	simm.s32 $0x20  }
.LBB2_4:
0x18: {  	p1 =	sne.s32 s11, $0x26F0;
	s12 =	sor.u32 s12, s13;
	[tilespmem:v2+s8+$0x0] =	vst.idx.add.f32.msk $0xffff, v1  }
0x19: {  	v2 =	vld [tilespmem:s12+$0x80];
	_ =	sdelay $0x2  }
.Ltmp1:
0x1a: {  	(pc) =	sbr.rel @p1 .LBB2_4-.Ltmp1, $3  }
0x1b: {  	_ =	sdelay $0x1  }
0x1c: {  	s10 =	sadd.s32 $0x20, s10  }
0x1d: {  	s12 =	sand.u32 $0x70, s11;
	s13 =	sand.u32 $0x7F00, s10;
	s11 =	sadd.s32 $0x10, s11  }
0x1e: {  	_ =	sdelay $0x3  }
0x1f: {  	s10 =	sor.u32 s12, s13;
	[tilespmem:v2+s8+$0x0] =	vst.idx.add.f32.msk $0xffff, v1  }
0x20: {  	v2 =	vld [tilespmem:s10+$0x80];
	_ =	sdelay $0x7  }
0x21: {  	s10 =	simm.s32 @!p0 $0x0;
	[tilespmem:v2+s8+$0x0] =	vst.idx.add.f32.msk $0xffff, v1  }
0x22: {  	[tilespmem:s10], [sflag:$0x1] =	stream.linear.gather @!p0 [hbm4b:s4+s10], $0x100, $0x38;
	[tilespmem:$0x7580] =	vst v63  }
0x23: {  	s10 =	simm.s32 @!p0 $0x1  }
0x24: {  	_ =	swait.ge @!p0 [sflag:s10], $0x100  }
0x25: {  	[sflag:s10] =	ssyncset.done @!p0 $0x0  }
0x26: {  	[sflag:s10] =	ssyncadd.s32 @!p0 $0xFFFFFF00  }
0x27: {  	v2 =	vld @!p0 [tilespmem:$0x80];
	_ =	sdelay $0x6  }
0x28: {  	v3 =	vimm.f32 @!p0 $1.000000000e+00;
	s10 =	simm.s32 @!p0 $0x4E00  }
0x29: {  	[tilespmem:v2+s10+$0x0] =	vst.idx.add.f32.msk @!p0 $0xffff, v3  }
0x2a: {  	v2 =	vld @!p0 [tilespmem:$0x90];
	_ =	sdelay $0x7  }
0x2b: {  	[tilespmem:v2+s10+$0x0] =	vst.idx.add.f32.msk @!p0 $0xffff, v3  }
0x2c: {  	v2 =	vld @!p0 [tilespmem:$0xA0];
	_ =	sdelay $0x7  }
0x2d: {  	[tilespmem:v2+s10+$0x0] =	vst.idx.add.f32.msk @!p0 $0xffff, v3  }
0x2e: {  	v2 =	vld @!p0 [tilespmem:$0xB0];
	_ =	sdelay $0x7  }
0x2f: {  	[tilespmem:v2+s10+$0x0] =	vst.idx.add.f32.msk @!p0 $0xffff, v3  }
0x30: {  	v2 =	vld @!p0 [tilespmem:$0xC0];
	_ =	sdelay $0x7  }
0x31: {  	[tilespmem:v2+s10+$0x0] =	vst.idx.add.f32.msk @!p0 $0xffff, v3  }
0x32: {  	v2 =	vld @!p0 [tilespmem:$0xD0];
	_ =	sdelay $0x7  }
0x33: {  	[tilespmem:v2+s10+$0x0] =	vst.idx.add.f32.msk @!p0 $0xffff, v3  }
0x34: {  	v2 =	vld @!p0 [tilespmem:$0xE0];
	_ =	sdelay $0x7  }
0x35: {  	[tilespmem:v2+s10+$0x0] =	vst.idx.add.f32.msk @!p0 $0xffff, v3  }
0x36: {  	v2 =	vld @!p0 [tilespmem:$0xF0];
	_ =	sdelay $0x5  }
0x37: {  	s9 =	sadd.s32 $0x1, s9  }
0x38: {  	p1 =	sne.s32 s9, s6  }
.Ltmp2:
0x39: {  	[tilespmem:v2+s10+$0x0] =	vst.idx.add.f32.msk @!p0 $0xffff, v3;
	(pc) =	sbr.rel @p1 .LBB2_1-.Ltmp2, $4  }
0x3a: {  	[hbm4b:s5+s2] =	stream.linear.scatter [tilespmem:s8], [sflag:$0x1], $0x2710, $0x38;
	[tilespmem:$0x7580] =	vst v63  }
0x3b: {  	_ =	swait.ge [sflag:s7], $0x2710  }
0x3c: {  	[sflag:s7] =	ssyncset.done $0x0  }
0x3d: {  	[sflag:s7] =	ssyncadd.s32 $0xFFFFD8F0  }
0x3e: {  	_ =	sfence.sel $0x180000  }
0x3f: {  	[bflag:$0x0] =	sbarrier.arrive $0xFFFF  }
0x40: {  	p0 =	sne.s32 s1, $0x0;
	_ =	strace $0x90000047  }
0x41: {  	s0 =	sadd.s32 @!p0 $0x100000, s0;
	[bflag:$0x2] =	sbarrier.arrive $0xFFFF  }
0x42: {  	[sflag:s0] =	ssyncadd.tile.s32 @!p0 $0x1;
	_ =	shalt  }
.Lfunc_end2:
_tile_overlayer_lowered:
.L_overlay_start_2:
0x43: {  	(tag) =	ssettag $0x2  }
0x44: {  	s0 =	rddreg [dreg:$0x0];
	s2 =	stileid.u32  }
0x45: {  	s1 =	rddreg [dreg:$0x1];
	p0 =	sne.s32 s2, $0x0  }
0x46: {  	s3 =	rddreg [dreg:$0x2];
	[bflag:$0x3] =	sbarrier.arrive $0xFFFF;
	s2 =	simm.s32 @!p0 $0x1C01  }
0x47: {  	[timem:s3], [sflag:s2] =	dma.local @!p0 [hbm:s0], s1  }
0x48: {  	s0 =	simm.s32 @!p0 $0x1  }
0x49: {  	_ =	swait.ge @!p0 [sflag:s0], s1  }
0x4a: {  	s1 =	ssub.s32 @!p0 $0x0, s1;
	[sflag:s0] =	ssyncset.done @!p0 $0x0  }
0x4b: {  	[sflag:s0] =	ssyncadd.s32 @!p0 s1  }
0x4c: {  	[bflag:$0x3] =	sbarrier.arrive $0xFFFF  }
0x4d: {  	_ =	shalt  }

</sc_bundles>
